<compile_context>
chip_gen: v7x
topology: tpu7x:2x2x1
jax: 0.10.2.dev20260603
libtpu: 0.0.44.dev20260713+nightly
codegen_flags: <defaults>
</compile_context>

<pallas_src>
import functools

import jax
import jax.numpy as jnp
from jax import lax
from jax.experimental import pallas as pl
from jax.experimental.pallas import tpu as pltpu
from jax.experimental.pallas import tpu_sc as plsc

_B, _N, _P, _C = 16, 4096, 1024, 128
_S = 33
_OUTC = _C + 2
_R2 = 0.2 * 0.2
_NSLOTS = _P * _S
_HSLOTS = 512 * _S


def _rsqrt(x, iters=3):
    i = lax.bitcast_convert_type(x, jnp.int32)
    i = jnp.int32(0x5F3759DF) - lax.shift_right_logical(i, 1)
    y = lax.bitcast_convert_type(i, jnp.float32)
    for _ in range(iters):
        y = y * (jnp.float32(1.5) - jnp.float32(0.5) * x * y * y)
    return y


def _acos(x):
    ax = jnp.abs(x)
    w = jnp.float32(1.0) - ax
    sw = w * _rsqrt(w)
    p = jnp.float32(-0.0012624911)
    for c in (0.0066700901, -0.0170881256, 0.0308918810, -0.0501743046,
              0.0889789874, -0.2145988016, 1.5707963050):
        p = p * ax + jnp.float32(c)
    t = sw * p
    return jnp.where(x >= jnp.float32(0.0), t, jnp.float32(3.1415927410125732) - t)


@functools.cache
def _build_kernel():
    mesh = plsc.VectorSubcoreMesh(core_axis_name="c", subcore_axis_name="s")

    @functools.partial(
        pl.kernel,
        out_type=(jax.ShapeDtypeStruct((_OUTC * _S, 2, 8, 8, 128), jnp.float32),
                  jax.ShapeDtypeStruct((_B * _P * _S,), jnp.int32)),
        mesh=mesh,
        compiler_params=pltpu.CompilerParams(needs_layout_passes=False),
        scratch_types=[
            pltpu.VMEM((3 * _N,), jnp.float32),
            pltpu.VMEM((3 * 512 + 16,), jnp.float32),
            pltpu.VMEM((512,), jnp.int32),
            pltpu.VMEM((_NSLOTS + 544,), jnp.int32),
            pltpu.VMEM((_S, 8, 128), jnp.float32),
            pltpu.VMEM((_S, 8, 128), jnp.float32),
            pltpu.VMEM((32, 128), jnp.float32),
            pltpu.VMEM((32, 128), jnp.float32),
            pltpu.SemaphoreType.DMA,
            pltpu.SemaphoreType.DMA,
            pltpu.SemaphoreType.DMA,
            pltpu.SemaphoreType.DMA,
        ],
    )
    def fused(xyz_hbm, cent_hbm, fps_hbm, feat_hbm, out_hbm, idx_hbm,
              xyzb, cbuf, fpsb, idxb, buf0, buf1, tab0, tab1,
              sem_in0, sem_in1, sem_out0, sem_out1):
        cid = lax.axis_index("c")
        sid = lax.axis_index("s")
        wid = cid * 16 + sid
        b = wid // 2
        h = wid % 2
        bt = b // 8
        bi = b % 8
        iota = lax.iota(jnp.int32, 16)
        iota33 = iota * _S
        ones16 = jnp.full((16,), 1, jnp.int32)
        r2 = jnp.float32(_R2)

        pltpu.sync_copy(xyz_hbm.at[pl.ds(b * (3 * _N), 3 * _N)], xyzb)
        for k in range(3):
            pltpu.sync_copy(
                cent_hbm.at[pl.ds(b * (3 * _P) + k * _P + h * 512, 512)],
                cbuf.at[pl.ds(k * 512, 512)])
        pltpu.sync_copy(fps_hbm.at[pl.ds(b * _P + h * 512, 512)], fpsb)

        def per_query(q, carry):
            cx = cbuf[pl.ds(q, 16)][0]
            cy = cbuf[pl.ds(512 + q, 16)][0]
            cz = cbuf[pl.ds(1024 + q, 16)][0]
            qv0 = h * _HSLOTS + q * _S
            lim = qv0 + 32

            def scan(lo, hi, cnt):
                @plsc.parallel_loop(lo, hi, unroll=8, carry=cnt)
                def supergroup(i, cnt):
                    base = i * 16
                    xv = xyzb[pl.ds(base, 16)]
                    yv = xyzb[pl.ds(_N + base, 16)]
                    zv = xyzb[pl.ds(2 * _N + base, 16)]
                    dx = xv - cx
                    dy = yv - cy
                    dz = zv - cz
                    d2 = dx * dx + dy * dy + dz * dz
                    m = d2 < r2
                    plsc.store_scatter(idxb,
                                       [cnt + plsc.cumsum(ones16, mask=m)],
                                       iota + base, mask=m)
                    return cnt + plsc.all_reduce_population_count(m)

                return supergroup

            def cond(st):
                g, cnt = st
                return jnp.logical_and(cnt[0] < lim, g < _N // 512)

            def body(st):
                g, cnt = st
                return g + jnp.int32(1), scan(g * 32, (g + 1) * 32, cnt)

            cnt = scan(0, 64, jnp.broadcast_to(qv0, (16,)))
            _, cnt = lax.while_loop(cond, body, (jnp.int32(2), cnt))
            cnt0 = cnt[0] - qv0
            first = jnp.where(cnt0 > 0,
                              idxb[pl.ds(qv0 + 1, 16)][0],
                              jnp.int32(0))
            firstv = jnp.broadcast_to(first, (16,))
            for u in range(2):
                lanes = iota + (u * 16)
                plsc.store_scatter(idxb, [qv0 + 1 + lanes], firstv,
                                   mask=lanes >= cnt0)
            return carry

        lax.fori_loop(0, 512, per_query, jnp.int32(0))

        @plsc.parallel_loop(0, 32)
        def _fps(i):
            fv = fpsb[pl.ds(i * 16, 16)]
            plsc.store_scatter(idxb, [h * _HSLOTS + (iota + i * 16) * _S], fv)

        @plsc.parallel_loop(0, 32)
        def _norm_centers(j):
            cx = cbuf[pl.ds(j * 16, 16)]
            cy = cbuf[pl.ds(512 + j * 16, 16)]
            cz = cbuf[pl.ds(1024 + j * 16, 16)]
            c2 = cx * cx + cy * cy + cz * cz
            n = c2 * _rsqrt(c2)
            r = _rsqrt(n + jnp.float32(1e-6))
            inv = r * r
            cbuf[pl.ds(j * 16, 16)] = cx * inv
            cbuf[pl.ds(512 + j * 16, 16)] = cy * inv
            cbuf[pl.ds(1024 + j * 16, 16)] = cz * inv

        @pl.loop(0, _S)
        def _inv_s(s):
            sbase = (h * 512) * _S + s

            @plsc.parallel_loop(0, 32, unroll=2)
            def _inv_chunk(r):
                pv = iota + r * 16
                n = plsc.load_gather(idxb, [iota33 + (r * 16 * _S + sbase)])
                gx = plsc.load_gather(xyzb, [n])
                gy = plsc.load_gather(xyzb, [n + _N])
                gz = plsc.load_gather(xyzb, [n + 2 * _N])
                cnx = plsc.load_gather(cbuf, [pv])
                cny = plsc.load_gather(cbuf, [pv + 512])
                cnz = plsc.load_gather(cbuf, [pv + 1024])
                s2 = gx * gx + gy * gy + gz * gz + jnp.float32(1e-12)
                rr = _rsqrt(s2)
                cross = (cnx * gx + cny * gy + cnz * gz) * rr
                cross = jnp.minimum(
                    jnp.maximum(cross, jnp.float32(-1 + 1e-6)),
                    jnp.float32(1 - 1e-6))
                pt = h * 4 + r // 8
                po = (r % 8) * 16
                buf0[s, pt, pl.ds(po, 16)] = s2 * rr
                buf1[s, pt, pl.ds(po, 16)] = _acos(cross)

        pltpu.sync_copy(buf0.at[:, pl.ds(h * 4, 4), :],
                        out_hbm.at[pl.ds(0, _S), bt, pl.ds(h * 4, 4), bi, :])
        pltpu.sync_copy(buf1.at[:, pl.ds(h * 4, 4), :],
                        out_hbm.at[pl.ds(_S, _S), bt, pl.ds(h * 4, 4), bi, :])

        base = (b * _P) * _S
        pltpu.sync_copy(idxb.at[pl.ds(h * _HSLOTS, _HSLOTS)],
                        idx_hbm.at[pl.ds(base + h * _HSLOTS, _HSLOTS)])
        plsc.subcore_barrier()
        pltpu.sync_copy(idx_hbm.at[pl.ds(base + (1 - h) * _HSLOTS, _HSLOTS)],
                        idxb.at[pl.ds((1 - h) * _HSLOTS, _HSLOTS)])


        def _gather_channel(tab, buf):
            @pl.loop(0, _S)
            def _g_s(s):
                @plsc.parallel_loop(0, _P // 16, unroll=16)
                def _g(r):
                    n = plsc.load_gather(idxb, [iota33 + (r * 16 * _S + s)])
                    v = plsc.load_gather(
                        tab, [lax.shift_right_logical(n, 7),
                              jnp.bitwise_and(n, jnp.int32(127))])
                    buf[s, r // 8, pl.ds((r % 8) * 16, 16)] = v

        def _start_in(c, tab, sem):
            pltpu.async_copy(feat_hbm.at[b, c // 8, :, c % 8, :], tab, sem)

        def _wait_in(tab, sem):
            pltpu.make_async_copy(feat_hbm.at[0, 0, :, 0, :], tab, sem).wait()

        def _out_slice(c):
            return out_hbm.at[pl.ds((2 + c) * _S, _S), bt, :, bi, :]

        def _wait_out(buf, sem):
            pltpu.make_async_copy(buf, out_hbm.at[pl.ds(0, _S), 0, :, 0, :],
                                  sem).wait()

        def channels(cs, n):
            _start_in(cs, tab0, sem_in0)
            _start_in(cs + 1, tab1, sem_in1)
            _wait_in(tab0, sem_in0)
            _gather_channel(tab0, buf0)
            _start_in(cs + 2, tab0, sem_in0)
            pltpu.async_copy(buf0, _out_slice(cs), sem_out0)
            _wait_in(tab1, sem_in1)
            _gather_channel(tab1, buf1)
            _start_in(cs + 3, tab1, sem_in1)
            pltpu.async_copy(buf1, _out_slice(cs + 1), sem_out1)

            @pl.loop(2, n, step=2)
            def _pair(k):
                nxt0 = jnp.minimum(k + 2, n - 1) + cs
                nxt1 = jnp.minimum(k + 3, n - 1) + cs
                _wait_in(tab0, sem_in0)
                _wait_out(buf0, sem_out0)
                _gather_channel(tab0, buf0)
                _start_in(nxt0, tab0, sem_in0)
                pltpu.async_copy(buf0, _out_slice(cs + k), sem_out0)
                _wait_in(tab1, sem_in1)
                _wait_out(buf1, sem_out1)
                _gather_channel(tab1, buf1)
                _start_in(nxt1, tab1, sem_in1)
                pltpu.async_copy(buf1, _out_slice(cs + k + 1), sem_out1)

            _wait_in(tab0, sem_in0)
            _wait_in(tab1, sem_in1)
            _wait_out(buf0, sem_out0)
            _wait_out(buf1, sem_out1)

        channels(h * (_C // 2), _C // 2)

    return fused


def kernel(xyz, new_xyz, features, fps_idx):
    fused = _build_kernel()
    xyz_t = jnp.transpose(xyz, (0, 2, 1)).reshape(-1)
    cents = jnp.transpose(new_xyz, (0, 2, 1)).reshape(-1)
    feat = jnp.transpose(
        features.reshape(_B, _C // 8, 8, _N // 128, 128), (0, 1, 3, 2, 4))
    out6, _ = fused(xyz_t, cents, fps_idx.reshape(-1), feat)
    out = out6.reshape(_OUTC, _S, 2, 8, 8, 128)
    out = jnp.transpose(out, (2, 4, 0, 3, 5, 1))
    return out.reshape(_B, _OUTC, _P, _S)

# --- scband reference (transcript-rebuilt; emitter-appended) ---
"""Pipeline reference for scband-query-and-group-quat-10574209482756 (READ-ONLY COPY).

The authoritative reference and input builder live on the scoring server;
editing this copy changes nothing except your own understanding.
"""

import jax, jax.numpy as jnp
import numpy as np

RADIUS = 0.2
NSAMPLE = 32
B, N, NPOINT, C = 16, 4096, 1024, 128


def normalize(v, axis):
    n = jnp.sqrt(jnp.sum(v * v, axis=axis, keepdims=True))
    return v / (n + 1e-06)


def calc_invariance(center, relative_vector, axis):
    norm2 = jnp.sqrt(jnp.sum(relative_vector ** 2, axis=axis, keepdims=True) + 1e-12)
    center = normalize(center, axis)
    cross = jnp.sum(center * relative_vector, axis=axis, keepdims=True) / norm2
    angle = jnp.arccos(jnp.clip(cross, -1 + 1e-06, 1 - 1e-06))
    return jnp.concatenate([norm2, angle], axis=axis)


def ball_query(radius, nsample, xyz, new_xyz, fps_idx):
    # xyz: (B,N,3), new_xyz: (B,P,3), fps_idx: (B,P) int32
    # Faithful to CUDA ball_query semantics: scan points in index order, take the
    # first `nsample` within radius; if fewer found, repeat first found (or 0 if none).
    Bn, Nn, _ = xyz.shape
    d2 = jnp.sum((new_xyz[:, :, None, :] - xyz[:, None, :, :]) ** 2, axis=-1)  # (B,P,N)
    mask = d2 < radius * radius
    key = jnp.where(mask, jnp.arange(Nn, dtype=jnp.int32), jnp.int32(Nn))
    neg_vals, idxs = jax.lax.top_k(-key, nsample)  # smallest keys == earliest valid indices
    valid = (-neg_vals) < Nn
    first = jnp.where(valid[..., :1], idxs[..., :1], 0)
    idx = jnp.where(valid, idxs, first).astype(jnp.int32)
    return jnp.concatenate([fps_idx[:, :, None].astype(jnp.int32), idx], axis=2)  # (B,P,nsample+1)


def grouping_operation(features, idx):
    # features: (B,C,N), idx: (B,P,S) -> (B,C,P,S)
    return jax.vmap(lambda f, i: f[:, i])(features, idx)


def setup_inputs(seed: int = 0) -> dict:
    key = jax.random.key(seed)
    k1, k2, k3, k4 = jax.random.split(key, 4)
    xyz = jax.random.uniform(k1, (B, N, 3), dtype=jnp.float32)
    new_xyz = jax.random.uniform(k2, (B, NPOINT, 3), dtype=jnp.float32)
    features = jax.random.normal(k3, (B, C, N), dtype=jnp.float32)
    fps_idx = jax.random.randint(k4, (B, NPOINT), 0, N, dtype=jnp.int32)
    return {"xyz": xyz, "new_xyz": new_xyz, "features": features, "fps_idx": fps_idx}


def reference(xyz, new_xyz, features, fps_idx):
    # QueryAndGroupQuat.forward with use_xyz=True and features provided
    idx = jax.lax.stop_gradient(ball_query(RADIUS, NSAMPLE, xyz, new_xyz, fps_idx))
    xyz_trans = jnp.transpose(xyz, (0, 2, 1))  # (B,3,N)
    grouped_xyz = grouping_operation(xyz_trans, idx)  # (B,3,P,S+1)
    center = jnp.transpose(new_xyz, (0, 2, 1))[..., None]  # (B,3,P,1)
    invariance_feat = calc_invariance(center, grouped_xyz, axis=1)  # (B,2,P,S+1)
    new_features = grouping_operation(features, idx)  # (B,C,P,S+1)
    new_features = jnp.concatenate([invariance_feat, new_features], axis=1)  # (B,2+C,P,S+1)
    return new_features

if __name__ == "__main__":
    import jax
    _d = setup_inputs()
    print(jax.jit(kernel)(*tuple(_d.values())))

</pallas_src>

<mosaic_0001>
#map = affine_map<(d0, d1) -> (0)>
#map1 = affine_map<(d0, d1) -> (0, 0, 0, 0, 0)>
module attributes {stable_mosaic.version = 14 : i64} {
  func.func @fused(%arg0: i32, %arg1: i32, %arg2: memref<196608xf32, #tpu.memory_space<hbm>>, %arg3: memref<49152xf32, #tpu.memory_space<hbm>>, %arg4: memref<16384xi32, #tpu.memory_space<hbm>>, %arg5: memref<16x16x32x8x128xf32, #tpu.memory_space<hbm>>, %arg6: memref<4290x2x8x8x128xf32, #tpu.memory_space<hbm>>, %arg7: memref<540672xi32, #tpu.memory_space<hbm>>, %arg8: memref<12288xf32, #tpu.memory_space<vmem>>, %arg9: memref<1552xf32, #tpu.memory_space<vmem>>, %arg10: memref<512xi32, #tpu.memory_space<vmem>>, %arg11: memref<34336xi32, #tpu.memory_space<vmem>>, %arg12: memref<33x8x128xf32, #tpu.memory_space<vmem>>, %arg13: memref<33x8x128xf32, #tpu.memory_space<vmem>>, %arg14: memref<32x128xf32, #tpu.memory_space<vmem>>, %arg15: memref<32x128xf32, #tpu.memory_space<vmem>>, %arg16: memref<!tpu.dma_semaphore, #tpu.memory_space<semaphore_mem>>, %arg17: memref<!tpu.dma_semaphore, #tpu.memory_space<semaphore_mem>>, %arg18: memref<!tpu.dma_semaphore, #tpu.memory_space<semaphore_mem>>, %arg19: memref<!tpu.dma_semaphore, #tpu.memory_space<semaphore_mem>>) attributes {dimension_semantics = [#tpu.dimension_semantics<core_parallel>, #tpu.dimension_semantics<subcore_parallel>], iteration_bounds = array<i64: 2, 16>, scalar_prefetch = 0 : i64, scratch_operands = 12 : i64, tpu.core_type = #tpu.core_type<sc_vector_subcore>, window_params = [{transform_indices = #map}, {transform_indices = #map}, {transform_indices = #map}, {transform_indices = #map1}, {transform_indices = #map1}, {transform_indices = #map}]} {
    %mul3A = arith.constant 16 : i32
    %mul3A_0 = arith.muli %arg0, %mul3A : i32
    %add3A = arith.addi %mul3A_0, %arg1 : i32
    %jit3A = arith.constant 2 : i32
    %div3A = arith.divsi %add3A, %jit3A : i32
    %sign3A = arith.constant 0 : i32
    %sign3A_1 = arith.cmpi sgt, %add3A, %sign3A : i32
    %sign3A_2 = arith.extui %sign3A_1 : i1 to i32
    %sign3A_3 = arith.constant 0 : i32
    %sign3A_4 = arith.cmpi slt, %add3A, %sign3A_3 : i32
    %sign3A_5 = arith.extui %sign3A_4 : i1 to i32
    %sign3A_6 = arith.subi %sign3A_2, %sign3A_5 : i32
    %sign3A_7 = arith.constant 0 : i32
    %sign3A_8 = arith.cmpi sgt, %jit3A, %sign3A_7 : i32
    %sign3A_9 = arith.extui %sign3A_8 : i1 to i32
    %sign3A_10 = arith.constant 0 : i32
    %sign3A_11 = arith.cmpi slt, %jit3A, %sign3A_10 : i32
    %sign3A_12 = arith.extui %sign3A_11 : i1 to i32
    %sign3A_13 = arith.subi %sign3A_9, %sign3A_12 : i32
    %ne3A = arith.cmpi ne, %sign3A_6, %sign3A_13 : i32
    %rem3A = arith.remsi %add3A, %jit3A : i32
    %ne3A_14 = arith.constant 0 : i32
    %ne3A_15 = arith.cmpi ne, %rem3A, %ne3A_14 : i32
    %and3A = arith.andi %ne3A, %ne3A_15 : i1
    %sub3A = arith.constant 1 : i32
    %sub3A_16 = arith.subi %div3A, %sub3A : i32
    %select_n3A = arith.select %and3A, %sub3A_16, %div3A : i32
    %jit3A_17 = arith.constant 2 : i32
    %eq3A = arith.constant 0 : i32
    %eq3A_18 = arith.cmpi eq, %jit3A_17, %eq3A : i32
    %jit3A_19 = arith.constant 1 : i32
    %select_n3A_20 = arith.select %eq3A_18, %jit3A_19, %jit3A_17 : i32
    %rem3A_21 = arith.remsi %add3A, %select_n3A_20 : i32
    %ne3A_22 = arith.constant 0 : i32
    %ne3A_23 = arith.cmpi ne, %rem3A_21, %ne3A_22 : i32
    %lt3A = arith.constant 0 : i32
    %lt3A_24 = arith.cmpi slt, %rem3A_21, %lt3A : i32
    %lt3A_25 = arith.constant 0 : i32
    %lt3A_26 = arith.cmpi slt, %select_n3A_20, %lt3A_25 : i32
    %ne3A_27 = arith.xori %lt3A_24, %lt3A_26 : i1
    %and3A_28 = arith.andi %ne3A_27, %ne3A_23 : i1
    %add3A_29 = arith.addi %rem3A_21, %select_n3A_20 : i32
    %select_n3A_30 = arith.select %and3A_28, %add3A_29, %rem3A_21 : i32
    %jit3A_31 = arith.constant 8 : i32
    %div3A_32 = arith.divsi %select_n3A, %jit3A_31 : i32
    %sign3A_33 = arith.constant 0 : i32
    %sign3A_34 = arith.cmpi sgt, %select_n3A, %sign3A_33 : i32
    %sign3A_35 = arith.extui %sign3A_34 : i1 to i32
    %sign3A_36 = arith.constant 0 : i32
    %sign3A_37 = arith.cmpi slt, %select_n3A, %sign3A_36 : i32
    %sign3A_38 = arith.extui %sign3A_37 : i1 to i32
    %sign3A_39 = arith.subi %sign3A_35, %sign3A_38 : i32
    %sign3A_40 = arith.constant 0 : i32
    %sign3A_41 = arith.cmpi sgt, %jit3A_31, %sign3A_40 : i32
    %sign3A_42 = arith.extui %sign3A_41 : i1 to i32
    %sign3A_43 = arith.constant 0 : i32
    %sign3A_44 = arith.cmpi slt, %jit3A_31, %sign3A_43 : i32
    %sign3A_45 = arith.extui %sign3A_44 : i1 to i32
    %sign3A_46 = arith.subi %sign3A_42, %sign3A_45 : i32
    %ne3A_47 = arith.cmpi ne, %sign3A_39, %sign3A_46 : i32
    %rem3A_48 = arith.remsi %select_n3A, %jit3A_31 : i32
    %ne3A_49 = arith.constant 0 : i32
    %ne3A_50 = arith.cmpi ne, %rem3A_48, %ne3A_49 : i32
    %and3A_51 = arith.andi %ne3A_47, %ne3A_50 : i1
    %sub3A_52 = arith.constant 1 : i32
    %sub3A_53 = arith.subi %div3A_32, %sub3A_52 : i32
    %select_n3A_54 = arith.select %and3A_51, %sub3A_53, %div3A_32 : i32
    %jit3A_55 = arith.constant 8 : i32
    %eq3A_56 = arith.constant 0 : i32
    %eq3A_57 = arith.cmpi eq, %jit3A_55, %eq3A_56 : i32
    %jit3A_58 = arith.constant 1 : i32
    %select_n3A_59 = arith.select %eq3A_57, %jit3A_58, %jit3A_55 : i32
    %rem3A_60 = arith.remsi %select_n3A, %select_n3A_59 : i32
    %ne3A_61 = arith.constant 0 : i32
    %ne3A_62 = arith.cmpi ne, %rem3A_60, %ne3A_61 : i32
    %lt3A_63 = arith.constant 0 : i32
    %lt3A_64 = arith.cmpi slt, %rem3A_60, %lt3A_63 : i32
    %lt3A_65 = arith.constant 0 : i32
    %lt3A_66 = arith.cmpi slt, %select_n3A_59, %lt3A_65 : i32
    %ne3A_67 = arith.xori %lt3A_64, %lt3A_66 : i1
    %and3A_68 = arith.andi %ne3A_67, %ne3A_62 : i1
    %add3A_69 = arith.addi %rem3A_60, %select_n3A_59 : i32
    %select_n3A_70 = arith.select %and3A_68, %add3A_69, %rem3A_60 : i32
    %iota3A = tpu.iota {dimensions = array<i32: 0>} : vector<16xi32>
    %mul3A_71 = arith.constant 33 : i32
    %mul3A_72 = vector.broadcast %mul3A_71 : i32 to vector<16xi32>
    %mul3A_73 = arith.muli %iota3A, %mul3A_72 : vector<16xi32>
    %broadcast_in_dim3A = arith.constant 1 : i32
    %broadcast_in_dim3A_74 = vector.broadcast %broadcast_in_dim3A : i32 to vector<16xi32>
    %mul3A_75 = arith.constant 12288 : i32
    %mul3A_76 = arith.muli %select_n3A, %mul3A_75 : i32
    "tpu.region"() ({
      %run_scoped3A = tpu.sem_alloc : memref<!tpu.dma_semaphore, #tpu.memory_space<semaphore_mem>>
      %dma_start3A_452 = tpu.memref_slice %arg2[%mul3A_76] : memref<196608xf32, #tpu.memory_space<hbm>> -> memref<12288xf32, #tpu.memory_space<hbm>>
      %dma_start3A_453 = tpu.memref_slice %arg2[%mul3A_76] : memref<196608xf32, #tpu.memory_space<hbm>> -> memref<12288xf32, #tpu.memory_space<hbm>>
      tpu.enqueue_dma source(%dma_start3A_453 : memref<12288xf32, #tpu.memory_space<hbm>>) target(%arg8 : memref<12288xf32, #tpu.memory_space<vmem>>) target_semaphore(%run_scoped3A : memref<!tpu.dma_semaphore, #tpu.memory_space<semaphore_mem>>)
      %dma_wait3A_454 = tpu.memref_slice %arg2[%mul3A_76] : memref<196608xf32, #tpu.memory_space<hbm>> -> memref<12288xf32, #tpu.memory_space<hbm>>
      %dma_wait3A_455 = tpu.memref_slice %arg2[%mul3A_76] : memref<196608xf32, #tpu.memory_space<hbm>> -> memref<12288xf32, #tpu.memory_space<hbm>>
      tpu.wait_dma2 semaphore(%run_scoped3A : memref<!tpu.dma_semaphore, #tpu.memory_space<semaphore_mem>>) src(%dma_wait3A_455 : memref<12288xf32, #tpu.memory_space<hbm>>) dst(%arg8 : memref<12288xf32, #tpu.memory_space<vmem>>)
      tpu.yield
    }) : () -> ()
    %mul3A_77 = arith.constant 3072 : i32
    %mul3A_78 = arith.muli %select_n3A, %mul3A_77 : i32
    %add3A_79 = arith.constant 0 : i32
    %add3A_80 = arith.addi %mul3A_78, %add3A_79 : i32
    %mul3A_81 = arith.constant 512 : i32
    %mul3A_82 = arith.muli %select_n3A_30, %mul3A_81 : i32
    %add3A_83 = arith.addi %add3A_80, %mul3A_82 : i32
    "tpu.region"() ({
      %run_scoped3A = tpu.sem_alloc : memref<!tpu.dma_semaphore, #tpu.memory_space<semaphore_mem>>
      %dma_start3A_452 = arith.constant 0 : i32
      %dma_start3A_453 = tpu.memref_slice %arg9[%dma_start3A_452] : memref<1552xf32, #tpu.memory_space<vmem>> -> memref<512xf32, #tpu.memory_space<vmem>>
      %dma_start3A_454 = tpu.memref_slice %arg3[%add3A_83] : memref<49152xf32, #tpu.memory_space<hbm>> -> memref<512xf32, #tpu.memory_space<hbm>>
      %dma_start3A_455 = arith.constant 0 : i32
      %dma_start3A_456 = tpu.memref_slice %arg9[%dma_start3A_455] : memref<1552xf32, #tpu.memory_space<vmem>> -> memref<512xf32, #tpu.memory_space<vmem>>
      %dma_start3A_457 = tpu.memref_slice %arg3[%add3A_83] : memref<49152xf32, #tpu.memory_space<hbm>> -> memref<512xf32, #tpu.memory_space<hbm>>
      tpu.enqueue_dma source(%dma_start3A_457 : memref<512xf32, #tpu.memory_space<hbm>>) target(%dma_start3A_456 : memref<512xf32, #tpu.memory_space<vmem>>) target_semaphore(%run_scoped3A : memref<!tpu.dma_semaphore, #tpu.memory_space<semaphore_mem>>)
      %dma_wait3A_458 = arith.constant 0 : i32
      %dma_wait3A_459 = tpu.memref_slice %arg9[%dma_wait3A_458] : memref<1552xf32, #tpu.memory_space<vmem>> -> memref<512xf32, #tpu.memory_space<vmem>>
      %dma_wait3A_460 = tpu.memref_slice %arg3[%add3A_83] : memref<49152xf32, #tpu.memory_space<hbm>> -> memref<512xf32, #tpu.memory_space<hbm>>
      %dma_wait3A_461 = arith.constant 0 : i32
      %dma_wait3A_462 = tpu.memref_slice %arg9[%dma_wait3A_461] : memref<1552xf32, #tpu.memory_space<vmem>> -> memref<512xf32, #tpu.memory_space<vmem>>
      %dma_wait3A_463 = tpu.memref_slice %arg3[%add3A_83] : memref<49152xf32, #tpu.memory_space<hbm>> -> memref<512xf32, #tpu.memory_space<hbm>>
      tpu.wait_dma2 semaphore(%run_scoped3A : memref<!tpu.dma_semaphore, #tpu.memory_space<semaphore_mem>>) src(%dma_wait3A_463 : memref<512xf32, #tpu.memory_space<hbm>>) dst(%dma_wait3A_462 : memref<512xf32, #tpu.memory_space<vmem>>)
      tpu.yield
    }) : () -> ()
    %mul3A_84 = arith.constant 3072 : i32
    %mul3A_85 = arith.muli %select_n3A, %mul3A_84 : i32
    %add3A_86 = arith.constant 1024 : i32
    %add3A_87 = arith.addi %mul3A_85, %add3A_86 : i32
    %mul3A_88 = arith.constant 512 : i32
    %mul3A_89 = arith.muli %select_n3A_30, %mul3A_88 : i32
    %add3A_90 = arith.addi %add3A_87, %mul3A_89 : i32
    "tpu.region"() ({
      %run_scoped3A = tpu.sem_alloc : memref<!tpu.dma_semaphore, #tpu.memory_space<semaphore_mem>>
      %dma_start3A_452 = arith.constant 512 : i32
      %dma_start3A_453 = tpu.memref_slice %arg9[%dma_start3A_452] : memref<1552xf32, #tpu.memory_space<vmem>> -> memref<512xf32, #tpu.memory_space<vmem>>
      %dma_start3A_454 = tpu.memref_slice %arg3[%add3A_90] : memref<49152xf32, #tpu.memory_space<hbm>> -> memref<512xf32, #tpu.memory_space<hbm>>
      %dma_start3A_455 = arith.constant 512 : i32
      %dma_start3A_456 = tpu.memref_slice %arg9[%dma_start3A_455] : memref<1552xf32, #tpu.memory_space<vmem>> -> memref<512xf32, #tpu.memory_space<vmem>>
      %dma_start3A_457 = tpu.memref_slice %arg3[%add3A_90] : memref<49152xf32, #tpu.memory_space<hbm>> -> memref<512xf32, #tpu.memory_space<hbm>>
      tpu.enqueue_dma source(%dma_start3A_457 : memref<512xf32, #tpu.memory_space<hbm>>) target(%dma_start3A_456 : memref<512xf32, #tpu.memory_space<vmem>>) target_semaphore(%run_scoped3A : memref<!tpu.dma_semaphore, #tpu.memory_space<semaphore_mem>>)
      %dma_wait3A_458 = arith.constant 512 : i32
      %dma_wait3A_459 = tpu.memref_slice %arg9[%dma_wait3A_458] : memref<1552xf32, #tpu.memory_space<vmem>> -> memref<512xf32, #tpu.memory_space<vmem>>
      %dma_wait3A_460 = tpu.memref_slice %arg3[%add3A_90] : memref<49152xf32, #tpu.memory_space<hbm>> -> memref<512xf32, #tpu.memory_space<hbm>>
      %dma_wait3A_461 = arith.constant 512 : i32
      %dma_wait3A_462 = tpu.memref_slice %arg9[%dma_wait3A_461] : memref<1552xf32, #tpu.memory_space<vmem>> -> memref<512xf32, #tpu.memory_space<vmem>>
      %dma_wait3A_463 = tpu.memref_slice %arg3[%add3A_90] : memref<49152xf32, #tpu.memory_space<hbm>> -> memref<512xf32, #tpu.memory_space<hbm>>
      tpu.wait_dma2 semaphore(%run_scoped3A : memref<!tpu.dma_semaphore, #tpu.memory_space<semaphore_mem>>) src(%dma_wait3A_463 : memref<512xf32, #tpu.memory_space<hbm>>) dst(%dma_wait3A_462 : memref<512xf32, #tpu.memory_space<vmem>>)
      tpu.yield
    }) : () -> ()
    %mul3A_91 = arith.constant 3072 : i32
    %mul3A_92 = arith.muli %select_n3A, %mul3A_91 : i32
    %add3A_93 = arith.constant 2048 : i32
    %add3A_94 = arith.addi %mul3A_92, %add3A_93 : i32
    %mul3A_95 = arith.constant 512 : i32
    %mul3A_96 = arith.muli %select_n3A_30, %mul3A_95 : i32
    %add3A_97 = arith.addi %add3A_94, %mul3A_96 : i32
    "tpu.region"() ({
      %run_scoped3A = tpu.sem_alloc : memref<!tpu.dma_semaphore, #tpu.memory_space<semaphore_mem>>
      %dma_start3A_452 = arith.constant 1024 : i32
      %dma_start3A_453 = tpu.memref_slice %arg9[%dma_start3A_452] : memref<1552xf32, #tpu.memory_space<vmem>> -> memref<512xf32, #tpu.memory_space<vmem>>
      %dma_start3A_454 = tpu.memref_slice %arg3[%add3A_97] : memref<49152xf32, #tpu.memory_space<hbm>> -> memref<512xf32, #tpu.memory_space<hbm>>
      %dma_start3A_455 = arith.constant 1024 : i32
      %dma_start3A_456 = tpu.memref_slice %arg9[%dma_start3A_455] : memref<1552xf32, #tpu.memory_space<vmem>> -> memref<512xf32, #tpu.memory_space<vmem>>
      %dma_start3A_457 = tpu.memref_slice %arg3[%add3A_97] : memref<49152xf32, #tpu.memory_space<hbm>> -> memref<512xf32, #tpu.memory_space<hbm>>
      tpu.enqueue_dma source(%dma_start3A_457 : memref<512xf32, #tpu.memory_space<hbm>>) target(%dma_start3A_456 : memref<512xf32, #tpu.memory_space<vmem>>) target_semaphore(%run_scoped3A : memref<!tpu.dma_semaphore, #tpu.memory_space<semaphore_mem>>)
      %dma_wait3A_458 = arith.constant 1024 : i32
      %dma_wait3A_459 = tpu.memref_slice %arg9[%dma_wait3A_458] : memref<1552xf32, #tpu.memory_space<vmem>> -> memref<512xf32, #tpu.memory_space<vmem>>
      %dma_wait3A_460 = tpu.memref_slice %arg3[%add3A_97] : memref<49152xf32, #tpu.memory_space<hbm>> -> memref<512xf32, #tpu.memory_space<hbm>>
      %dma_wait3A_461 = arith.constant 1024 : i32
      %dma_wait3A_462 = tpu.memref_slice %arg9[%dma_wait3A_461] : memref<1552xf32, #tpu.memory_space<vmem>> -> memref<512xf32, #tpu.memory_space<vmem>>
      %dma_wait3A_463 = tpu.memref_slice %arg3[%add3A_97] : memref<49152xf32, #tpu.memory_space<hbm>> -> memref<512xf32, #tpu.memory_space<hbm>>
      tpu.wait_dma2 semaphore(%run_scoped3A : memref<!tpu.dma_semaphore, #tpu.memory_space<semaphore_mem>>) src(%dma_wait3A_463 : memref<512xf32, #tpu.memory_space<hbm>>) dst(%dma_wait3A_462 : memref<512xf32, #tpu.memory_space<vmem>>)
      tpu.yield
    }) : () -> ()
    %mul3A_98 = arith.constant 1024 : i32
    %mul3A_99 = arith.muli %select_n3A, %mul3A_98 : i32
    %mul3A_100 = arith.constant 512 : i32
    %mul3A_101 = arith.muli %select_n3A_30, %mul3A_100 : i32
    %add3A_102 = arith.addi %mul3A_99, %mul3A_101 : i32
    "tpu.region"() ({
      %run_scoped3A = tpu.sem_alloc : memref<!tpu.dma_semaphore, #tpu.memory_space<semaphore_mem>>
      %dma_start3A_452 = tpu.memref_slice %arg4[%add3A_102] : memref<16384xi32, #tpu.memory_space<hbm>> -> memref<512xi32, #tpu.memory_space<hbm>>
      %dma_start3A_453 = tpu.memref_slice %arg4[%add3A_102] : memref<16384xi32, #tpu.memory_space<hbm>> -> memref<512xi32, #tpu.memory_space<hbm>>
      tpu.enqueue_dma source(%dma_start3A_453 : memref<512xi32, #tpu.memory_space<hbm>>) target(%arg10 : memref<512xi32, #tpu.memory_space<vmem>>) target_semaphore(%run_scoped3A : memref<!tpu.dma_semaphore, #tpu.memory_space<semaphore_mem>>)
      %dma_wait3A_454 = tpu.memref_slice %arg4[%add3A_102] : memref<16384xi32, #tpu.memory_space<hbm>> -> memref<512xi32, #tpu.memory_space<hbm>>
      %dma_wait3A_455 = tpu.memref_slice %arg4[%add3A_102] : memref<16384xi32, #tpu.memory_space<hbm>> -> memref<512xi32, #tpu.memory_space<hbm>>
      tpu.wait_dma2 semaphore(%run_scoped3A : memref<!tpu.dma_semaphore, #tpu.memory_space<semaphore_mem>>) src(%dma_wait3A_455 : memref<512xi32, #tpu.memory_space<hbm>>) dst(%arg10 : memref<512xi32, #tpu.memory_space<vmem>>)
      tpu.yield
    }) : () -> ()
    %scan3A = arith.constant 0 : i32
    %scan3A_103 = arith.constant 4.000000e-02 : f32
    %scan3A_104 = arith.constant 0 : i32
    %scan3A_105 = arith.constant 512 : i32
    %scan3A_106 = arith.addi %scan3A_104, %scan3A_105 : i32
    %scan3A_107 = arith.constant 1 : i32
    scf.for %scan3A_452 = %scan3A_104 to %scan3A_106 step %scan3A_107  : i32 {
      %get3A = arith.index_cast %scan3A_452 : i32 to index
      %get3A_453 = tpu.vector_load %arg9[%get3A] {strides = array<i32>} : memref<1552xf32, #tpu.memory_space<vmem>>, vector<16xf32>,
      %slice3A = vector.extract_strided_slice %get3A_453 {offsets = [0], sizes = [1], strides = [1]} : vector<16xf32> to vector<1xf32>
      %squeeze3A = vector.extract %slice3A[0] : f32 from vector<1xf32>
      %add3A_454 = arith.constant 512 : i32
      %add3A_455 = arith.addi %add3A_454, %scan3A_452 : i32
      %get3A_456 = arith.index_cast %add3A_455 : i32 to index
      %get3A_457 = tpu.vector_load %arg9[%get3A_456] {strides = array<i32>} : memref<1552xf32, #tpu.memory_space<vmem>>, vector<16xf32>,
      %slice3A_458 = vector.extract_strided_slice %get3A_457 {offsets = [0], sizes = [1], strides = [1]} : vector<16xf32> to vector<1xf32>
      %squeeze3A_459 = vector.extract %slice3A_458[0] : f32 from vector<1xf32>
      %add3A_460 = arith.constant 1024 : i32
      %add3A_461 = arith.addi %add3A_460, %scan3A_452 : i32
      %get3A_462 = arith.index_cast %add3A_461 : i32 to index
      %get3A_463 = tpu.vector_load %arg9[%get3A_462] {strides = array<i32>} : memref<1552xf32, #tpu.memory_space<vmem>>, vector<16xf32>,
      %slice3A_464 = vector.extract_strided_slice %get3A_463 {offsets = [0], sizes = [1], strides = [1]} : vector<16xf32> to vector<1xf32>
      %squeeze3A_465 = vector.extract %slice3A_464[0] : f32 from vector<1xf32>
      %mul3A_466 = arith.constant 16896 : i32
      %mul3A_467 = arith.muli %select_n3A_30, %mul3A_466 : i32
      %mul3A_468 = arith.constant 33 : i32
      %mul3A_469 = arith.muli %scan3A_452, %mul3A_468 : i32
      %add3A_470 = arith.addi %mul3A_467, %mul3A_469 : i32
      %add3A_471 = arith.constant 32 : i32
      %add3A_472 = arith.addi %add3A_470, %add3A_471 : i32
      %broadcast_in_dim3A_473 = vector.broadcast %add3A_470 : i32 to vector<16xi32>
      %parallel_loop3A_474 = arith.constant 0 : i32
      %parallel_loop3A_475 = arith.constant 64 : i32
      %parallel_loop3A_476 = arith.constant 1 : i32
      %parallel_loop3A_477 = scf.for %parallel_loop3A_509 = %parallel_loop3A_474 to %parallel_loop3A_475 step %parallel_loop3A_476 iter_args(%parallel_loop3A_510 = %broadcast_in_dim3A_473) -> (vector<16xi32>)  : i32 {
        %parallel_loop3A_511 = arith.constant 16 : i32
        %parallel_loop3A_512 = arith.muli %parallel_loop3A_509, %parallel_loop3A_511 : i32
        %parallel_loop3A_513 = arith.index_cast %parallel_loop3A_512 : i32 to index
        %parallel_loop3A_514 = tpu.vector_load %arg8[%parallel_loop3A_513] {strides = array<i32>} : memref<12288xf32, #tpu.memory_space<vmem>>, vector<16xf32>,
        %parallel_loop3A_515 = arith.constant 4096 : i32
        %parallel_loop3A_516 = arith.addi %parallel_loop3A_515, %parallel_loop3A_512 : i32
        %parallel_loop3A_517 = arith.index_cast %parallel_loop3A_516 : i32 to index
        %parallel_loop3A_518 = tpu.vector_load %arg8[%parallel_loop3A_517] {strides = array<i32>} : memref<12288xf32, #tpu.memory_space<vmem>>, vector<16xf32>,
        %parallel_loop3A_519 = arith.constant 8192 : i32
        %parallel_loop3A_520 = arith.addi %parallel_loop3A_519, %parallel_loop3A_512 : i32
        %parallel_loop3A_521 = arith.index_cast %parallel_loop3A_520 : i32 to index
        %parallel_loop3A_522 = tpu.vector_load %arg8[%parallel_loop3A_521] {strides = array<i32>} : memref<12288xf32, #tpu.memory_space<vmem>>, vector<16xf32>,
        %parallel_loop3A_523 = vector.broadcast %squeeze3A : f32 to vector<16xf32>
        %parallel_loop3A_524 = arith.subf %parallel_loop3A_514, %parallel_loop3A_523 : vector<16xf32>
        %parallel_loop3A_525 = vector.broadcast %squeeze3A_459 : f32 to vector<16xf32>
        %parallel_loop3A_526 = arith.subf %parallel_loop3A_518, %parallel_loop3A_525 : vector<16xf32>
        %parallel_loop3A_527 = vector.broadcast %squeeze3A_465 : f32 to vector<16xf32>
        %parallel_loop3A_528 = arith.subf %parallel_loop3A_522, %parallel_loop3A_527 : vector<16xf32>
        %parallel_loop3A_529 = arith.mulf %parallel_loop3A_524, %parallel_loop3A_524 : vector<16xf32>
        %parallel_loop3A_530 = arith.mulf %parallel_loop3A_526, %parallel_loop3A_526 : vector<16xf32>
        %parallel_loop3A_531 = arith.addf %parallel_loop3A_529, %parallel_loop3A_530 : vector<16xf32>
        %parallel_loop3A_532 = arith.mulf %parallel_loop3A_528, %parallel_loop3A_528 : vector<16xf32>
        %parallel_loop3A_533 = arith.addf %parallel_loop3A_531, %parallel_loop3A_532 : vector<16xf32>
        %parallel_loop3A_534 = vector.broadcast %scan3A_103 : f32 to vector<16xf32>
        %parallel_loop3A_535 = arith.cmpf olt, %parallel_loop3A_533, %parallel_loop3A_534 : vector<16xf32>
        %parallel_loop3A_536 = tpu.scan <sum>, %broadcast_in_dim3A_74 masked %parallel_loop3A_535 : vector<16xi32>, vector<16xi1> -> vector<16xi32>
        %parallel_loop3A_537 = arith.addi %parallel_loop3A_510, %parallel_loop3A_536 : vector<16xi32>
        %parallel_loop3A_538 = vector.broadcast %parallel_loop3A_512 : i32 to vector<16xi32>
        %parallel_loop3A_539 = arith.addi %iota3A, %parallel_loop3A_538 : vector<16xi32>
        tpu.vector_store_idx %arg11[%parallel_loop3A_537], %parallel_loop3A_539 masked %parallel_loop3A_535 : memref<34336xi32, #tpu.memory_space<vmem>>[vector<16xi32>], vector<16xi32>, vector<16xi1>
        %parallel_loop3A_540 = tpu.all_reduce %parallel_loop3A_535 {dim = 0 : i64, kind = #tpu.reduction_kind<sum>} : vector<16xi1> -> vector<16xi32>
        %parallel_loop3A_541 = arith.addi %parallel_loop3A_510, %parallel_loop3A_540 : vector<16xi32>
        scf.yield %parallel_loop3A_541 : vector<16xi32>
      } {sc.loop_unroll_factor = 8 : i64, sc.parallel_access}
      %while3A = arith.constant 2 : i32
      %while3A_478:2 = scf.while (%while3A_509 = %while3A, %while3A_510 = %parallel_loop3A_477) : (i32, vector<16xi32>) -> (i32, vector<16xi32>) {
        %slice3A_511 = vector.extract_strided_slice %while3A_510 {offsets = [0], sizes = [1], strides = [1]} : vector<16xi32> to vector<1xi32>
        %squeeze3A_512 = vector.extract %slice3A_511[0] : i32 from vector<1xi32>
        %lt3A_513 = arith.cmpi slt, %squeeze3A_512, %add3A_472 : i32
        %lt3A_514 = arith.constant 8 : i32
        %lt3A_515 = arith.cmpi slt, %while3A_509, %lt3A_514 : i32
        %and3A_516 = arith.andi %lt3A_513, %lt3A_515 : i1
        scf.condition(%and3A_516) %while3A_509, %while3A_510 : i32, vector<16xi32>
      } do {
      ^bb0(%while3A_509: i32, %while3A_510: vector<16xi32>):
        %add3A_511 = arith.constant 1 : i32
        %add3A_512 = arith.addi %while3A_509, %add3A_511 : i32
        %mul3A_513 = arith.constant 32 : i32
        %mul3A_514 = arith.muli %while3A_509, %mul3A_513 : i32
        %add3A_515 = arith.constant 1 : i32
        %add3A_516 = arith.addi %while3A_509, %add3A_515 : i32
        %mul3A_517 = arith.constant 32 : i32
        %mul3A_518 = arith.muli %add3A_516, %mul3A_517 : i32
        %parallel_loop3A_519 = arith.constant 1 : i32
        %parallel_loop3A_520 = scf.for %parallel_loop3A_521 = %mul3A_514 to %mul3A_518 step %parallel_loop3A_519 iter_args(%parallel_loop3A_522 = %while3A_510) -> (vector<16xi32>)  : i32 {
          %parallel_loop3A_523 = arith.constant 16 : i32
          %parallel_loop3A_524 = arith.muli %parallel_loop3A_521, %parallel_loop3A_523 : i32
          %parallel_loop3A_525 = arith.index_cast %parallel_loop3A_524 : i32 to index
          %parallel_loop3A_526 = tpu.vector_load %arg8[%parallel_loop3A_525] {strides = array<i32>} : memref<12288xf32, #tpu.memory_space<vmem>>, vector<16xf32>,
          %parallel_loop3A_527 = arith.constant 4096 : i32
          %parallel_loop3A_528 = arith.addi %parallel_loop3A_527, %parallel_loop3A_524 : i32
          %parallel_loop3A_529 = arith.index_cast %parallel_loop3A_528 : i32 to index
          %parallel_loop3A_530 = tpu.vector_load %arg8[%parallel_loop3A_529] {strides = array<i32>} : memref<12288xf32, #tpu.memory_space<vmem>>, vector<16xf32>,
          %parallel_loop3A_531 = arith.constant 8192 : i32
          %parallel_loop3A_532 = arith.addi %parallel_loop3A_531, %parallel_loop3A_524 : i32
          %parallel_loop3A_533 = arith.index_cast %parallel_loop3A_532 : i32 to index
          %parallel_loop3A_534 = tpu.vector_load %arg8[%parallel_loop3A_533] {strides = array<i32>} : memref<12288xf32, #tpu.memory_space<vmem>>, vector<16xf32>,
          %parallel_loop3A_535 = vector.broadcast %squeeze3A : f32 to vector<16xf32>
          %parallel_loop3A_536 = arith.subf %parallel_loop3A_526, %parallel_loop3A_535 : vector<16xf32>
          %parallel_loop3A_537 = vector.broadcast %squeeze3A_459 : f32 to vector<16xf32>
          %parallel_loop3A_538 = arith.subf %parallel_loop3A_530, %parallel_loop3A_537 : vector<16xf32>
          %parallel_loop3A_539 = vector.broadcast %squeeze3A_465 : f32 to vector<16xf32>
          %parallel_loop3A_540 = arith.subf %parallel_loop3A_534, %parallel_loop3A_539 : vector<16xf32>
          %parallel_loop3A_541 = arith.mulf %parallel_loop3A_536, %parallel_loop3A_536 : vector<16xf32>
          %parallel_loop3A_542 = arith.mulf %parallel_loop3A_538, %parallel_loop3A_538 : vector<16xf32>
          %parallel_loop3A_543 = arith.addf %parallel_loop3A_541, %parallel_loop3A_542 : vector<16xf32>
          %parallel_loop3A_544 = arith.mulf %parallel_loop3A_540, %parallel_loop3A_540 : vector<16xf32>
          %parallel_loop3A_545 = arith.addf %parallel_loop3A_543, %parallel_loop3A_544 : vector<16xf32>
          %parallel_loop3A_546 = vector.broadcast %scan3A_103 : f32 to vector<16xf32>
          %parallel_loop3A_547 = arith.cmpf olt, %parallel_loop3A_545, %parallel_loop3A_546 : vector<16xf32>
          %parallel_loop3A_548 = tpu.scan <sum>, %broadcast_in_dim3A_74 masked %parallel_loop3A_547 : vector<16xi32>, vector<16xi1> -> vector<16xi32>
          %parallel_loop3A_549 = arith.addi %parallel_loop3A_522, %parallel_loop3A_548 : vector<16xi32>
          %parallel_loop3A_550 = vector.broadcast %parallel_loop3A_524 : i32 to vector<16xi32>
          %parallel_loop3A_551 = arith.addi %iota3A, %parallel_loop3A_550 : vector<16xi32>
          tpu.vector_store_idx %arg11[%parallel_loop3A_549], %parallel_loop3A_551 masked %parallel_loop3A_547 : memref<34336xi32, #tpu.memory_space<vmem>>[vector<16xi32>], vector<16xi32>, vector<16xi1>
          %parallel_loop3A_552 = tpu.all_reduce %parallel_loop3A_547 {dim = 0 : i64, kind = #tpu.reduction_kind<sum>} : vector<16xi1> -> vector<16xi32>
          %parallel_loop3A_553 = arith.addi %parallel_loop3A_522, %parallel_loop3A_552 : vector<16xi32>
          scf.yield %parallel_loop3A_553 : vector<16xi32>
        } {sc.loop_unroll_factor = 8 : i64, sc.parallel_access}
        scf.yield %add3A_512, %parallel_loop3A_520 : i32, vector<16xi32>
      }
      %slice3A_479 = vector.extract_strided_slice %while3A_478#1 {offsets = [0], sizes = [1], strides = [1]} : vector<16xi32> to vector<1xi32>
      %squeeze3A_480 = vector.extract %slice3A_479[0] : i32 from vector<1xi32>
      %sub3A_481 = arith.subi %squeeze3A_480, %add3A_470 : i32
      %gt3A = arith.constant 0 : i32
      %gt3A_482 = arith.cmpi sgt, %sub3A_481, %gt3A : i32
      %add3A_483 = arith.constant 1 : i32
      %add3A_484 = arith.addi %add3A_470, %add3A_483 : i32
      %get3A_485 = arith.index_cast %add3A_484 : i32 to index
      %get3A_486 = tpu.vector_load %arg11[%get3A_485] {strides = array<i32>} : memref<34336xi32, #tpu.memory_space<vmem>>, vector<16xi32>,
      %slice3A_487 = vector.extract_strided_slice %get3A_486 {offsets = [0], sizes = [1], strides = [1]} : vector<16xi32> to vector<1xi32>
      %squeeze3A_488 = vector.extract %slice3A_487[0] : i32 from vector<1xi32>
      %jit3A_489 = arith.constant 0 : i32
      %select_n3A_490 = arith.select %gt3A_482, %squeeze3A_488, %jit3A_489 : i32
      %broadcast_in_dim3A_491 = vector.broadcast %select_n3A_490 : i32 to vector<16xi32>
      %add3A_492 = arith.constant 0 : i32
      %add3A_493 = vector.broadcast %add3A_492 : i32 to vector<16xi32>
      %add3A_494 = arith.addi %iota3A, %add3A_493 : vector<16xi32>
      %add3A_495 = arith.constant 1 : i32
      %add3A_496 = arith.addi %add3A_470, %add3A_495 : i32
      %add3A_497 = vector.broadcast %add3A_496 : i32 to vector<16xi32>
      %add3A_498 = arith.addi %add3A_497, %add3A_494 : vector<16xi32>
      %ge3A = vector.broadcast %sub3A_481 : i32 to vector<16xi32>
      %ge3A_499 = arith.cmpi sge, %add3A_494, %ge3A : vector<16xi32>
      tpu.vector_store_idx %arg11[%add3A_498], %broadcast_in_dim3A_491 masked %ge3A_499 : memref<34336xi32, #tpu.memory_space<vmem>>[vector<16xi32>], vector<16xi32>, vector<16xi1>
      %add3A_500 = arith.constant 16 : i32
      %add3A_501 = vector.broadcast %add3A_500 : i32 to vector<16xi32>
      %add3A_502 = arith.addi %iota3A, %add3A_501 : vector<16xi32>
      %add3A_503 = arith.constant 1 : i32
      %add3A_504 = arith.addi %add3A_470, %add3A_503 : i32
      %add3A_505 = vector.broadcast %add3A_504 : i32 to vector<16xi32>
      %add3A_506 = arith.addi %add3A_505, %add3A_502 : vector<16xi32>
      %ge3A_507 = vector.broadcast %sub3A_481 : i32 to vector<16xi32>
      %ge3A_508 = arith.cmpi sge, %add3A_502, %ge3A_507 : vector<16xi32>
      tpu.vector_store_idx %arg11[%add3A_506], %broadcast_in_dim3A_491 masked %ge3A_508 : memref<34336xi32, #tpu.memory_space<vmem>>[vector<16xi32>], vector<16xi32>, vector<16xi1>
    }
    %scan3A_108 = arith.constant 512 : i32
    %parallel_loop3A = arith.constant 0 : i32
    %parallel_loop3A_109 = arith.constant 32 : i32
    %parallel_loop3A_110 = arith.constant 1 : i32
    scf.for %parallel_loop3A_452 = %parallel_loop3A to %parallel_loop3A_109 step %parallel_loop3A_110  : i32 {
      %parallel_loop3A_453 = arith.constant 16 : i32
      %parallel_loop3A_454 = arith.muli %parallel_loop3A_452, %parallel_loop3A_453 : i32
      %parallel_loop3A_455 = arith.index_cast %parallel_loop3A_454 : i32 to index
      %parallel_loop3A_456 = tpu.vector_load %arg10[%parallel_loop3A_455] {strides = array<i32>} : memref<512xi32, #tpu.memory_space<vmem>>, vector<16xi32>,
      %parallel_loop3A_457 = arith.constant 16896 : i32
      %parallel_loop3A_458 = arith.muli %select_n3A_30, %parallel_loop3A_457 : i32
      %parallel_loop3A_459 = arith.constant 16 : i32
      %parallel_loop3A_460 = arith.muli %parallel_loop3A_452, %parallel_loop3A_459 : i32
      %parallel_loop3A_461 = vector.broadcast %parallel_loop3A_460 : i32 to vector<16xi32>
      %parallel_loop3A_462 = arith.addi %iota3A, %parallel_loop3A_461 : vector<16xi32>
      %parallel_loop3A_463 = arith.constant 33 : i32
      %parallel_loop3A_464 = vector.broadcast %parallel_loop3A_463 : i32 to vector<16xi32>
      %parallel_loop3A_465 = arith.muli %parallel_loop3A_462, %parallel_loop3A_464 : vector<16xi32>
      %parallel_loop3A_466 = vector.broadcast %parallel_loop3A_458 : i32 to vector<16xi32>
      %parallel_loop3A_467 = arith.addi %parallel_loop3A_466, %parallel_loop3A_465 : vector<16xi32>
      tpu.vector_store_idx %arg11[%parallel_loop3A_467], %parallel_loop3A_456 : memref<34336xi32, #tpu.memory_space<vmem>>[vector<16xi32>], vector<16xi32>,
    } {sc.loop_unroll_factor = 1 : i64, sc.parallel_access}
    %parallel_loop3A_111 = arith.constant 0 : i32
    %parallel_loop3A_112 = arith.constant 32 : i32
    %parallel_loop3A_113 = arith.constant 1 : i32
    scf.for %parallel_loop3A_452 = %parallel_loop3A_111 to %parallel_loop3A_112 step %parallel_loop3A_113  : i32 {
      %parallel_loop3A_453 = arith.constant 16 : i32
      %parallel_loop3A_454 = arith.muli %parallel_loop3A_452, %parallel_loop3A_453 : i32
      %parallel_loop3A_455 = arith.index_cast %parallel_loop3A_454 : i32 to index
      %parallel_loop3A_456 = tpu.vector_load %arg9[%parallel_loop3A_455] {strides = array<i32>} : memref<1552xf32, #tpu.memory_space<vmem>>, vector<16xf32>,
      %parallel_loop3A_457 = arith.constant 16 : i32
      %parallel_loop3A_458 = arith.muli %parallel_loop3A_452, %parallel_loop3A_457 : i32
      %parallel_loop3A_459 = arith.constant 512 : i32
      %parallel_loop3A_460 = arith.addi %parallel_loop3A_459, %parallel_loop3A_458 : i32
      %parallel_loop3A_461 = arith.index_cast %parallel_loop3A_460 : i32 to index
      %parallel_loop3A_462 = tpu.vector_load %arg9[%parallel_loop3A_461] {strides = array<i32>} : memref<1552xf32, #tpu.memory_space<vmem>>, vector<16xf32>,
      %parallel_loop3A_463 = arith.constant 16 : i32
      %parallel_loop3A_464 = arith.muli %parallel_loop3A_452, %parallel_loop3A_463 : i32
      %parallel_loop3A_465 = arith.constant 1024 : i32
      %parallel_loop3A_466 = arith.addi %parallel_loop3A_465, %parallel_loop3A_464 : i32
      %parallel_loop3A_467 = arith.index_cast %parallel_loop3A_466 : i32 to index
      %parallel_loop3A_468 = tpu.vector_load %arg9[%parallel_loop3A_467] {strides = array<i32>} : memref<1552xf32, #tpu.memory_space<vmem>>, vector<16xf32>,
      %parallel_loop3A_469 = arith.mulf %parallel_loop3A_456, %parallel_loop3A_456 : vector<16xf32>
      %parallel_loop3A_470 = arith.mulf %parallel_loop3A_462, %parallel_loop3A_462 : vector<16xf32>
      %parallel_loop3A_471 = arith.addf %parallel_loop3A_469, %parallel_loop3A_470 : vector<16xf32>
      %parallel_loop3A_472 = arith.mulf %parallel_loop3A_468, %parallel_loop3A_468 : vector<16xf32>
      %parallel_loop3A_473 = arith.addf %parallel_loop3A_471, %parallel_loop3A_472 : vector<16xf32>
      %parallel_loop3A_474 = tpu.bitcast %parallel_loop3A_473 : vector<16xf32> -> vector<16xi32>
      %parallel_loop3A_475 = arith.constant 1 : i32
      %parallel_loop3A_476 = vector.broadcast %parallel_loop3A_475 : i32 to vector<16xi32>
      %parallel_loop3A_477 = arith.shrui %parallel_loop3A_474, %parallel_loop3A_476 : vector<16xi32>
      %parallel_loop3A_478 = arith.constant 1597463007 : i32
      %parallel_loop3A_479 = vector.broadcast %parallel_loop3A_478 : i32 to vector<16xi32>
      %parallel_loop3A_480 = arith.subi %parallel_loop3A_479, %parallel_loop3A_477 : vector<16xi32>
      %parallel_loop3A_481 = tpu.bitcast %parallel_loop3A_480 : vector<16xi32> -> vector<16xf32>
      %parallel_loop3A_482 = arith.constant 5.000000e-01 : f32
      %parallel_loop3A_483 = vector.broadcast %parallel_loop3A_482 : f32 to vector<16xf32>
      %parallel_loop3A_484 = arith.mulf %parallel_loop3A_483, %parallel_loop3A_473 : vector<16xf32>
      %parallel_loop3A_485 = arith.mulf %parallel_loop3A_484, %parallel_loop3A_481 : vector<16xf32>
      %parallel_loop3A_486 = arith.mulf %parallel_loop3A_485, %parallel_loop3A_481 : vector<16xf32>
      %parallel_loop3A_487 = arith.constant 1.500000e+00 : f32
      %parallel_loop3A_488 = vector.broadcast %parallel_loop3A_487 : f32 to vector<16xf32>
      %parallel_loop3A_489 = arith.subf %parallel_loop3A_488, %parallel_loop3A_486 : vector<16xf32>
      %parallel_loop3A_490 = arith.mulf %parallel_loop3A_481, %parallel_loop3A_489 : vector<16xf32>
      %parallel_loop3A_491 = arith.constant 5.000000e-01 : f32
      %parallel_loop3A_492 = vector.broadcast %parallel_loop3A_491 : f32 to vector<16xf32>
      %parallel_loop3A_493 = arith.mulf %parallel_loop3A_492, %parallel_loop3A_473 : vector<16xf32>
      %parallel_loop3A_494 = arith.mulf %parallel_loop3A_493, %parallel_loop3A_490 : vector<16xf32>
      %parallel_loop3A_495 = arith.mulf %parallel_loop3A_494, %parallel_loop3A_490 : vector<16xf32>
      %parallel_loop3A_496 = arith.constant 1.500000e+00 : f32
      %parallel_loop3A_497 = vector.broadcast %parallel_loop3A_496 : f32 to vector<16xf32>
      %parallel_loop3A_498 = arith.subf %parallel_loop3A_497, %parallel_loop3A_495 : vector<16xf32>
      %parallel_loop3A_499 = arith.mulf %parallel_loop3A_490, %parallel_loop3A_498 : vector<16xf32>
      %parallel_loop3A_500 = arith.constant 5.000000e-01 : f32
      %parallel_loop3A_501 = vector.broadcast %parallel_loop3A_500 : f32 to vector<16xf32>
      %parallel_loop3A_502 = arith.mulf %parallel_loop3A_501, %parallel_loop3A_473 : vector<16xf32>
      %parallel_loop3A_503 = arith.mulf %parallel_loop3A_502, %parallel_loop3A_499 : vector<16xf32>
      %parallel_loop3A_504 = arith.mulf %parallel_loop3A_503, %parallel_loop3A_499 : vector<16xf32>
      %parallel_loop3A_505 = arith.constant 1.500000e+00 : f32
      %parallel_loop3A_506 = vector.broadcast %parallel_loop3A_505 : f32 to vector<16xf32>
      %parallel_loop3A_507 = arith.subf %parallel_loop3A_506, %parallel_loop3A_504 : vector<16xf32>
      %parallel_loop3A_508 = arith.mulf %parallel_loop3A_499, %parallel_loop3A_507 : vector<16xf32>
      %parallel_loop3A_509 = arith.mulf %parallel_loop3A_473, %parallel_loop3A_508 : vector<16xf32>
      %parallel_loop3A_510 = arith.constant 9.99999997E-7 : f32
      %parallel_loop3A_511 = vector.broadcast %parallel_loop3A_510 : f32 to vector<16xf32>
      %parallel_loop3A_512 = arith.addf %parallel_loop3A_509, %parallel_loop3A_511 : vector<16xf32>
      %parallel_loop3A_513 = tpu.bitcast %parallel_loop3A_512 : vector<16xf32> -> vector<16xi32>
      %parallel_loop3A_514 = arith.constant 1 : i32
      %parallel_loop3A_515 = vector.broadcast %parallel_loop3A_514 : i32 to vector<16xi32>
      %parallel_loop3A_516 = arith.shrui %parallel_loop3A_513, %parallel_loop3A_515 : vector<16xi32>
      %parallel_loop3A_517 = arith.constant 1597463007 : i32
      %parallel_loop3A_518 = vector.broadcast %parallel_loop3A_517 : i32 to vector<16xi32>
      %parallel_loop3A_519 = arith.subi %parallel_loop3A_518, %parallel_loop3A_516 : vector<16xi32>
      %parallel_loop3A_520 = tpu.bitcast %parallel_loop3A_519 : vector<16xi32> -> vector<16xf32>
      %parallel_loop3A_521 = arith.constant 5.000000e-01 : f32
      %parallel_loop3A_522 = vector.broadcast %parallel_loop3A_521 : f32 to vector<16xf32>
      %parallel_loop3A_523 = arith.mulf %parallel_loop3A_522, %parallel_loop3A_512 : vector<16xf32>
      %parallel_loop3A_524 = arith.mulf %parallel_loop3A_523, %parallel_loop3A_520 : vector<16xf32>
      %parallel_loop3A_525 = arith.mulf %parallel_loop3A_524, %parallel_loop3A_520 : vector<16xf32>
      %parallel_loop3A_526 = arith.constant 1.500000e+00 : f32
      %parallel_loop3A_527 = vector.broadcast %parallel_loop3A_526 : f32 to vector<16xf32>
      %parallel_loop3A_528 = arith.subf %parallel_loop3A_527, %parallel_loop3A_525 : vector<16xf32>
      %parallel_loop3A_529 = arith.mulf %parallel_loop3A_520, %parallel_loop3A_528 : vector<16xf32>
      %parallel_loop3A_530 = arith.constant 5.000000e-01 : f32
      %parallel_loop3A_531 = vector.broadcast %parallel_loop3A_530 : f32 to vector<16xf32>
      %parallel_loop3A_532 = arith.mulf %parallel_loop3A_531, %parallel_loop3A_512 : vector<16xf32>
      %parallel_loop3A_533 = arith.mulf %parallel_loop3A_532, %parallel_loop3A_529 : vector<16xf32>
      %parallel_loop3A_534 = arith.mulf %parallel_loop3A_533, %parallel_loop3A_529 : vector<16xf32>
      %parallel_loop3A_535 = arith.constant 1.500000e+00 : f32
      %parallel_loop3A_536 = vector.broadcast %parallel_loop3A_535 : f32 to vector<16xf32>
      %parallel_loop3A_537 = arith.subf %parallel_loop3A_536, %parallel_loop3A_534 : vector<16xf32>
      %parallel_loop3A_538 = arith.mulf %parallel_loop3A_529, %parallel_loop3A_537 : vector<16xf32>
      %parallel_loop3A_539 = arith.constant 5.000000e-01 : f32
      %parallel_loop3A_540 = vector.broadcast %parallel_loop3A_539 : f32 to vector<16xf32>
      %parallel_loop3A_541 = arith.mulf %parallel_loop3A_540, %parallel_loop3A_512 : vector<16xf32>
      %parallel_loop3A_542 = arith.mulf %parallel_loop3A_541, %parallel_loop3A_538 : vector<16xf32>
      %parallel_loop3A_543 = arith.mulf %parallel_loop3A_542, %parallel_loop3A_538 : vector<16xf32>
      %parallel_loop3A_544 = arith.constant 1.500000e+00 : f32
      %parallel_loop3A_545 = vector.broadcast %parallel_loop3A_544 : f32 to vector<16xf32>
      %parallel_loop3A_546 = arith.subf %parallel_loop3A_545, %parallel_loop3A_543 : vector<16xf32>
      %parallel_loop3A_547 = arith.mulf %parallel_loop3A_538, %parallel_loop3A_546 : vector<16xf32>
      %parallel_loop3A_548 = arith.mulf %parallel_loop3A_547, %parallel_loop3A_547 : vector<16xf32>
      %parallel_loop3A_549 = arith.mulf %parallel_loop3A_456, %parallel_loop3A_548 : vector<16xf32>
      %parallel_loop3A_550 = arith.constant 16 : i32
      %parallel_loop3A_551 = arith.muli %parallel_loop3A_452, %parallel_loop3A_550 : i32
      %parallel_loop3A_552 = arith.index_cast %parallel_loop3A_551 : i32 to index
      %parallel_loop3A_553 = tpu.vector_load %arg9[%parallel_loop3A_552] {strides = array<i32>} : memref<1552xf32, #tpu.memory_space<vmem>>, vector<16xf32>,
      tpu.vector_store %arg9[%parallel_loop3A_552], %parallel_loop3A_549 {strides = array<i32>} : memref<1552xf32, #tpu.memory_space<vmem>>, vector<16xf32>,
      %parallel_loop3A_554 = arith.mulf %parallel_loop3A_462, %parallel_loop3A_548 : vector<16xf32>
      %parallel_loop3A_555 = arith.constant 16 : i32
      %parallel_loop3A_556 = arith.muli %parallel_loop3A_452, %parallel_loop3A_555 : i32
      %parallel_loop3A_557 = arith.constant 512 : i32
      %parallel_loop3A_558 = arith.addi %parallel_loop3A_557, %parallel_loop3A_556 : i32
      %parallel_loop3A_559 = arith.index_cast %parallel_loop3A_558 : i32 to index
      %parallel_loop3A_560 = tpu.vector_load %arg9[%parallel_loop3A_559] {strides = array<i32>} : memref<1552xf32, #tpu.memory_space<vmem>>, vector<16xf32>,
      tpu.vector_store %arg9[%parallel_loop3A_559], %parallel_loop3A_554 {strides = array<i32>} : memref<1552xf32, #tpu.memory_space<vmem>>, vector<16xf32>,
      %parallel_loop3A_561 = arith.mulf %parallel_loop3A_468, %parallel_loop3A_548 : vector<16xf32>
      %parallel_loop3A_562 = arith.constant 16 : i32
      %parallel_loop3A_563 = arith.muli %parallel_loop3A_452, %parallel_loop3A_562 : i32
      %parallel_loop3A_564 = arith.constant 1024 : i32
      %parallel_loop3A_565 = arith.addi %parallel_loop3A_564, %parallel_loop3A_563 : i32
      %parallel_loop3A_566 = arith.index_cast %parallel_loop3A_565 : i32 to index
      %parallel_loop3A_567 = tpu.vector_load %arg9[%parallel_loop3A_566] {strides = array<i32>} : memref<1552xf32, #tpu.memory_space<vmem>>, vector<16xf32>,
      tpu.vector_store %arg9[%parallel_loop3A_566], %parallel_loop3A_561 {strides = array<i32>} : memref<1552xf32, #tpu.memory_space<vmem>>, vector<16xf32>,
    } {sc.loop_unroll_factor = 1 : i64, sc.parallel_access}
    %scan3A_114 = arith.constant 0 : i32
    %scan3A_115 = arith.constant 33 : i32
    %scan3A_116 = arith.addi %scan3A_114, %scan3A_115 : i32
    %scan3A_117 = arith.constant 1 : i32
    scf.for %scan3A_452 = %scan3A_114 to %scan3A_116 step %scan3A_117  : i32 {
      %mul3A_453 = arith.constant 1 : i32
      %mul3A_454 = arith.muli %scan3A_452, %mul3A_453 : i32
      %add3A_455 = arith.constant 0 : i32
      %add3A_456 = arith.addi %add3A_455, %mul3A_454 : i32
      %mul3A_457 = arith.constant 512 : i32
      %mul3A_458 = arith.muli %select_n3A_30, %mul3A_457 : i32
      %mul3A_459 = arith.constant 33 : i32
      %mul3A_460 = arith.muli %mul3A_458, %mul3A_459 : i32
      %add3A_461 = arith.addi %mul3A_460, %add3A_456 : i32
      %parallel_loop3A_462 = arith.constant 0 : i32
      %parallel_loop3A_463 = arith.constant 32 : i32
      %parallel_loop3A_464 = arith.constant 1 : i32
      scf.for %parallel_loop3A_465 = %parallel_loop3A_462 to %parallel_loop3A_463 step %parallel_loop3A_464  : i32 {
        %parallel_loop3A_466 = arith.constant 16 : i32
        %parallel_loop3A_467 = arith.muli %parallel_loop3A_465, %parallel_loop3A_466 : i32
        %parallel_loop3A_468 = vector.broadcast %parallel_loop3A_467 : i32 to vector<16xi32>
        %parallel_loop3A_469 = arith.addi %iota3A, %parallel_loop3A_468 : vector<16xi32>
        %parallel_loop3A_470 = arith.constant 16 : i32
        %parallel_loop3A_471 = arith.muli %parallel_loop3A_465, %parallel_loop3A_470 : i32
        %parallel_loop3A_472 = arith.constant 33 : i32
        %parallel_loop3A_473 = arith.muli %parallel_loop3A_471, %parallel_loop3A_472 : i32
        %parallel_loop3A_474 = arith.addi %parallel_loop3A_473, %add3A_461 : i32
        %parallel_loop3A_475 = vector.broadcast %parallel_loop3A_474 : i32 to vector<16xi32>
        %parallel_loop3A_476 = arith.addi %mul3A_73, %parallel_loop3A_475 : vector<16xi32>
        %parallel_loop3A_477 = tpu.vector_load_idx %arg11[%parallel_loop3A_476] : memref<34336xi32, #tpu.memory_space<vmem>>[vector<16xi32>], vector<16xi32>,
        %parallel_loop3A_478 = tpu.vector_load_idx %arg8[%parallel_loop3A_477] : memref<12288xf32, #tpu.memory_space<vmem>>[vector<16xi32>], vector<16xf32>,
        %parallel_loop3A_479 = arith.constant 4096 : i32
        %parallel_loop3A_480 = vector.broadcast %parallel_loop3A_479 : i32 to vector<16xi32>
        %parallel_loop3A_481 = arith.addi %parallel_loop3A_477, %parallel_loop3A_480 : vector<16xi32>
        %parallel_loop3A_482 = tpu.vector_load_idx %arg8[%parallel_loop3A_481] : memref<12288xf32, #tpu.memory_space<vmem>>[vector<16xi32>], vector<16xf32>,
        %parallel_loop3A_483 = arith.constant 8192 : i32
        %parallel_loop3A_484 = vector.broadcast %parallel_loop3A_483 : i32 to vector<16xi32>
        %parallel_loop3A_485 = arith.addi %parallel_loop3A_477, %parallel_loop3A_484 : vector<16xi32>
        %parallel_loop3A_486 = tpu.vector_load_idx %arg8[%parallel_loop3A_485] : memref<12288xf32, #tpu.memory_space<vmem>>[vector<16xi32>], vector<16xf32>,
        %parallel_loop3A_487 = tpu.vector_load_idx %arg9[%parallel_loop3A_469] : memref<1552xf32, #tpu.memory_space<vmem>>[vector<16xi32>], vector<16xf32>,
        %parallel_loop3A_488 = arith.constant 512 : i32
        %parallel_loop3A_489 = vector.broadcast %parallel_loop3A_488 : i32 to vector<16xi32>
        %parallel_loop3A_490 = arith.addi %parallel_loop3A_469, %parallel_loop3A_489 : vector<16xi32>
        %parallel_loop3A_491 = tpu.vector_load_idx %arg9[%parallel_loop3A_490] : memref<1552xf32, #tpu.memory_space<vmem>>[vector<16xi32>], vector<16xf32>,
        %parallel_loop3A_492 = arith.constant 1024 : i32
        %parallel_loop3A_493 = vector.broadcast %parallel_loop3A_492 : i32 to vector<16xi32>
        %parallel_loop3A_494 = arith.addi %parallel_loop3A_469, %parallel_loop3A_493 : vector<16xi32>
        %parallel_loop3A_495 = tpu.vector_load_idx %arg9[%parallel_loop3A_494] : memref<1552xf32, #tpu.memory_space<vmem>>[vector<16xi32>], vector<16xf32>,
        %parallel_loop3A_496 = arith.mulf %parallel_loop3A_478, %parallel_loop3A_478 : vector<16xf32>
        %parallel_loop3A_497 = arith.mulf %parallel_loop3A_482, %parallel_loop3A_482 : vector<16xf32>
        %parallel_loop3A_498 = arith.addf %parallel_loop3A_496, %parallel_loop3A_497 : vector<16xf32>
        %parallel_loop3A_499 = arith.mulf %parallel_loop3A_486, %parallel_loop3A_486 : vector<16xf32>
        %parallel_loop3A_500 = arith.addf %parallel_loop3A_498, %parallel_loop3A_499 : vector<16xf32>
        %parallel_loop3A_501 = arith.constant 9.99999996E-13 : f32
        %parallel_loop3A_502 = vector.broadcast %parallel_loop3A_501 : f32 to vector<16xf32>
        %parallel_loop3A_503 = arith.addf %parallel_loop3A_500, %parallel_loop3A_502 : vector<16xf32>
        %parallel_loop3A_504 = tpu.bitcast %parallel_loop3A_503 : vector<16xf32> -> vector<16xi32>
        %parallel_loop3A_505 = arith.constant 1 : i32
        %parallel_loop3A_506 = vector.broadcast %parallel_loop3A_505 : i32 to vector<16xi32>
        %parallel_loop3A_507 = arith.shrui %parallel_loop3A_504, %parallel_loop3A_506 : vector<16xi32>
        %parallel_loop3A_508 = arith.constant 1597463007 : i32
        %parallel_loop3A_509 = vector.broadcast %parallel_loop3A_508 : i32 to vector<16xi32>
        %parallel_loop3A_510 = arith.subi %parallel_loop3A_509, %parallel_loop3A_507 : vector<16xi32>
        %parallel_loop3A_511 = tpu.bitcast %parallel_loop3A_510 : vector<16xi32> -> vector<16xf32>
        %parallel_loop3A_512 = arith.constant 5.000000e-01 : f32
        %parallel_loop3A_513 = vector.broadcast %parallel_loop3A_512 : f32 to vector<16xf32>
        %parallel_loop3A_514 = arith.mulf %parallel_loop3A_513, %parallel_loop3A_503 : vector<16xf32>
        %parallel_loop3A_515 = arith.mulf %parallel_loop3A_514, %parallel_loop3A_511 : vector<16xf32>
        %parallel_loop3A_516 = arith.mulf %parallel_loop3A_515, %parallel_loop3A_511 : vector<16xf32>
        %parallel_loop3A_517 = arith.constant 1.500000e+00 : f32
        %parallel_loop3A_518 = vector.broadcast %parallel_loop3A_517 : f32 to vector<16xf32>
        %parallel_loop3A_519 = arith.subf %parallel_loop3A_518, %parallel_loop3A_516 : vector<16xf32>
        %parallel_loop3A_520 = arith.mulf %parallel_loop3A_511, %parallel_loop3A_519 : vector<16xf32>
        %parallel_loop3A_521 = arith.constant 5.000000e-01 : f32
        %parallel_loop3A_522 = vector.broadcast %parallel_loop3A_521 : f32 to vector<16xf32>
        %parallel_loop3A_523 = arith.mulf %parallel_loop3A_522, %parallel_loop3A_503 : vector<16xf32>
        %parallel_loop3A_524 = arith.mulf %parallel_loop3A_523, %parallel_loop3A_520 : vector<16xf32>
        %parallel_loop3A_525 = arith.mulf %parallel_loop3A_524, %parallel_loop3A_520 : vector<16xf32>
        %parallel_loop3A_526 = arith.constant 1.500000e+00 : f32
        %parallel_loop3A_527 = vector.broadcast %parallel_loop3A_526 : f32 to vector<16xf32>
        %parallel_loop3A_528 = arith.subf %parallel_loop3A_527, %parallel_loop3A_525 : vector<16xf32>
        %parallel_loop3A_529 = arith.mulf %parallel_loop3A_520, %parallel_loop3A_528 : vector<16xf32>
        %parallel_loop3A_530 = arith.constant 5.000000e-01 : f32
        %parallel_loop3A_531 = vector.broadcast %parallel_loop3A_530 : f32 to vector<16xf32>
        %parallel_loop3A_532 = arith.mulf %parallel_loop3A_531, %parallel_loop3A_503 : vector<16xf32>
        %parallel_loop3A_533 = arith.mulf %parallel_loop3A_532, %parallel_loop3A_529 : vector<16xf32>
        %parallel_loop3A_534 = arith.mulf %parallel_loop3A_533, %parallel_loop3A_529 : vector<16xf32>
        %parallel_loop3A_535 = arith.constant 1.500000e+00 : f32
        %parallel_loop3A_536 = vector.broadcast %parallel_loop3A_535 : f32 to vector<16xf32>
        %parallel_loop3A_537 = arith.subf %parallel_loop3A_536, %parallel_loop3A_534 : vector<16xf32>
        %parallel_loop3A_538 = arith.mulf %parallel_loop3A_529, %parallel_loop3A_537 : vector<16xf32>
        %parallel_loop3A_539 = arith.mulf %parallel_loop3A_487, %parallel_loop3A_478 : vector<16xf32>
        %parallel_loop3A_540 = arith.mulf %parallel_loop3A_491, %parallel_loop3A_482 : vector<16xf32>
        %parallel_loop3A_541 = arith.addf %parallel_loop3A_539, %parallel_loop3A_540 : vector<16xf32>
        %parallel_loop3A_542 = arith.mulf %parallel_loop3A_495, %parallel_loop3A_486 : vector<16xf32>
        %parallel_loop3A_543 = arith.addf %parallel_loop3A_541, %parallel_loop3A_542 : vector<16xf32>
        %parallel_loop3A_544 = arith.mulf %parallel_loop3A_543, %parallel_loop3A_538 : vector<16xf32>
        %parallel_loop3A_545 = arith.constant -0.999998986 : f32
        %parallel_loop3A_546 = vector.broadcast %parallel_loop3A_545 : f32 to vector<16xf32>
        %parallel_loop3A_547 = arith.maximumf %parallel_loop3A_544, %parallel_loop3A_546 : vector<16xf32>
        %parallel_loop3A_548 = arith.constant 0.999998986 : f32
        %parallel_loop3A_549 = vector.broadcast %parallel_loop3A_548 : f32 to vector<16xf32>
        %parallel_loop3A_550 = arith.minimumf %parallel_loop3A_547, %parallel_loop3A_549 : vector<16xf32>
        %parallel_loop3A_551 = arith.constant 4 : i32
        %parallel_loop3A_552 = arith.muli %select_n3A_30, %parallel_loop3A_551 : i32
        %parallel_loop3A_553 = arith.constant 8 : i32
        %parallel_loop3A_554 = arith.divsi %parallel_loop3A_465, %parallel_loop3A_553 : i32
        %parallel_loop3A_555 = arith.constant 0 : i32
        %parallel_loop3A_556 = arith.cmpi sgt, %parallel_loop3A_465, %parallel_loop3A_555 : i32
        %parallel_loop3A_557 = arith.extui %parallel_loop3A_556 : i1 to i32
        %parallel_loop3A_558 = arith.constant 0 : i32
        %parallel_loop3A_559 = arith.cmpi slt, %parallel_loop3A_465, %parallel_loop3A_558 : i32
        %parallel_loop3A_560 = arith.extui %parallel_loop3A_559 : i1 to i32
        %parallel_loop3A_561 = arith.subi %parallel_loop3A_557, %parallel_loop3A_560 : i32
        %parallel_loop3A_562 = arith.constant 0 : i32
        %parallel_loop3A_563 = arith.cmpi sgt, %parallel_loop3A_553, %parallel_loop3A_562 : i32
        %parallel_loop3A_564 = arith.extui %parallel_loop3A_563 : i1 to i32
        %parallel_loop3A_565 = arith.constant 0 : i32
        %parallel_loop3A_566 = arith.cmpi slt, %parallel_loop3A_553, %parallel_loop3A_565 : i32
        %parallel_loop3A_567 = arith.extui %parallel_loop3A_566 : i1 to i32
        %parallel_loop3A_568 = arith.subi %parallel_loop3A_564, %parallel_loop3A_567 : i32
        %parallel_loop3A_569 = arith.cmpi ne, %parallel_loop3A_561, %parallel_loop3A_568 : i32
        %parallel_loop3A_570 = arith.remsi %parallel_loop3A_465, %parallel_loop3A_553 : i32
        %parallel_loop3A_571 = arith.constant 0 : i32
        %parallel_loop3A_572 = arith.cmpi ne, %parallel_loop3A_570, %parallel_loop3A_571 : i32
        %parallel_loop3A_573 = arith.andi %parallel_loop3A_569, %parallel_loop3A_572 : i1
        %parallel_loop3A_574 = arith.constant 1 : i32
        %parallel_loop3A_575 = arith.subi %parallel_loop3A_554, %parallel_loop3A_574 : i32
        %parallel_loop3A_576 = arith.select %parallel_loop3A_573, %parallel_loop3A_575, %parallel_loop3A_554 : i32
        %parallel_loop3A_577 = arith.addi %parallel_loop3A_552, %parallel_loop3A_576 : i32
        %parallel_loop3A_578 = arith.constant 8 : i32
        %parallel_loop3A_579 = arith.constant 0 : i32
        %parallel_loop3A_580 = arith.cmpi eq, %parallel_loop3A_578, %parallel_loop3A_579 : i32
        %parallel_loop3A_581 = arith.constant 1 : i32
        %parallel_loop3A_582 = arith.select %parallel_loop3A_580, %parallel_loop3A_581, %parallel_loop3A_578 : i32
        %parallel_loop3A_583 = arith.remsi %parallel_loop3A_465, %parallel_loop3A_582 : i32
        %parallel_loop3A_584 = arith.constant 0 : i32
        %parallel_loop3A_585 = arith.cmpi ne, %parallel_loop3A_583, %parallel_loop3A_584 : i32
        %parallel_loop3A_586 = arith.constant 0 : i32
        %parallel_loop3A_587 = arith.cmpi slt, %parallel_loop3A_583, %parallel_loop3A_586 : i32
        %parallel_loop3A_588 = arith.constant 0 : i32
        %parallel_loop3A_589 = arith.cmpi slt, %parallel_loop3A_582, %parallel_loop3A_588 : i32
        %parallel_loop3A_590 = arith.xori %parallel_loop3A_587, %parallel_loop3A_589 : i1
        %parallel_loop3A_591 = arith.andi %parallel_loop3A_590, %parallel_loop3A_585 : i1
        %parallel_loop3A_592 = arith.addi %parallel_loop3A_583, %parallel_loop3A_582 : i32
        %parallel_loop3A_593 = arith.select %parallel_loop3A_591, %parallel_loop3A_592, %parallel_loop3A_583 : i32
        %parallel_loop3A_594 = arith.constant 16 : i32
        %parallel_loop3A_595 = arith.muli %parallel_loop3A_593, %parallel_loop3A_594 : i32
        %parallel_loop3A_596 = arith.mulf %parallel_loop3A_503, %parallel_loop3A_538 : vector<16xf32>
        %parallel_loop3A_597 = arith.index_cast %add3A_456 : i32 to index
        %parallel_loop3A_598 = arith.index_cast %parallel_loop3A_577 : i32 to index
        %parallel_loop3A_599 = arith.index_cast %parallel_loop3A_595 : i32 to index
        %parallel_loop3A_600 = tpu.vector_load %arg12[%parallel_loop3A_597, %parallel_loop3A_598, %parallel_loop3A_599] {strides = array<i32>} : memref<33x8x128xf32, #tpu.memory_space<vmem>>, vector<16xf32>,
        tpu.vector_store %arg12[%parallel_loop3A_597, %parallel_loop3A_598, %parallel_loop3A_599], %parallel_loop3A_596 {strides = array<i32>} : memref<33x8x128xf32, #tpu.memory_space<vmem>>, vector<16xf32>,
        %parallel_loop3A_601 = math.absf %parallel_loop3A_550 : vector<16xf32>
        %parallel_loop3A_602 = arith.constant 1.000000e+00 : f32
        %parallel_loop3A_603 = vector.broadcast %parallel_loop3A_602 : f32 to vector<16xf32>
        %parallel_loop3A_604 = arith.subf %parallel_loop3A_603, %parallel_loop3A_601 : vector<16xf32>
        %parallel_loop3A_605 = tpu.bitcast %parallel_loop3A_604 : vector<16xf32> -> vector<16xi32>
        %parallel_loop3A_606 = arith.constant 1 : i32
        %parallel_loop3A_607 = vector.broadcast %parallel_loop3A_606 : i32 to vector<16xi32>
        %parallel_loop3A_608 = arith.shrui %parallel_loop3A_605, %parallel_loop3A_607 : vector<16xi32>
        %parallel_loop3A_609 = arith.constant 1597463007 : i32
        %parallel_loop3A_610 = vector.broadcast %parallel_loop3A_609 : i32 to vector<16xi32>
        %parallel_loop3A_611 = arith.subi %parallel_loop3A_610, %parallel_loop3A_608 : vector<16xi32>
        %parallel_loop3A_612 = tpu.bitcast %parallel_loop3A_611 : vector<16xi32> -> vector<16xf32>
        %parallel_loop3A_613 = arith.constant 5.000000e-01 : f32
        %parallel_loop3A_614 = vector.broadcast %parallel_loop3A_613 : f32 to vector<16xf32>
        %parallel_loop3A_615 = arith.mulf %parallel_loop3A_614, %parallel_loop3A_604 : vector<16xf32>
        %parallel_loop3A_616 = arith.mulf %parallel_loop3A_615, %parallel_loop3A_612 : vector<16xf32>
        %parallel_loop3A_617 = arith.mulf %parallel_loop3A_616, %parallel_loop3A_612 : vector<16xf32>
        %parallel_loop3A_618 = arith.constant 1.500000e+00 : f32
        %parallel_loop3A_619 = vector.broadcast %parallel_loop3A_618 : f32 to vector<16xf32>
        %parallel_loop3A_620 = arith.subf %parallel_loop3A_619, %parallel_loop3A_617 : vector<16xf32>
        %parallel_loop3A_621 = arith.mulf %parallel_loop3A_612, %parallel_loop3A_620 : vector<16xf32>
        %parallel_loop3A_622 = arith.constant 5.000000e-01 : f32
        %parallel_loop3A_623 = vector.broadcast %parallel_loop3A_622 : f32 to vector<16xf32>
        %parallel_loop3A_624 = arith.mulf %parallel_loop3A_623, %parallel_loop3A_604 : vector<16xf32>
        %parallel_loop3A_625 = arith.mulf %parallel_loop3A_624, %parallel_loop3A_621 : vector<16xf32>
        %parallel_loop3A_626 = arith.mulf %parallel_loop3A_625, %parallel_loop3A_621 : vector<16xf32>
        %parallel_loop3A_627 = arith.constant 1.500000e+00 : f32
        %parallel_loop3A_628 = vector.broadcast %parallel_loop3A_627 : f32 to vector<16xf32>
        %parallel_loop3A_629 = arith.subf %parallel_loop3A_628, %parallel_loop3A_626 : vector<16xf32>
        %parallel_loop3A_630 = arith.mulf %parallel_loop3A_621, %parallel_loop3A_629 : vector<16xf32>
        %parallel_loop3A_631 = arith.constant 5.000000e-01 : f32
        %parallel_loop3A_632 = vector.broadcast %parallel_loop3A_631 : f32 to vector<16xf32>
        %parallel_loop3A_633 = arith.mulf %parallel_loop3A_632, %parallel_loop3A_604 : vector<16xf32>
        %parallel_loop3A_634 = arith.mulf %parallel_loop3A_633, %parallel_loop3A_630 : vector<16xf32>
        %parallel_loop3A_635 = arith.mulf %parallel_loop3A_634, %parallel_loop3A_630 : vector<16xf32>
        %parallel_loop3A_636 = arith.constant 1.500000e+00 : f32
        %parallel_loop3A_637 = vector.broadcast %parallel_loop3A_636 : f32 to vector<16xf32>
        %parallel_loop3A_638 = arith.subf %parallel_loop3A_637, %parallel_loop3A_635 : vector<16xf32>
        %parallel_loop3A_639 = arith.mulf %parallel_loop3A_630, %parallel_loop3A_638 : vector<16xf32>
        %parallel_loop3A_640 = arith.mulf %parallel_loop3A_604, %parallel_loop3A_639 : vector<16xf32>
        %parallel_loop3A_641 = arith.constant -0.0012624911 : f32
        %parallel_loop3A_642 = vector.broadcast %parallel_loop3A_641 : f32 to vector<16xf32>
        %parallel_loop3A_643 = arith.mulf %parallel_loop3A_642, %parallel_loop3A_601 : vector<16xf32>
        %parallel_loop3A_644 = arith.constant 6.670090e-03 : f32
        %parallel_loop3A_645 = vector.broadcast %parallel_loop3A_644 : f32 to vector<16xf32>
        %parallel_loop3A_646 = arith.addf %parallel_loop3A_643, %parallel_loop3A_645 : vector<16xf32>
        %parallel_loop3A_647 = arith.mulf %parallel_loop3A_646, %parallel_loop3A_601 : vector<16xf32>
        %parallel_loop3A_648 = arith.constant -0.0170881264 : f32
        %parallel_loop3A_649 = vector.broadcast %parallel_loop3A_648 : f32 to vector<16xf32>
        %parallel_loop3A_650 = arith.addf %parallel_loop3A_647, %parallel_loop3A_649 : vector<16xf32>
        %parallel_loop3A_651 = arith.mulf %parallel_loop3A_650, %parallel_loop3A_601 : vector<16xf32>
        %parallel_loop3A_652 = arith.constant 0.0308918804 : f32
        %parallel_loop3A_653 = vector.broadcast %parallel_loop3A_652 : f32 to vector<16xf32>
        %parallel_loop3A_654 = arith.addf %parallel_loop3A_651, %parallel_loop3A_653 : vector<16xf32>
        %parallel_loop3A_655 = arith.mulf %parallel_loop3A_654, %parallel_loop3A_601 : vector<16xf32>
        %parallel_loop3A_656 = arith.constant -0.0501743034 : f32
        %parallel_loop3A_657 = vector.broadcast %parallel_loop3A_656 : f32 to vector<16xf32>
        %parallel_loop3A_658 = arith.addf %parallel_loop3A_655, %parallel_loop3A_657 : vector<16xf32>
        %parallel_loop3A_659 = arith.mulf %parallel_loop3A_658, %parallel_loop3A_601 : vector<16xf32>
        %parallel_loop3A_660 = arith.constant 0.0889789909 : f32
        %parallel_loop3A_661 = vector.broadcast %parallel_loop3A_660 : f32 to vector<16xf32>
        %parallel_loop3A_662 = arith.addf %parallel_loop3A_659, %parallel_loop3A_661 : vector<16xf32>
        %parallel_loop3A_663 = arith.mulf %parallel_loop3A_662, %parallel_loop3A_601 : vector<16xf32>
        %parallel_loop3A_664 = arith.constant -0.214598805 : f32
        %parallel_loop3A_665 = vector.broadcast %parallel_loop3A_664 : f32 to vector<16xf32>
        %parallel_loop3A_666 = arith.addf %parallel_loop3A_663, %parallel_loop3A_665 : vector<16xf32>
        %parallel_loop3A_667 = arith.mulf %parallel_loop3A_666, %parallel_loop3A_601 : vector<16xf32>
        %parallel_loop3A_668 = arith.constant 1.57079625 : f32
        %parallel_loop3A_669 = vector.broadcast %parallel_loop3A_668 : f32 to vector<16xf32>
        %parallel_loop3A_670 = arith.addf %parallel_loop3A_667, %parallel_loop3A_669 : vector<16xf32>
        %parallel_loop3A_671 = arith.mulf %parallel_loop3A_640, %parallel_loop3A_670 : vector<16xf32>
        %parallel_loop3A_672 = arith.constant 0.000000e+00 : f32
        %parallel_loop3A_673 = vector.broadcast %parallel_loop3A_672 : f32 to vector<16xf32>
        %parallel_loop3A_674 = arith.cmpf oge, %parallel_loop3A_550, %parallel_loop3A_673 : vector<16xf32>
        %parallel_loop3A_675 = arith.constant 3.14159274 : f32
        %parallel_loop3A_676 = vector.broadcast %parallel_loop3A_675 : f32 to vector<16xf32>
        %parallel_loop3A_677 = arith.subf %parallel_loop3A_676, %parallel_loop3A_671 : vector<16xf32>
        %parallel_loop3A_678 = arith.select %parallel_loop3A_674, %parallel_loop3A_671, %parallel_loop3A_677 : vector<16xi1>, vector<16xf32>
        %parallel_loop3A_679 = arith.index_cast %add3A_456 : i32 to index
        %parallel_loop3A_680 = arith.index_cast %parallel_loop3A_577 : i32 to index
        %parallel_loop3A_681 = arith.index_cast %parallel_loop3A_595 : i32 to index
        %parallel_loop3A_682 = tpu.vector_load %arg13[%parallel_loop3A_679, %parallel_loop3A_680, %parallel_loop3A_681] {strides = array<i32>} : memref<33x8x128xf32, #tpu.memory_space<vmem>>, vector<16xf32>,
        tpu.vector_store %arg13[%parallel_loop3A_679, %parallel_loop3A_680, %parallel_loop3A_681], %parallel_loop3A_678 {strides = array<i32>} : memref<33x8x128xf32, #tpu.memory_space<vmem>>, vector<16xf32>,
      } {sc.loop_unroll_factor = 2 : i64, sc.parallel_access}
    }
    %scan3A_118 = arith.constant 33 : i32
    %mul3A_119 = arith.constant 4 : i32
    %mul3A_120 = arith.muli %select_n3A_30, %mul3A_119 : i32
    %mul3A_121 = arith.constant 4 : i32
    %mul3A_122 = arith.muli %select_n3A_30, %mul3A_121 : i32
    "tpu.region"() ({
      %run_scoped3A = tpu.sem_alloc : memref<!tpu.dma_semaphore, #tpu.memory_space<semaphore_mem>>
      %dma_start3A_452 = arith.constant 0 : i32
      %dma_start3A_453 = arith.constant 0 : i32
      %dma_start3A_454 = tpu.memref_slice %arg12[%dma_start3A_452, %mul3A_120, %dma_start3A_453] : memref<33x8x128xf32, #tpu.memory_space<vmem>> -> memref<33x4x128xf32, #tpu.memory_space<vmem>>
      %dma_start3A_455 = arith.constant 0 : i32
      %dma_start3A_456 = arith.constant 0 : i32
      %dma_start3A_457 = tpu.memref_slice %arg6[%dma_start3A_455, %select_n3A_54, %mul3A_122, %select_n3A_70, %dma_start3A_456] : memref<4290x2x8x8x128xf32, #tpu.memory_space<hbm>> -> memref<33x1x4x1x128xf32, #tpu.memory_space<hbm>>
      %dma_start3A_458 = tpu.memref_squeeze %dma_start3A_457 : memref<33x1x4x1x128xf32, #tpu.memory_space<hbm>> -> memref<33x4x128xf32, #tpu.memory_space<hbm>>
      %dma_start3A_459 = arith.constant 0 : i32
      %dma_start3A_460 = arith.constant 0 : i32
      %dma_start3A_461 = tpu.memref_slice %arg6[%dma_start3A_459, %select_n3A_54, %mul3A_122, %select_n3A_70, %dma_start3A_460] : memref<4290x2x8x8x128xf32, #tpu.memory_space<hbm>> -> memref<33x1x4x1x128xf32, #tpu.memory_space<hbm>>
      %dma_start3A_462 = tpu.memref_squeeze %dma_start3A_461 : memref<33x1x4x1x128xf32, #tpu.memory_space<hbm>> -> memref<33x4x128xf32, #tpu.memory_space<hbm>>
      %dma_start3A_463 = arith.constant 0 : i32
      %dma_start3A_464 = arith.constant 0 : i32
      %dma_start3A_465 = tpu.memref_slice %arg12[%dma_start3A_463, %mul3A_120, %dma_start3A_464] : memref<33x8x128xf32, #tpu.memory_space<vmem>> -> memref<33x4x128xf32, #tpu.memory_space<vmem>>
      tpu.enqueue_dma source(%dma_start3A_465 : memref<33x4x128xf32, #tpu.memory_space<vmem>>) target(%dma_start3A_462 : memref<33x4x128xf32, #tpu.memory_space<hbm>>) target_semaphore(%run_scoped3A : memref<!tpu.dma_semaphore, #tpu.memory_space<semaphore_mem>>)
      %dma_wait3A_466 = arith.constant 0 : i32
      %dma_wait3A_467 = arith.constant 0 : i32
      %dma_wait3A_468 = tpu.memref_slice %arg12[%dma_wait3A_466, %mul3A_120, %dma_wait3A_467] : memref<33x8x128xf32, #tpu.memory_space<vmem>> -> memref<33x4x128xf32, #tpu.memory_space<vmem>>
      %dma_wait3A_469 = arith.constant 0 : i32
      %dma_wait3A_470 = arith.constant 0 : i32
      %dma_wait3A_471 = tpu.memref_slice %arg6[%dma_wait3A_469, %select_n3A_54, %mul3A_122, %select_n3A_70, %dma_wait3A_470] : memref<4290x2x8x8x128xf32, #tpu.memory_space<hbm>> -> memref<33x1x4x1x128xf32, #tpu.memory_space<hbm>>
      %dma_wait3A_472 = tpu.memref_squeeze %dma_wait3A_471 : memref<33x1x4x1x128xf32, #tpu.memory_space<hbm>> -> memref<33x4x128xf32, #tpu.memory_space<hbm>>
      %dma_wait3A_473 = arith.constant 0 : i32
      %dma_wait3A_474 = arith.constant 0 : i32
      %dma_wait3A_475 = tpu.memref_slice %arg6[%dma_wait3A_473, %select_n3A_54, %mul3A_122, %select_n3A_70, %dma_wait3A_474] : memref<4290x2x8x8x128xf32, #tpu.memory_space<hbm>> -> memref<33x1x4x1x128xf32, #tpu.memory_space<hbm>>
      %dma_wait3A_476 = tpu.memref_squeeze %dma_wait3A_475 : memref<33x1x4x1x128xf32, #tpu.memory_space<hbm>> -> memref<33x4x128xf32, #tpu.memory_space<hbm>>
      %dma_wait3A_477 = arith.constant 0 : i32
      %dma_wait3A_478 = arith.constant 0 : i32
      %dma_wait3A_479 = tpu.memref_slice %arg12[%dma_wait3A_477, %mul3A_120, %dma_wait3A_478] : memref<33x8x128xf32, #tpu.memory_space<vmem>> -> memref<33x4x128xf32, #tpu.memory_space<vmem>>
      tpu.wait_dma2 semaphore(%run_scoped3A : memref<!tpu.dma_semaphore, #tpu.memory_space<semaphore_mem>>) src(%dma_wait3A_479 : memref<33x4x128xf32, #tpu.memory_space<vmem>>) dst(%dma_wait3A_476 : memref<33x4x128xf32, #tpu.memory_space<hbm>>)
      tpu.yield
    }) : () -> ()
    %mul3A_123 = arith.constant 4 : i32
    %mul3A_124 = arith.muli %select_n3A_30, %mul3A_123 : i32
    %mul3A_125 = arith.constant 4 : i32
    %mul3A_126 = arith.muli %select_n3A_30, %mul3A_125 : i32
    "tpu.region"() ({
      %run_scoped3A = tpu.sem_alloc : memref<!tpu.dma_semaphore, #tpu.memory_space<semaphore_mem>>
      %dma_start3A_452 = arith.constant 0 : i32
      %dma_start3A_453 = arith.constant 0 : i32
      %dma_start3A_454 = tpu.memref_slice %arg13[%dma_start3A_452, %mul3A_124, %dma_start3A_453] : memref<33x8x128xf32, #tpu.memory_space<vmem>> -> memref<33x4x128xf32, #tpu.memory_space<vmem>>
      %dma_start3A_455 = arith.constant 33 : i32
      %dma_start3A_456 = arith.constant 0 : i32
      %dma_start3A_457 = tpu.memref_slice %arg6[%dma_start3A_455, %select_n3A_54, %mul3A_126, %select_n3A_70, %dma_start3A_456] : memref<4290x2x8x8x128xf32, #tpu.memory_space<hbm>> -> memref<33x1x4x1x128xf32, #tpu.memory_space<hbm>>
      %dma_start3A_458 = tpu.memref_squeeze %dma_start3A_457 : memref<33x1x4x1x128xf32, #tpu.memory_space<hbm>> -> memref<33x4x128xf32, #tpu.memory_space<hbm>>
      %dma_start3A_459 = arith.constant 33 : i32
      %dma_start3A_460 = arith.constant 0 : i32
      %dma_start3A_461 = tpu.memref_slice %arg6[%dma_start3A_459, %select_n3A_54, %mul3A_126, %select_n3A_70, %dma_start3A_460] : memref<4290x2x8x8x128xf32, #tpu.memory_space<hbm>> -> memref<33x1x4x1x128xf32, #tpu.memory_space<hbm>>
      %dma_start3A_462 = tpu.memref_squeeze %dma_start3A_461 : memref<33x1x4x1x128xf32, #tpu.memory_space<hbm>> -> memref<33x4x128xf32, #tpu.memory_space<hbm>>
      %dma_start3A_463 = arith.constant 0 : i32
      %dma_start3A_464 = arith.constant 0 : i32
      %dma_start3A_465 = tpu.memref_slice %arg13[%dma_start3A_463, %mul3A_124, %dma_start3A_464] : memref<33x8x128xf32, #tpu.memory_space<vmem>> -> memref<33x4x128xf32, #tpu.memory_space<vmem>>
      tpu.enqueue_dma source(%dma_start3A_465 : memref<33x4x128xf32, #tpu.memory_space<vmem>>) target(%dma_start3A_462 : memref<33x4x128xf32, #tpu.memory_space<hbm>>) target_semaphore(%run_scoped3A : memref<!tpu.dma_semaphore, #tpu.memory_space<semaphore_mem>>)
      %dma_wait3A_466 = arith.constant 0 : i32
      %dma_wait3A_467 = arith.constant 0 : i32
      %dma_wait3A_468 = tpu.memref_slice %arg13[%dma_wait3A_466, %mul3A_124, %dma_wait3A_467] : memref<33x8x128xf32, #tpu.memory_space<vmem>> -> memref<33x4x128xf32, #tpu.memory_space<vmem>>
      %dma_wait3A_469 = arith.constant 33 : i32
      %dma_wait3A_470 = arith.constant 0 : i32
      %dma_wait3A_471 = tpu.memref_slice %arg6[%dma_wait3A_469, %select_n3A_54, %mul3A_126, %select_n3A_70, %dma_wait3A_470] : memref<4290x2x8x8x128xf32, #tpu.memory_space<hbm>> -> memref<33x1x4x1x128xf32, #tpu.memory_space<hbm>>
      %dma_wait3A_472 = tpu.memref_squeeze %dma_wait3A_471 : memref<33x1x4x1x128xf32, #tpu.memory_space<hbm>> -> memref<33x4x128xf32, #tpu.memory_space<hbm>>
      %dma_wait3A_473 = arith.constant 33 : i32
      %dma_wait3A_474 = arith.constant 0 : i32
      %dma_wait3A_475 = tpu.memref_slice %arg6[%dma_wait3A_473, %select_n3A_54, %mul3A_126, %select_n3A_70, %dma_wait3A_474] : memref<4290x2x8x8x128xf32, #tpu.memory_space<hbm>> -> memref<33x1x4x1x128xf32, #tpu.memory_space<hbm>>
      %dma_wait3A_476 = tpu.memref_squeeze %dma_wait3A_475 : memref<33x1x4x1x128xf32, #tpu.memory_space<hbm>> -> memref<33x4x128xf32, #tpu.memory_space<hbm>>
      %dma_wait3A_477 = arith.constant 0 : i32
      %dma_wait3A_478 = arith.constant 0 : i32
      %dma_wait3A_479 = tpu.memref_slice %arg13[%dma_wait3A_477, %mul3A_124, %dma_wait3A_478] : memref<33x8x128xf32, #tpu.memory_space<vmem>> -> memref<33x4x128xf32, #tpu.memory_space<vmem>>
      tpu.wait_dma2 semaphore(%run_scoped3A : memref<!tpu.dma_semaphore, #tpu.memory_space<semaphore_mem>>) src(%dma_wait3A_479 : memref<33x4x128xf32, #tpu.memory_space<vmem>>) dst(%dma_wait3A_476 : memref<33x4x128xf32, #tpu.memory_space<hbm>>)
      tpu.yield
    }) : () -> ()
    %mul3A_127 = arith.constant 1024 : i32
    %mul3A_128 = arith.muli %select_n3A, %mul3A_127 : i32
    %mul3A_129 = arith.constant 33 : i32
    %mul3A_130 = arith.muli %mul3A_128, %mul3A_129 : i32
    %mul3A_131 = arith.constant 16896 : i32
    %mul3A_132 = arith.muli %select_n3A_30, %mul3A_131 : i32
    %mul3A_133 = arith.constant 16896 : i32
    %mul3A_134 = arith.muli %select_n3A_30, %mul3A_133 : i32
    %add3A_135 = arith.addi %mul3A_130, %mul3A_134 : i32
    "tpu.region"() ({
      %run_scoped3A = tpu.sem_alloc : memref<!tpu.dma_semaphore, #tpu.memory_space<semaphore_mem>>
      %dma_start3A_452 = tpu.memref_slice %arg11[%mul3A_132] : memref<34336xi32, #tpu.memory_space<vmem>> -> memref<16896xi32, #tpu.memory_space<vmem>>
      %dma_start3A_453 = tpu.memref_slice %arg7[%add3A_135] : memref<540672xi32, #tpu.memory_space<hbm>> -> memref<16896xi32, #tpu.memory_space<hbm>>
      %dma_start3A_454 = tpu.memref_slice %arg7[%add3A_135] : memref<540672xi32, #tpu.memory_space<hbm>> -> memref<16896xi32, #tpu.memory_space<hbm>>
      %dma_start3A_455 = tpu.memref_slice %arg11[%mul3A_132] : memref<34336xi32, #tpu.memory_space<vmem>> -> memref<16896xi32, #tpu.memory_space<vmem>>
      tpu.enqueue_dma source(%dma_start3A_455 : memref<16896xi32, #tpu.memory_space<vmem>>) target(%dma_start3A_454 : memref<16896xi32, #tpu.memory_space<hbm>>) target_semaphore(%run_scoped3A : memref<!tpu.dma_semaphore, #tpu.memory_space<semaphore_mem>>)
      %dma_wait3A_456 = tpu.memref_slice %arg11[%mul3A_132] : memref<34336xi32, #tpu.memory_space<vmem>> -> memref<16896xi32, #tpu.memory_space<vmem>>
      %dma_wait3A_457 = tpu.memref_slice %arg7[%add3A_135] : memref<540672xi32, #tpu.memory_space<hbm>> -> memref<16896xi32, #tpu.memory_space<hbm>>
      %dma_wait3A_458 = tpu.memref_slice %arg7[%add3A_135] : memref<540672xi32, #tpu.memory_space<hbm>> -> memref<16896xi32, #tpu.memory_space<hbm>>
      %dma_wait3A_459 = tpu.memref_slice %arg11[%mul3A_132] : memref<34336xi32, #tpu.memory_space<vmem>> -> memref<16896xi32, #tpu.memory_space<vmem>>
      tpu.wait_dma2 semaphore(%run_scoped3A : memref<!tpu.dma_semaphore, #tpu.memory_space<semaphore_mem>>) src(%dma_wait3A_459 : memref<16896xi32, #tpu.memory_space<vmem>>) dst(%dma_wait3A_458 : memref<16896xi32, #tpu.memory_space<hbm>>)
      tpu.yield
    }) : () -> ()
    %barrier3A = arith.constant 0 : index
    tpu.barrier barrier_id(%barrier3A)
    %sub3A_136 = arith.constant 1 : i32
    %sub3A_137 = arith.subi %sub3A_136, %select_n3A_30 : i32
    %mul3A_138 = arith.constant 16896 : i32
    %mul3A_139 = arith.muli %sub3A_137, %mul3A_138 : i32
    %add3A_140 = arith.addi %mul3A_130, %mul3A_139 : i32
    %sub3A_141 = arith.constant 1 : i32
    %sub3A_142 = arith.subi %sub3A_141, %select_n3A_30 : i32
    %mul3A_143 = arith.constant 16896 : i32
    %mul3A_144 = arith.muli %sub3A_142, %mul3A_143 : i32
    "tpu.region"() ({
      %run_scoped3A = tpu.sem_alloc : memref<!tpu.dma_semaphore, #tpu.memory_space<semaphore_mem>>
      %dma_start3A_452 = tpu.memref_slice %arg11[%mul3A_144] : memref<34336xi32, #tpu.memory_space<vmem>> -> memref<16896xi32, #tpu.memory_space<vmem>>
      %dma_start3A_453 = tpu.memref_slice %arg7[%add3A_140] : memref<540672xi32, #tpu.memory_space<hbm>> -> memref<16896xi32, #tpu.memory_space<hbm>>
      %dma_start3A_454 = tpu.memref_slice %arg11[%mul3A_144] : memref<34336xi32, #tpu.memory_space<vmem>> -> memref<16896xi32, #tpu.memory_space<vmem>>
      %dma_start3A_455 = tpu.memref_slice %arg7[%add3A_140] : memref<540672xi32, #tpu.memory_space<hbm>> -> memref<16896xi32, #tpu.memory_space<hbm>>
      tpu.enqueue_dma source(%dma_start3A_455 : memref<16896xi32, #tpu.memory_space<hbm>>) target(%dma_start3A_454 : memref<16896xi32, #tpu.memory_space<vmem>>) target_semaphore(%run_scoped3A : memref<!tpu.dma_semaphore, #tpu.memory_space<semaphore_mem>>)
      %dma_wait3A_456 = tpu.memref_slice %arg11[%mul3A_144] : memref<34336xi32, #tpu.memory_space<vmem>> -> memref<16896xi32, #tpu.memory_space<vmem>>
      %dma_wait3A_457 = tpu.memref_slice %arg7[%add3A_140] : memref<540672xi32, #tpu.memory_space<hbm>> -> memref<16896xi32, #tpu.memory_space<hbm>>
      %dma_wait3A_458 = tpu.memref_slice %arg11[%mul3A_144] : memref<34336xi32, #tpu.memory_space<vmem>> -> memref<16896xi32, #tpu.memory_space<vmem>>
      %dma_wait3A_459 = tpu.memref_slice %arg7[%add3A_140] : memref<540672xi32, #tpu.memory_space<hbm>> -> memref<16896xi32, #tpu.memory_space<hbm>>
      tpu.wait_dma2 semaphore(%run_scoped3A : memref<!tpu.dma_semaphore, #tpu.memory_space<semaphore_mem>>) src(%dma_wait3A_459 : memref<16896xi32, #tpu.memory_space<hbm>>) dst(%dma_wait3A_458 : memref<16896xi32, #tpu.memory_space<vmem>>)
      tpu.yield
    }) : () -> ()
    %mul3A_145 = arith.constant 64 : i32
    %mul3A_146 = arith.muli %select_n3A_30, %mul3A_145 : i32
    %jit3A_147 = arith.constant 8 : i32
    %div3A_148 = arith.divsi %mul3A_146, %jit3A_147 : i32
    %sign3A_149 = arith.constant 0 : i32
    %sign3A_150 = arith.cmpi sgt, %mul3A_146, %sign3A_149 : i32
    %sign3A_151 = arith.extui %sign3A_150 : i1 to i32
    %sign3A_152 = arith.constant 0 : i32
    %sign3A_153 = arith.cmpi slt, %mul3A_146, %sign3A_152 : i32
    %sign3A_154 = arith.extui %sign3A_153 : i1 to i32
    %sign3A_155 = arith.subi %sign3A_151, %sign3A_154 : i32
    %sign3A_156 = arith.constant 0 : i32
    %sign3A_157 = arith.cmpi sgt, %jit3A_147, %sign3A_156 : i32
    %sign3A_158 = arith.extui %sign3A_157 : i1 to i32
    %sign3A_159 = arith.constant 0 : i32
    %sign3A_160 = arith.cmpi slt, %jit3A_147, %sign3A_159 : i32
    %sign3A_161 = arith.extui %sign3A_160 : i1 to i32
    %sign3A_162 = arith.subi %sign3A_158, %sign3A_161 : i32
    %ne3A_163 = arith.cmpi ne, %sign3A_155, %sign3A_162 : i32
    %rem3A_164 = arith.remsi %mul3A_146, %jit3A_147 : i32
    %ne3A_165 = arith.constant 0 : i32
    %ne3A_166 = arith.cmpi ne, %rem3A_164, %ne3A_165 : i32
    %and3A_167 = arith.andi %ne3A_163, %ne3A_166 : i1
    %sub3A_168 = arith.constant 1 : i32
    %sub3A_169 = arith.subi %div3A_148, %sub3A_168 : i32
    %select_n3A_170 = arith.select %and3A_167, %sub3A_169, %div3A_148 : i32
    %jit3A_171 = arith.constant 8 : i32
    %eq3A_172 = arith.constant 0 : i32
    %eq3A_173 = arith.cmpi eq, %jit3A_171, %eq3A_172 : i32
    %jit3A_174 = arith.constant 1 : i32
    %select_n3A_175 = arith.select %eq3A_173, %jit3A_174, %jit3A_171 : i32
    %rem3A_176 = arith.remsi %mul3A_146, %select_n3A_175 : i32
    %ne3A_177 = arith.constant 0 : i32
    %ne3A_178 = arith.cmpi ne, %rem3A_176, %ne3A_177 : i32
    %lt3A_179 = arith.constant 0 : i32
    %lt3A_180 = arith.cmpi slt, %rem3A_176, %lt3A_179 : i32
    %lt3A_181 = arith.constant 0 : i32
    %lt3A_182 = arith.cmpi slt, %select_n3A_175, %lt3A_181 : i32
    %ne3A_183 = arith.xori %lt3A_180, %lt3A_182 : i1
    %and3A_184 = arith.andi %ne3A_183, %ne3A_178 : i1
    %add3A_185 = arith.addi %rem3A_176, %select_n3A_175 : i32
    %select_n3A_186 = arith.select %and3A_184, %add3A_185, %rem3A_176 : i32
    %dma_start3A = arith.constant 0 : i32
    %dma_start3A_187 = arith.constant 0 : i32
    %dma_start3A_188 = tpu.memref_slice %arg5[%select_n3A, %select_n3A_170, %dma_start3A, %select_n3A_186, %dma_start3A_187] : memref<16x16x32x8x128xf32, #tpu.memory_space<hbm>> -> memref<1x1x32x1x128xf32, #tpu.memory_space<hbm>>
    %dma_start3A_189 = tpu.memref_squeeze %dma_start3A_188 : memref<1x1x32x1x128xf32, #tpu.memory_space<hbm>> -> memref<32x128xf32, #tpu.memory_space<hbm>>
    %dma_start3A_190 = arith.constant 0 : i32
    %dma_start3A_191 = arith.constant 0 : i32
    %dma_start3A_192 = tpu.memref_slice %arg5[%select_n3A, %select_n3A_170, %dma_start3A_190, %select_n3A_186, %dma_start3A_191] : memref<16x16x32x8x128xf32, #tpu.memory_space<hbm>> -> memref<1x1x32x1x128xf32, #tpu.memory_space<hbm>>
    %dma_start3A_193 = tpu.memref_squeeze %dma_start3A_192 : memref<1x1x32x1x128xf32, #tpu.memory_space<hbm>> -> memref<32x128xf32, #tpu.memory_space<hbm>>
    tpu.enqueue_dma source(%dma_start3A_193 : memref<32x128xf32, #tpu.memory_space<hbm>>) target(%arg14 : memref<32x128xf32, #tpu.memory_space<vmem>>) target_semaphore(%arg16 : memref<!tpu.dma_semaphore, #tpu.memory_space<semaphore_mem>>)
    %add3A_194 = arith.constant 1 : i32
    %add3A_195 = arith.addi %mul3A_146, %add3A_194 : i32
    %jit3A_196 = arith.constant 8 : i32
    %div3A_197 = arith.divsi %add3A_195, %jit3A_196 : i32
    %sign3A_198 = arith.constant 0 : i32
    %sign3A_199 = arith.cmpi sgt, %add3A_195, %sign3A_198 : i32
    %sign3A_200 = arith.extui %sign3A_199 : i1 to i32
    %sign3A_201 = arith.constant 0 : i32
    %sign3A_202 = arith.cmpi slt, %add3A_195, %sign3A_201 : i32
    %sign3A_203 = arith.extui %sign3A_202 : i1 to i32
    %sign3A_204 = arith.subi %sign3A_200, %sign3A_203 : i32
    %sign3A_205 = arith.constant 0 : i32
    %sign3A_206 = arith.cmpi sgt, %jit3A_196, %sign3A_205 : i32
    %sign3A_207 = arith.extui %sign3A_206 : i1 to i32
    %sign3A_208 = arith.constant 0 : i32
    %sign3A_209 = arith.cmpi slt, %jit3A_196, %sign3A_208 : i32
    %sign3A_210 = arith.extui %sign3A_209 : i1 to i32
    %sign3A_211 = arith.subi %sign3A_207, %sign3A_210 : i32
    %ne3A_212 = arith.cmpi ne, %sign3A_204, %sign3A_211 : i32
    %rem3A_213 = arith.remsi %add3A_195, %jit3A_196 : i32
    %ne3A_214 = arith.constant 0 : i32
    %ne3A_215 = arith.cmpi ne, %rem3A_213, %ne3A_214 : i32
    %and3A_216 = arith.andi %ne3A_212, %ne3A_215 : i1
    %sub3A_217 = arith.constant 1 : i32
    %sub3A_218 = arith.subi %div3A_197, %sub3A_217 : i32
    %select_n3A_219 = arith.select %and3A_216, %sub3A_218, %div3A_197 : i32
    %jit3A_220 = arith.constant 8 : i32
    %eq3A_221 = arith.constant 0 : i32
    %eq3A_222 = arith.cmpi eq, %jit3A_220, %eq3A_221 : i32
    %jit3A_223 = arith.constant 1 : i32
    %select_n3A_224 = arith.select %eq3A_222, %jit3A_223, %jit3A_220 : i32
    %rem3A_225 = arith.remsi %add3A_195, %select_n3A_224 : i32
    %ne3A_226 = arith.constant 0 : i32
    %ne3A_227 = arith.cmpi ne, %rem3A_225, %ne3A_226 : i32
    %lt3A_228 = arith.constant 0 : i32
    %lt3A_229 = arith.cmpi slt, %rem3A_225, %lt3A_228 : i32
    %lt3A_230 = arith.constant 0 : i32
    %lt3A_231 = arith.cmpi slt, %select_n3A_224, %lt3A_230 : i32
    %ne3A_232 = arith.xori %lt3A_229, %lt3A_231 : i1
    %and3A_233 = arith.andi %ne3A_232, %ne3A_227 : i1
    %add3A_234 = arith.addi %rem3A_225, %select_n3A_224 : i32
    %select_n3A_235 = arith.select %and3A_233, %add3A_234, %rem3A_225 : i32
    %dma_start3A_236 = arith.constant 0 : i32
    %dma_start3A_237 = arith.constant 0 : i32
    %dma_start3A_238 = tpu.memref_slice %arg5[%select_n3A, %select_n3A_219, %dma_start3A_236, %select_n3A_235, %dma_start3A_237] : memref<16x16x32x8x128xf32, #tpu.memory_space<hbm>> -> memref<1x1x32x1x128xf32, #tpu.memory_space<hbm>>
    %dma_start3A_239 = tpu.memref_squeeze %dma_start3A_238 : memref<1x1x32x1x128xf32, #tpu.memory_space<hbm>> -> memref<32x128xf32, #tpu.memory_space<hbm>>
    %dma_start3A_240 = arith.constant 0 : i32
    %dma_start3A_241 = arith.constant 0 : i32
    %dma_start3A_242 = tpu.memref_slice %arg5[%select_n3A, %select_n3A_219, %dma_start3A_240, %select_n3A_235, %dma_start3A_241] : memref<16x16x32x8x128xf32, #tpu.memory_space<hbm>> -> memref<1x1x32x1x128xf32, #tpu.memory_space<hbm>>
    %dma_start3A_243 = tpu.memref_squeeze %dma_start3A_242 : memref<1x1x32x1x128xf32, #tpu.memory_space<hbm>> -> memref<32x128xf32, #tpu.memory_space<hbm>>
    tpu.enqueue_dma source(%dma_start3A_243 : memref<32x128xf32, #tpu.memory_space<hbm>>) target(%arg15 : memref<32x128xf32, #tpu.memory_space<vmem>>) target_semaphore(%arg17 : memref<!tpu.dma_semaphore, #tpu.memory_space<semaphore_mem>>)
    %dma_wait3A = arith.constant 0 : i32
    %dma_wait3A_244 = arith.constant 0 : i32
    %dma_wait3A_245 = arith.constant 0 : i32
    %dma_wait3A_246 = arith.constant 0 : i32
    %dma_wait3A_247 = arith.constant 0 : i32
    %dma_wait3A_248 = tpu.memref_slice %arg5[%dma_wait3A, %dma_wait3A_244, %dma_wait3A_246, %dma_wait3A_245, %dma_wait3A_247] : memref<16x16x32x8x128xf32, #tpu.memory_space<hbm>> -> memref<1x1x32x1x128xf32, #tpu.memory_space<hbm>>
    %dma_wait3A_249 = tpu.memref_squeeze %dma_wait3A_248 : memref<1x1x32x1x128xf32, #tpu.memory_space<hbm>> -> memref<32x128xf32, #tpu.memory_space<hbm>>
    %dma_wait3A_250 = arith.constant 0 : i32
    %dma_wait3A_251 = arith.constant 0 : i32
    %dma_wait3A_252 = tpu.memref_slice %arg5[%dma_wait3A, %dma_wait3A_244, %dma_wait3A_250, %dma_wait3A_245, %dma_wait3A_251] : memref<16x16x32x8x128xf32, #tpu.memory_space<hbm>> -> memref<1x1x32x1x128xf32, #tpu.memory_space<hbm>>
    %dma_wait3A_253 = tpu.memref_squeeze %dma_wait3A_252 : memref<1x1x32x1x128xf32, #tpu.memory_space<hbm>> -> memref<32x128xf32, #tpu.memory_space<hbm>>
    tpu.wait_dma2 semaphore(%arg16 : memref<!tpu.dma_semaphore, #tpu.memory_space<semaphore_mem>>) src(%dma_wait3A_253 : memref<32x128xf32, #tpu.memory_space<hbm>>) dst(%arg14 : memref<32x128xf32, #tpu.memory_space<vmem>>)
    %scan3A_254 = arith.constant 0 : i32
    %scan3A_255 = arith.constant 33 : i32
    %scan3A_256 = arith.addi %scan3A_254, %scan3A_255 : i32
    %scan3A_257 = arith.constant 1 : i32
    scf.for %scan3A_452 = %scan3A_254 to %scan3A_256 step %scan3A_257  : i32 {
      %mul3A_453 = arith.constant 1 : i32
      %mul3A_454 = arith.muli %scan3A_452, %mul3A_453 : i32
      %add3A_455 = arith.constant 0 : i32
      %add3A_456 = arith.addi %add3A_455, %mul3A_454 : i32
      %parallel_loop3A_457 = arith.constant 0 : i32
      %parallel_loop3A_458 = arith.constant 64 : i32
      %parallel_loop3A_459 = arith.constant 1 : i32
      scf.for %parallel_loop3A_460 = %parallel_loop3A_457 to %parallel_loop3A_458 step %parallel_loop3A_459  : i32 {
        %parallel_loop3A_461 = arith.constant 16 : i32
        %parallel_loop3A_462 = arith.muli %parallel_loop3A_460, %parallel_loop3A_461 : i32
        %parallel_loop3A_463 = arith.constant 33 : i32
        %parallel_loop3A_464 = arith.muli %parallel_loop3A_462, %parallel_loop3A_463 : i32
        %parallel_loop3A_465 = arith.addi %parallel_loop3A_464, %add3A_456 : i32
        %parallel_loop3A_466 = vector.broadcast %parallel_loop3A_465 : i32 to vector<16xi32>
        %parallel_loop3A_467 = arith.addi %mul3A_73, %parallel_loop3A_466 : vector<16xi32>
        %parallel_loop3A_468 = tpu.vector_load_idx %arg11[%parallel_loop3A_467] : memref<34336xi32, #tpu.memory_space<vmem>>[vector<16xi32>], vector<16xi32>,
        %parallel_loop3A_469 = arith.constant 7 : i32
        %parallel_loop3A_470 = vector.broadcast %parallel_loop3A_469 : i32 to vector<16xi32>
        %parallel_loop3A_471 = arith.shrui %parallel_loop3A_468, %parallel_loop3A_470 : vector<16xi32>
        %parallel_loop3A_472 = arith.constant 127 : i32
        %parallel_loop3A_473 = vector.broadcast %parallel_loop3A_472 : i32 to vector<16xi32>
        %parallel_loop3A_474 = arith.andi %parallel_loop3A_468, %parallel_loop3A_473 : vector<16xi32>
        %parallel_loop3A_475 = tpu.vector_load_idx %arg14[%parallel_loop3A_471, %parallel_loop3A_474] : memref<32x128xf32, #tpu.memory_space<vmem>>[vector<16xi32>, vector<16xi32>], vector<16xf32>,
        %parallel_loop3A_476 = arith.constant 8 : i32
        %parallel_loop3A_477 = arith.divsi %parallel_loop3A_460, %parallel_loop3A_476 : i32
        %parallel_loop3A_478 = arith.constant 0 : i32
        %parallel_loop3A_479 = arith.cmpi sgt, %parallel_loop3A_460, %parallel_loop3A_478 : i32
        %parallel_loop3A_480 = arith.extui %parallel_loop3A_479 : i1 to i32
        %parallel_loop3A_481 = arith.constant 0 : i32
        %parallel_loop3A_482 = arith.cmpi slt, %parallel_loop3A_460, %parallel_loop3A_481 : i32
        %parallel_loop3A_483 = arith.extui %parallel_loop3A_482 : i1 to i32
        %parallel_loop3A_484 = arith.subi %parallel_loop3A_480, %parallel_loop3A_483 : i32
        %parallel_loop3A_485 = arith.constant 0 : i32
        %parallel_loop3A_486 = arith.cmpi sgt, %parallel_loop3A_476, %parallel_loop3A_485 : i32
        %parallel_loop3A_487 = arith.extui %parallel_loop3A_486 : i1 to i32
        %parallel_loop3A_488 = arith.constant 0 : i32
        %parallel_loop3A_489 = arith.cmpi slt, %parallel_loop3A_476, %parallel_loop3A_488 : i32
        %parallel_loop3A_490 = arith.extui %parallel_loop3A_489 : i1 to i32
        %parallel_loop3A_491 = arith.subi %parallel_loop3A_487, %parallel_loop3A_490 : i32
        %parallel_loop3A_492 = arith.cmpi ne, %parallel_loop3A_484, %parallel_loop3A_491 : i32
        %parallel_loop3A_493 = arith.remsi %parallel_loop3A_460, %parallel_loop3A_476 : i32
        %parallel_loop3A_494 = arith.constant 0 : i32
        %parallel_loop3A_495 = arith.cmpi ne, %parallel_loop3A_493, %parallel_loop3A_494 : i32
        %parallel_loop3A_496 = arith.andi %parallel_loop3A_492, %parallel_loop3A_495 : i1
        %parallel_loop3A_497 = arith.constant 1 : i32
        %parallel_loop3A_498 = arith.subi %parallel_loop3A_477, %parallel_loop3A_497 : i32
        %parallel_loop3A_499 = arith.select %parallel_loop3A_496, %parallel_loop3A_498, %parallel_loop3A_477 : i32
        %parallel_loop3A_500 = arith.constant 8 : i32
        %parallel_loop3A_501 = arith.constant 0 : i32
        %parallel_loop3A_502 = arith.cmpi eq, %parallel_loop3A_500, %parallel_loop3A_501 : i32
        %parallel_loop3A_503 = arith.constant 1 : i32
        %parallel_loop3A_504 = arith.select %parallel_loop3A_502, %parallel_loop3A_503, %parallel_loop3A_500 : i32
        %parallel_loop3A_505 = arith.remsi %parallel_loop3A_460, %parallel_loop3A_504 : i32
        %parallel_loop3A_506 = arith.constant 0 : i32
        %parallel_loop3A_507 = arith.cmpi ne, %parallel_loop3A_505, %parallel_loop3A_506 : i32
        %parallel_loop3A_508 = arith.constant 0 : i32
        %parallel_loop3A_509 = arith.cmpi slt, %parallel_loop3A_505, %parallel_loop3A_508 : i32
        %parallel_loop3A_510 = arith.constant 0 : i32
        %parallel_loop3A_511 = arith.cmpi slt, %parallel_loop3A_504, %parallel_loop3A_510 : i32
        %parallel_loop3A_512 = arith.xori %parallel_loop3A_509, %parallel_loop3A_511 : i1
        %parallel_loop3A_513 = arith.andi %parallel_loop3A_512, %parallel_loop3A_507 : i1
        %parallel_loop3A_514 = arith.addi %parallel_loop3A_505, %parallel_loop3A_504 : i32
        %parallel_loop3A_515 = arith.select %parallel_loop3A_513, %parallel_loop3A_514, %parallel_loop3A_505 : i32
        %parallel_loop3A_516 = arith.constant 16 : i32
        %parallel_loop3A_517 = arith.muli %parallel_loop3A_515, %parallel_loop3A_516 : i32
        %parallel_loop3A_518 = arith.index_cast %add3A_456 : i32 to index
        %parallel_loop3A_519 = arith.index_cast %parallel_loop3A_499 : i32 to index
        %parallel_loop3A_520 = arith.index_cast %parallel_loop3A_517 : i32 to index
        %parallel_loop3A_521 = tpu.vector_load %arg12[%parallel_loop3A_518, %parallel_loop3A_519, %parallel_loop3A_520] {strides = array<i32>} : memref<33x8x128xf32, #tpu.memory_space<vmem>>, vector<16xf32>,
        tpu.vector_store %arg12[%parallel_loop3A_518, %parallel_loop3A_519, %parallel_loop3A_520], %parallel_loop3A_475 {strides = array<i32>} : memref<33x8x128xf32, #tpu.memory_space<vmem>>, vector<16xf32>,
      } {sc.loop_unroll_factor = 16 : i64, sc.parallel_access}
    }
    %scan3A_258 = arith.constant 33 : i32
    %add3A_259 = arith.constant 2 : i32
    %add3A_260 = arith.addi %mul3A_146, %add3A_259 : i32
    %jit3A_261 = arith.constant 8 : i32
    %div3A_262 = arith.divsi %add3A_260, %jit3A_261 : i32
    %sign3A_263 = arith.constant 0 : i32
    %sign3A_264 = arith.cmpi sgt, %add3A_260, %sign3A_263 : i32
    %sign3A_265 = arith.extui %sign3A_264 : i1 to i32
    %sign3A_266 = arith.constant 0 : i32
    %sign3A_267 = arith.cmpi slt, %add3A_260, %sign3A_266 : i32
    %sign3A_268 = arith.extui %sign3A_267 : i1 to i32
    %sign3A_269 = arith.subi %sign3A_265, %sign3A_268 : i32
    %sign3A_270 = arith.constant 0 : i32
    %sign3A_271 = arith.cmpi sgt, %jit3A_261, %sign3A_270 : i32
    %sign3A_272 = arith.extui %sign3A_271 : i1 to i32
    %sign3A_273 = arith.constant 0 : i32
    %sign3A_274 = arith.cmpi slt, %jit3A_261, %sign3A_273 : i32
    %sign3A_275 = arith.extui %sign3A_274 : i1 to i32
    %sign3A_276 = arith.subi %sign3A_272, %sign3A_275 : i32
    %ne3A_277 = arith.cmpi ne, %sign3A_269, %sign3A_276 : i32
    %rem3A_278 = arith.remsi %add3A_260, %jit3A_261 : i32
    %ne3A_279 = arith.constant 0 : i32
    %ne3A_280 = arith.cmpi ne, %rem3A_278, %ne3A_279 : i32
    %and3A_281 = arith.andi %ne3A_277, %ne3A_280 : i1
    %sub3A_282 = arith.constant 1 : i32
    %sub3A_283 = arith.subi %div3A_262, %sub3A_282 : i32
    %select_n3A_284 = arith.select %and3A_281, %sub3A_283, %div3A_262 : i32
    %jit3A_285 = arith.constant 8 : i32
    %eq3A_286 = arith.constant 0 : i32
    %eq3A_287 = arith.cmpi eq, %jit3A_285, %eq3A_286 : i32
    %jit3A_288 = arith.constant 1 : i32
    %select_n3A_289 = arith.select %eq3A_287, %jit3A_288, %jit3A_285 : i32
    %rem3A_290 = arith.remsi %add3A_260, %select_n3A_289 : i32
    %ne3A_291 = arith.constant 0 : i32
    %ne3A_292 = arith.cmpi ne, %rem3A_290, %ne3A_291 : i32
    %lt3A_293 = arith.constant 0 : i32
    %lt3A_294 = arith.cmpi slt, %rem3A_290, %lt3A_293 : i32
    %lt3A_295 = arith.constant 0 : i32
    %lt3A_296 = arith.cmpi slt, %select_n3A_289, %lt3A_295 : i32
    %ne3A_297 = arith.xori %lt3A_294, %lt3A_296 : i1
    %and3A_298 = arith.andi %ne3A_297, %ne3A_292 : i1
    %add3A_299 = arith.addi %rem3A_290, %select_n3A_289 : i32
    %select_n3A_300 = arith.select %and3A_298, %add3A_299, %rem3A_290 : i32
    %dma_start3A_301 = arith.constant 0 : i32
    %dma_start3A_302 = arith.constant 0 : i32
    %dma_start3A_303 = tpu.memref_slice %arg5[%select_n3A, %select_n3A_284, %dma_start3A_301, %select_n3A_300, %dma_start3A_302] : memref<16x16x32x8x128xf32, #tpu.memory_space<hbm>> -> memref<1x1x32x1x128xf32, #tpu.memory_space<hbm>>
    %dma_start3A_304 = tpu.memref_squeeze %dma_start3A_303 : memref<1x1x32x1x128xf32, #tpu.memory_space<hbm>> -> memref<32x128xf32, #tpu.memory_space<hbm>>
    %dma_start3A_305 = arith.constant 0 : i32
    %dma_start3A_306 = arith.constant 0 : i32
    %dma_start3A_307 = tpu.memref_slice %arg5[%select_n3A, %select_n3A_284, %dma_start3A_305, %select_n3A_300, %dma_start3A_306] : memref<16x16x32x8x128xf32, #tpu.memory_space<hbm>> -> memref<1x1x32x1x128xf32, #tpu.memory_space<hbm>>
    %dma_start3A_308 = tpu.memref_squeeze %dma_start3A_307 : memref<1x1x32x1x128xf32, #tpu.memory_space<hbm>> -> memref<32x128xf32, #tpu.memory_space<hbm>>
    tpu.enqueue_dma source(%dma_start3A_308 : memref<32x128xf32, #tpu.memory_space<hbm>>) target(%arg14 : memref<32x128xf32, #tpu.memory_space<vmem>>) target_semaphore(%arg16 : memref<!tpu.dma_semaphore, #tpu.memory_space<semaphore_mem>>)
    %add3A_309 = arith.constant 2 : i32
    %add3A_310 = arith.addi %add3A_309, %mul3A_146 : i32
    %mul3A_311 = arith.constant 33 : i32
    %mul3A_312 = arith.muli %add3A_310, %mul3A_311 : i32
    %dma_start3A_313 = arith.constant 0 : i32
    %dma_start3A_314 = arith.constant 0 : i32
    %dma_start3A_315 = tpu.memref_slice %arg6[%mul3A_312, %select_n3A_54, %dma_start3A_313, %select_n3A_70, %dma_start3A_314] : memref<4290x2x8x8x128xf32, #tpu.memory_space<hbm>> -> memref<33x1x8x1x128xf32, #tpu.memory_space<hbm>>
    %dma_start3A_316 = tpu.memref_squeeze %dma_start3A_315 : memref<33x1x8x1x128xf32, #tpu.memory_space<hbm>> -> memref<33x8x128xf32, #tpu.memory_space<hbm>>
    %dma_start3A_317 = arith.constant 0 : i32
    %dma_start3A_318 = arith.constant 0 : i32
    %dma_start3A_319 = tpu.memref_slice %arg6[%mul3A_312, %select_n3A_54, %dma_start3A_317, %select_n3A_70, %dma_start3A_318] : memref<4290x2x8x8x128xf32, #tpu.memory_space<hbm>> -> memref<33x1x8x1x128xf32, #tpu.memory_space<hbm>>
    %dma_start3A_320 = tpu.memref_squeeze %dma_start3A_319 : memref<33x1x8x1x128xf32, #tpu.memory_space<hbm>> -> memref<33x8x128xf32, #tpu.memory_space<hbm>>
    tpu.enqueue_dma source(%arg12 : memref<33x8x128xf32, #tpu.memory_space<vmem>>) target(%dma_start3A_320 : memref<33x8x128xf32, #tpu.memory_space<hbm>>) target_semaphore(%arg18 : memref<!tpu.dma_semaphore, #tpu.memory_space<semaphore_mem>>)
    %dma_wait3A_321 = arith.constant 0 : i32
    %dma_wait3A_322 = arith.constant 0 : i32
    %dma_wait3A_323 = arith.constant 0 : i32
    %dma_wait3A_324 = arith.constant 0 : i32
    %dma_wait3A_325 = arith.constant 0 : i32
    %dma_wait3A_326 = tpu.memref_slice %arg5[%dma_wait3A_321, %dma_wait3A_322, %dma_wait3A_324, %dma_wait3A_323, %dma_wait3A_325] : memref<16x16x32x8x128xf32, #tpu.memory_space<hbm>> -> memref<1x1x32x1x128xf32, #tpu.memory_space<hbm>>
    %dma_wait3A_327 = tpu.memref_squeeze %dma_wait3A_326 : memref<1x1x32x1x128xf32, #tpu.memory_space<hbm>> -> memref<32x128xf32, #tpu.memory_space<hbm>>
    %dma_wait3A_328 = arith.constant 0 : i32
    %dma_wait3A_329 = arith.constant 0 : i32
    %dma_wait3A_330 = tpu.memref_slice %arg5[%dma_wait3A_321, %dma_wait3A_322, %dma_wait3A_328, %dma_wait3A_323, %dma_wait3A_329] : memref<16x16x32x8x128xf32, #tpu.memory_space<hbm>> -> memref<1x1x32x1x128xf32, #tpu.memory_space<hbm>>
    %dma_wait3A_331 = tpu.memref_squeeze %dma_wait3A_330 : memref<1x1x32x1x128xf32, #tpu.memory_space<hbm>> -> memref<32x128xf32, #tpu.memory_space<hbm>>
    tpu.wait_dma2 semaphore(%arg17 : memref<!tpu.dma_semaphore, #tpu.memory_space<semaphore_mem>>) src(%dma_wait3A_331 : memref<32x128xf32, #tpu.memory_space<hbm>>) dst(%arg15 : memref<32x128xf32, #tpu.memory_space<vmem>>)
    %scan3A_332 = arith.constant 0 : i32
    %scan3A_333 = arith.constant 33 : i32
    %scan3A_334 = arith.addi %scan3A_332, %scan3A_333 : i32
    %scan3A_335 = arith.constant 1 : i32
    scf.for %scan3A_452 = %scan3A_332 to %scan3A_334 step %scan3A_335  : i32 {
      %mul3A_453 = arith.constant 1 : i32
      %mul3A_454 = arith.muli %scan3A_452, %mul3A_453 : i32
      %add3A_455 = arith.constant 0 : i32
      %add3A_456 = arith.addi %add3A_455, %mul3A_454 : i32
      %parallel_loop3A_457 = arith.constant 0 : i32
      %parallel_loop3A_458 = arith.constant 64 : i32
      %parallel_loop3A_459 = arith.constant 1 : i32
      scf.for %parallel_loop3A_460 = %parallel_loop3A_457 to %parallel_loop3A_458 step %parallel_loop3A_459  : i32 {
        %parallel_loop3A_461 = arith.constant 16 : i32
        %parallel_loop3A_462 = arith.muli %parallel_loop3A_460, %parallel_loop3A_461 : i32
        %parallel_loop3A_463 = arith.constant 33 : i32
        %parallel_loop3A_464 = arith.muli %parallel_loop3A_462, %parallel_loop3A_463 : i32
        %parallel_loop3A_465 = arith.addi %parallel_loop3A_464, %add3A_456 : i32
        %parallel_loop3A_466 = vector.broadcast %parallel_loop3A_465 : i32 to vector<16xi32>
        %parallel_loop3A_467 = arith.addi %mul3A_73, %parallel_loop3A_466 : vector<16xi32>
        %parallel_loop3A_468 = tpu.vector_load_idx %arg11[%parallel_loop3A_467] : memref<34336xi32, #tpu.memory_space<vmem>>[vector<16xi32>], vector<16xi32>,
        %parallel_loop3A_469 = arith.constant 7 : i32
        %parallel_loop3A_470 = vector.broadcast %parallel_loop3A_469 : i32 to vector<16xi32>
        %parallel_loop3A_471 = arith.shrui %parallel_loop3A_468, %parallel_loop3A_470 : vector<16xi32>
        %parallel_loop3A_472 = arith.constant 127 : i32
        %parallel_loop3A_473 = vector.broadcast %parallel_loop3A_472 : i32 to vector<16xi32>
        %parallel_loop3A_474 = arith.andi %parallel_loop3A_468, %parallel_loop3A_473 : vector<16xi32>
        %parallel_loop3A_475 = tpu.vector_load_idx %arg15[%parallel_loop3A_471, %parallel_loop3A_474] : memref<32x128xf32, #tpu.memory_space<vmem>>[vector<16xi32>, vector<16xi32>], vector<16xf32>,
        %parallel_loop3A_476 = arith.constant 8 : i32
        %parallel_loop3A_477 = arith.divsi %parallel_loop3A_460, %parallel_loop3A_476 : i32
        %parallel_loop3A_478 = arith.constant 0 : i32
        %parallel_loop3A_479 = arith.cmpi sgt, %parallel_loop3A_460, %parallel_loop3A_478 : i32
        %parallel_loop3A_480 = arith.extui %parallel_loop3A_479 : i1 to i32
        %parallel_loop3A_481 = arith.constant 0 : i32
        %parallel_loop3A_482 = arith.cmpi slt, %parallel_loop3A_460, %parallel_loop3A_481 : i32
        %parallel_loop3A_483 = arith.extui %parallel_loop3A_482 : i1 to i32
        %parallel_loop3A_484 = arith.subi %parallel_loop3A_480, %parallel_loop3A_483 : i32
        %parallel_loop3A_485 = arith.constant 0 : i32
        %parallel_loop3A_486 = arith.cmpi sgt, %parallel_loop3A_476, %parallel_loop3A_485 : i32
        %parallel_loop3A_487 = arith.extui %parallel_loop3A_486 : i1 to i32
        %parallel_loop3A_488 = arith.constant 0 : i32
        %parallel_loop3A_489 = arith.cmpi slt, %parallel_loop3A_476, %parallel_loop3A_488 : i32
        %parallel_loop3A_490 = arith.extui %parallel_loop3A_489 : i1 to i32
        %parallel_loop3A_491 = arith.subi %parallel_loop3A_487, %parallel_loop3A_490 : i32
        %parallel_loop3A_492 = arith.cmpi ne, %parallel_loop3A_484, %parallel_loop3A_491 : i32
        %parallel_loop3A_493 = arith.remsi %parallel_loop3A_460, %parallel_loop3A_476 : i32
        %parallel_loop3A_494 = arith.constant 0 : i32
        %parallel_loop3A_495 = arith.cmpi ne, %parallel_loop3A_493, %parallel_loop3A_494 : i32
        %parallel_loop3A_496 = arith.andi %parallel_loop3A_492, %parallel_loop3A_495 : i1
        %parallel_loop3A_497 = arith.constant 1 : i32
        %parallel_loop3A_498 = arith.subi %parallel_loop3A_477, %parallel_loop3A_497 : i32
        %parallel_loop3A_499 = arith.select %parallel_loop3A_496, %parallel_loop3A_498, %parallel_loop3A_477 : i32
        %parallel_loop3A_500 = arith.constant 8 : i32
        %parallel_loop3A_501 = arith.constant 0 : i32
        %parallel_loop3A_502 = arith.cmpi eq, %parallel_loop3A_500, %parallel_loop3A_501 : i32
        %parallel_loop3A_503 = arith.constant 1 : i32
        %parallel_loop3A_504 = arith.select %parallel_loop3A_502, %parallel_loop3A_503, %parallel_loop3A_500 : i32
        %parallel_loop3A_505 = arith.remsi %parallel_loop3A_460, %parallel_loop3A_504 : i32
        %parallel_loop3A_506 = arith.constant 0 : i32
        %parallel_loop3A_507 = arith.cmpi ne, %parallel_loop3A_505, %parallel_loop3A_506 : i32
        %parallel_loop3A_508 = arith.constant 0 : i32
        %parallel_loop3A_509 = arith.cmpi slt, %parallel_loop3A_505, %parallel_loop3A_508 : i32
        %parallel_loop3A_510 = arith.constant 0 : i32
        %parallel_loop3A_511 = arith.cmpi slt, %parallel_loop3A_504, %parallel_loop3A_510 : i32
        %parallel_loop3A_512 = arith.xori %parallel_loop3A_509, %parallel_loop3A_511 : i1
        %parallel_loop3A_513 = arith.andi %parallel_loop3A_512, %parallel_loop3A_507 : i1
        %parallel_loop3A_514 = arith.addi %parallel_loop3A_505, %parallel_loop3A_504 : i32
        %parallel_loop3A_515 = arith.select %parallel_loop3A_513, %parallel_loop3A_514, %parallel_loop3A_505 : i32
        %parallel_loop3A_516 = arith.constant 16 : i32
        %parallel_loop3A_517 = arith.muli %parallel_loop3A_515, %parallel_loop3A_516 : i32
        %parallel_loop3A_518 = arith.index_cast %add3A_456 : i32 to index
        %parallel_loop3A_519 = arith.index_cast %parallel_loop3A_499 : i32 to index
        %parallel_loop3A_520 = arith.index_cast %parallel_loop3A_517 : i32 to index
        %parallel_loop3A_521 = tpu.vector_load %arg13[%parallel_loop3A_518, %parallel_loop3A_519, %parallel_loop3A_520] {strides = array<i32>} : memref<33x8x128xf32, #tpu.memory_space<vmem>>, vector<16xf32>,
        tpu.vector_store %arg13[%parallel_loop3A_518, %parallel_loop3A_519, %parallel_loop3A_520], %parallel_loop3A_475 {strides = array<i32>} : memref<33x8x128xf32, #tpu.memory_space<vmem>>, vector<16xf32>,
      } {sc.loop_unroll_factor = 16 : i64, sc.parallel_access}
    }
    %scan3A_336 = arith.constant 33 : i32
    %add3A_337 = arith.constant 3 : i32
    %add3A_338 = arith.addi %mul3A_146, %add3A_337 : i32
    %jit3A_339 = arith.constant 8 : i32
    %div3A_340 = arith.divsi %add3A_338, %jit3A_339 : i32
    %sign3A_341 = arith.constant 0 : i32
    %sign3A_342 = arith.cmpi sgt, %add3A_338, %sign3A_341 : i32
    %sign3A_343 = arith.extui %sign3A_342 : i1 to i32
    %sign3A_344 = arith.constant 0 : i32
    %sign3A_345 = arith.cmpi slt, %add3A_338, %sign3A_344 : i32
    %sign3A_346 = arith.extui %sign3A_345 : i1 to i32
    %sign3A_347 = arith.subi %sign3A_343, %sign3A_346 : i32
    %sign3A_348 = arith.constant 0 : i32
    %sign3A_349 = arith.cmpi sgt, %jit3A_339, %sign3A_348 : i32
    %sign3A_350 = arith.extui %sign3A_349 : i1 to i32
    %sign3A_351 = arith.constant 0 : i32
    %sign3A_352 = arith.cmpi slt, %jit3A_339, %sign3A_351 : i32
    %sign3A_353 = arith.extui %sign3A_352 : i1 to i32
    %sign3A_354 = arith.subi %sign3A_350, %sign3A_353 : i32
    %ne3A_355 = arith.cmpi ne, %sign3A_347, %sign3A_354 : i32
    %rem3A_356 = arith.remsi %add3A_338, %jit3A_339 : i32
    %ne3A_357 = arith.constant 0 : i32
    %ne3A_358 = arith.cmpi ne, %rem3A_356, %ne3A_357 : i32
    %and3A_359 = arith.andi %ne3A_355, %ne3A_358 : i1
    %sub3A_360 = arith.constant 1 : i32
    %sub3A_361 = arith.subi %div3A_340, %sub3A_360 : i32
    %select_n3A_362 = arith.select %and3A_359, %sub3A_361, %div3A_340 : i32
    %jit3A_363 = arith.constant 8 : i32
    %eq3A_364 = arith.constant 0 : i32
    %eq3A_365 = arith.cmpi eq, %jit3A_363, %eq3A_364 : i32
    %jit3A_366 = arith.constant 1 : i32
    %select_n3A_367 = arith.select %eq3A_365, %jit3A_366, %jit3A_363 : i32
    %rem3A_368 = arith.remsi %add3A_338, %select_n3A_367 : i32
    %ne3A_369 = arith.constant 0 : i32
    %ne3A_370 = arith.cmpi ne, %rem3A_368, %ne3A_369 : i32
    %lt3A_371 = arith.constant 0 : i32
    %lt3A_372 = arith.cmpi slt, %rem3A_368, %lt3A_371 : i32
    %lt3A_373 = arith.constant 0 : i32
    %lt3A_374 = arith.cmpi slt, %select_n3A_367, %lt3A_373 : i32
    %ne3A_375 = arith.xori %lt3A_372, %lt3A_374 : i1
    %and3A_376 = arith.andi %ne3A_375, %ne3A_370 : i1
    %add3A_377 = arith.addi %rem3A_368, %select_n3A_367 : i32
    %select_n3A_378 = arith.select %and3A_376, %add3A_377, %rem3A_368 : i32
    %dma_start3A_379 = arith.constant 0 : i32
    %dma_start3A_380 = arith.constant 0 : i32
    %dma_start3A_381 = tpu.memref_slice %arg5[%select_n3A, %select_n3A_362, %dma_start3A_379, %select_n3A_378, %dma_start3A_380] : memref<16x16x32x8x128xf32, #tpu.memory_space<hbm>> -> memref<1x1x32x1x128xf32, #tpu.memory_space<hbm>>
    %dma_start3A_382 = tpu.memref_squeeze %dma_start3A_381 : memref<1x1x32x1x128xf32, #tpu.memory_space<hbm>> -> memref<32x128xf32, #tpu.memory_space<hbm>>
    %dma_start3A_383 = arith.constant 0 : i32
    %dma_start3A_384 = arith.constant 0 : i32
    %dma_start3A_385 = tpu.memref_slice %arg5[%select_n3A, %select_n3A_362, %dma_start3A_383, %select_n3A_378, %dma_start3A_384] : memref<16x16x32x8x128xf32, #tpu.memory_space<hbm>> -> memref<1x1x32x1x128xf32, #tpu.memory_space<hbm>>
    %dma_start3A_386 = tpu.memref_squeeze %dma_start3A_385 : memref<1x1x32x1x128xf32, #tpu.memory_space<hbm>> -> memref<32x128xf32, #tpu.memory_space<hbm>>
    tpu.enqueue_dma source(%dma_start3A_386 : memref<32x128xf32, #tpu.memory_space<hbm>>) target(%arg15 : memref<32x128xf32, #tpu.memory_space<vmem>>) target_semaphore(%arg17 : memref<!tpu.dma_semaphore, #tpu.memory_space<semaphore_mem>>)
    %add3A_387 = arith.constant 1 : i32
    %add3A_388 = arith.addi %mul3A_146, %add3A_387 : i32
    %add3A_389 = arith.constant 2 : i32
    %add3A_390 = arith.addi %add3A_389, %add3A_388 : i32
    %mul3A_391 = arith.constant 33 : i32
    %mul3A_392 = arith.muli %add3A_390, %mul3A_391 : i32
    %dma_start3A_393 = arith.constant 0 : i32
    %dma_start3A_394 = arith.constant 0 : i32
    %dma_start3A_395 = tpu.memref_slice %arg6[%mul3A_392, %select_n3A_54, %dma_start3A_393, %select_n3A_70, %dma_start3A_394] : memref<4290x2x8x8x128xf32, #tpu.memory_space<hbm>> -> memref<33x1x8x1x128xf32, #tpu.memory_space<hbm>>
    %dma_start3A_396 = tpu.memref_squeeze %dma_start3A_395 : memref<33x1x8x1x128xf32, #tpu.memory_space<hbm>> -> memref<33x8x128xf32, #tpu.memory_space<hbm>>
    %dma_start3A_397 = arith.constant 0 : i32
    %dma_start3A_398 = arith.constant 0 : i32
    %dma_start3A_399 = tpu.memref_slice %arg6[%mul3A_392, %select_n3A_54, %dma_start3A_397, %select_n3A_70, %dma_start3A_398] : memref<4290x2x8x8x128xf32, #tpu.memory_space<hbm>> -> memref<33x1x8x1x128xf32, #tpu.memory_space<hbm>>
    %dma_start3A_400 = tpu.memref_squeeze %dma_start3A_399 : memref<33x1x8x1x128xf32, #tpu.memory_space<hbm>> -> memref<33x8x128xf32, #tpu.memory_space<hbm>>
    tpu.enqueue_dma source(%arg13 : memref<33x8x128xf32, #tpu.memory_space<vmem>>) target(%dma_start3A_400 : memref<33x8x128xf32, #tpu.memory_space<hbm>>) target_semaphore(%arg19 : memref<!tpu.dma_semaphore, #tpu.memory_space<semaphore_mem>>)
    %scan3A_401 = arith.constant 0 : i32
    %scan3A_402 = arith.constant 31 : i32
    %scan3A_403 = arith.addi %scan3A_401, %scan3A_402 : i32
    %scan3A_404 = arith.constant 1 : i32
    scf.for %scan3A_452 = %scan3A_401 to %scan3A_403 step %scan3A_404  : i32 {
      %mul3A_453 = arith.constant 2 : i32
      %mul3A_454 = arith.muli %scan3A_452, %mul3A_453 : i32
      %add3A_455 = arith.constant 2 : i32
      %add3A_456 = arith.addi %add3A_455, %mul3A_454 : i32
      %add3A_457 = arith.constant 2 : i32
      %add3A_458 = arith.addi %add3A_456, %add3A_457 : i32
      %min3A = arith.constant 63 : i32
      %min3A_459 = arith.minsi %add3A_458, %min3A : i32
      %add3A_460 = arith.addi %min3A_459, %mul3A_146 : i32
      %add3A_461 = arith.constant 3 : i32
      %add3A_462 = arith.addi %add3A_456, %add3A_461 : i32
      %min3A_463 = arith.constant 63 : i32
      %min3A_464 = arith.minsi %add3A_462, %min3A_463 : i32
      %add3A_465 = arith.addi %min3A_464, %mul3A_146 : i32
      %dma_wait3A_466 = arith.constant 0 : i32
      %dma_wait3A_467 = arith.constant 0 : i32
      %dma_wait3A_468 = arith.constant 0 : i32
      %dma_wait3A_469 = arith.constant 0 : i32
      %dma_wait3A_470 = arith.constant 0 : i32
      %dma_wait3A_471 = tpu.memref_slice %arg5[%dma_wait3A_466, %dma_wait3A_467, %dma_wait3A_469, %dma_wait3A_468, %dma_wait3A_470] : memref<16x16x32x8x128xf32, #tpu.memory_space<hbm>> -> memref<1x1x32x1x128xf32, #tpu.memory_space<hbm>>
      %dma_wait3A_472 = tpu.memref_squeeze %dma_wait3A_471 : memref<1x1x32x1x128xf32, #tpu.memory_space<hbm>> -> memref<32x128xf32, #tpu.memory_space<hbm>>
      %dma_wait3A_473 = arith.constant 0 : i32
      %dma_wait3A_474 = arith.constant 0 : i32
      %dma_wait3A_475 = tpu.memref_slice %arg5[%dma_wait3A_466, %dma_wait3A_467, %dma_wait3A_473, %dma_wait3A_468, %dma_wait3A_474] : memref<16x16x32x8x128xf32, #tpu.memory_space<hbm>> -> memref<1x1x32x1x128xf32, #tpu.memory_space<hbm>>
      %dma_wait3A_476 = tpu.memref_squeeze %dma_wait3A_475 : memref<1x1x32x1x128xf32, #tpu.memory_space<hbm>> -> memref<32x128xf32, #tpu.memory_space<hbm>>
      tpu.wait_dma2 semaphore(%arg16 : memref<!tpu.dma_semaphore, #tpu.memory_space<semaphore_mem>>) src(%dma_wait3A_476 : memref<32x128xf32, #tpu.memory_space<hbm>>) dst(%arg14 : memref<32x128xf32, #tpu.memory_space<vmem>>)
      %dma_wait3A_477 = arith.constant 0 : i32
      %dma_wait3A_478 = arith.constant 0 : i32
      %dma_wait3A_479 = arith.constant 0 : i32
      %dma_wait3A_480 = arith.constant 0 : i32
      %dma_wait3A_481 = arith.constant 0 : i32
      %dma_wait3A_482 = tpu.memref_slice %arg6[%dma_wait3A_479, %dma_wait3A_477, %dma_wait3A_480, %dma_wait3A_478, %dma_wait3A_481] : memref<4290x2x8x8x128xf32, #tpu.memory_space<hbm>> -> memref<33x1x8x1x128xf32, #tpu.memory_space<hbm>>
      %dma_wait3A_483 = tpu.memref_squeeze %dma_wait3A_482 : memref<33x1x8x1x128xf32, #tpu.memory_space<hbm>> -> memref<33x8x128xf32, #tpu.memory_space<hbm>>
      %dma_wait3A_484 = arith.constant 0 : i32
      %dma_wait3A_485 = arith.constant 0 : i32
      %dma_wait3A_486 = arith.constant 0 : i32
      %dma_wait3A_487 = tpu.memref_slice %arg6[%dma_wait3A_484, %dma_wait3A_477, %dma_wait3A_485, %dma_wait3A_478, %dma_wait3A_486] : memref<4290x2x8x8x128xf32, #tpu.memory_space<hbm>> -> memref<33x1x8x1x128xf32, #tpu.memory_space<hbm>>
      %dma_wait3A_488 = tpu.memref_squeeze %dma_wait3A_487 : memref<33x1x8x1x128xf32, #tpu.memory_space<hbm>> -> memref<33x8x128xf32, #tpu.memory_space<hbm>>
      tpu.wait_dma2 semaphore(%arg18 : memref<!tpu.dma_semaphore, #tpu.memory_space<semaphore_mem>>) src(%arg12 : memref<33x8x128xf32, #tpu.memory_space<vmem>>) dst(%dma_wait3A_488 : memref<33x8x128xf32, #tpu.memory_space<hbm>>)
      %scan3A_489 = arith.constant 0 : i32
      %scan3A_490 = arith.constant 33 : i32
      %scan3A_491 = arith.addi %scan3A_489, %scan3A_490 : i32
      %scan3A_492 = arith.constant 1 : i32
      scf.for %scan3A_646 = %scan3A_489 to %scan3A_491 step %scan3A_492  : i32 {
        %mul3A_647 = arith.constant 1 : i32
        %mul3A_648 = arith.muli %scan3A_646, %mul3A_647 : i32
        %add3A_649 = arith.constant 0 : i32
        %add3A_650 = arith.addi %add3A_649, %mul3A_648 : i32
        %parallel_loop3A_651 = arith.constant 0 : i32
        %parallel_loop3A_652 = arith.constant 64 : i32
        %parallel_loop3A_653 = arith.constant 1 : i32
        scf.for %parallel_loop3A_654 = %parallel_loop3A_651 to %parallel_loop3A_652 step %parallel_loop3A_653  : i32 {
          %parallel_loop3A_655 = arith.constant 16 : i32
          %parallel_loop3A_656 = arith.muli %parallel_loop3A_654, %parallel_loop3A_655 : i32
          %parallel_loop3A_657 = arith.constant 33 : i32
          %parallel_loop3A_658 = arith.muli %parallel_loop3A_656, %parallel_loop3A_657 : i32
          %parallel_loop3A_659 = arith.addi %parallel_loop3A_658, %add3A_650 : i32
          %parallel_loop3A_660 = vector.broadcast %parallel_loop3A_659 : i32 to vector<16xi32>
          %parallel_loop3A_661 = arith.addi %mul3A_73, %parallel_loop3A_660 : vector<16xi32>
          %parallel_loop3A_662 = tpu.vector_load_idx %arg11[%parallel_loop3A_661] : memref<34336xi32, #tpu.memory_space<vmem>>[vector<16xi32>], vector<16xi32>,
          %parallel_loop3A_663 = arith.constant 7 : i32
          %parallel_loop3A_664 = vector.broadcast %parallel_loop3A_663 : i32 to vector<16xi32>
          %parallel_loop3A_665 = arith.shrui %parallel_loop3A_662, %parallel_loop3A_664 : vector<16xi32>
          %parallel_loop3A_666 = arith.constant 127 : i32
          %parallel_loop3A_667 = vector.broadcast %parallel_loop3A_666 : i32 to vector<16xi32>
          %parallel_loop3A_668 = arith.andi %parallel_loop3A_662, %parallel_loop3A_667 : vector<16xi32>
          %parallel_loop3A_669 = tpu.vector_load_idx %arg14[%parallel_loop3A_665, %parallel_loop3A_668] : memref<32x128xf32, #tpu.memory_space<vmem>>[vector<16xi32>, vector<16xi32>], vector<16xf32>,
          %parallel_loop3A_670 = arith.constant 8 : i32
          %parallel_loop3A_671 = arith.divsi %parallel_loop3A_654, %parallel_loop3A_670 : i32
          %parallel_loop3A_672 = arith.constant 0 : i32
          %parallel_loop3A_673 = arith.cmpi sgt, %parallel_loop3A_654, %parallel_loop3A_672 : i32
          %parallel_loop3A_674 = arith.extui %parallel_loop3A_673 : i1 to i32
          %parallel_loop3A_675 = arith.constant 0 : i32
          %parallel_loop3A_676 = arith.cmpi slt, %parallel_loop3A_654, %parallel_loop3A_675 : i32
          %parallel_loop3A_677 = arith.extui %parallel_loop3A_676 : i1 to i32
          %parallel_loop3A_678 = arith.subi %parallel_loop3A_674, %parallel_loop3A_677 : i32
          %parallel_loop3A_679 = arith.constant 0 : i32
          %parallel_loop3A_680 = arith.cmpi sgt, %parallel_loop3A_670, %parallel_loop3A_679 : i32
          %parallel_loop3A_681 = arith.extui %parallel_loop3A_680 : i1 to i32
          %parallel_loop3A_682 = arith.constant 0 : i32
          %parallel_loop3A_683 = arith.cmpi slt, %parallel_loop3A_670, %parallel_loop3A_682 : i32
          %parallel_loop3A_684 = arith.extui %parallel_loop3A_683 : i1 to i32
          %parallel_loop3A_685 = arith.subi %parallel_loop3A_681, %parallel_loop3A_684 : i32
          %parallel_loop3A_686 = arith.cmpi ne, %parallel_loop3A_678, %parallel_loop3A_685 : i32
          %parallel_loop3A_687 = arith.remsi %parallel_loop3A_654, %parallel_loop3A_670 : i32
          %parallel_loop3A_688 = arith.constant 0 : i32
          %parallel_loop3A_689 = arith.cmpi ne, %parallel_loop3A_687, %parallel_loop3A_688 : i32
          %parallel_loop3A_690 = arith.andi %parallel_loop3A_686, %parallel_loop3A_689 : i1
          %parallel_loop3A_691 = arith.constant 1 : i32
          %parallel_loop3A_692 = arith.subi %parallel_loop3A_671, %parallel_loop3A_691 : i32
          %parallel_loop3A_693 = arith.select %parallel_loop3A_690, %parallel_loop3A_692, %parallel_loop3A_671 : i32
          %parallel_loop3A_694 = arith.constant 8 : i32
          %parallel_loop3A_695 = arith.constant 0 : i32
          %parallel_loop3A_696 = arith.cmpi eq, %parallel_loop3A_694, %parallel_loop3A_695 : i32
          %parallel_loop3A_697 = arith.constant 1 : i32
          %parallel_loop3A_698 = arith.select %parallel_loop3A_696, %parallel_loop3A_697, %parallel_loop3A_694 : i32
          %parallel_loop3A_699 = arith.remsi %parallel_loop3A_654, %parallel_loop3A_698 : i32
          %parallel_loop3A_700 = arith.constant 0 : i32
          %parallel_loop3A_701 = arith.cmpi ne, %parallel_loop3A_699, %parallel_loop3A_700 : i32
          %parallel_loop3A_702 = arith.constant 0 : i32
          %parallel_loop3A_703 = arith.cmpi slt, %parallel_loop3A_699, %parallel_loop3A_702 : i32
          %parallel_loop3A_704 = arith.constant 0 : i32
          %parallel_loop3A_705 = arith.cmpi slt, %parallel_loop3A_698, %parallel_loop3A_704 : i32
          %parallel_loop3A_706 = arith.xori %parallel_loop3A_703, %parallel_loop3A_705 : i1
          %parallel_loop3A_707 = arith.andi %parallel_loop3A_706, %parallel_loop3A_701 : i1
          %parallel_loop3A_708 = arith.addi %parallel_loop3A_699, %parallel_loop3A_698 : i32
          %parallel_loop3A_709 = arith.select %parallel_loop3A_707, %parallel_loop3A_708, %parallel_loop3A_699 : i32
          %parallel_loop3A_710 = arith.constant 16 : i32
          %parallel_loop3A_711 = arith.muli %parallel_loop3A_709, %parallel_loop3A_710 : i32
          %parallel_loop3A_712 = arith.index_cast %add3A_650 : i32 to index
          %parallel_loop3A_713 = arith.index_cast %parallel_loop3A_693 : i32 to index
          %parallel_loop3A_714 = arith.index_cast %parallel_loop3A_711 : i32 to index
          %parallel_loop3A_715 = tpu.vector_load %arg12[%parallel_loop3A_712, %parallel_loop3A_713, %parallel_loop3A_714] {strides = array<i32>} : memref<33x8x128xf32, #tpu.memory_space<vmem>>, vector<16xf32>,
          tpu.vector_store %arg12[%parallel_loop3A_712, %parallel_loop3A_713, %parallel_loop3A_714], %parallel_loop3A_669 {strides = array<i32>} : memref<33x8x128xf32, #tpu.memory_space<vmem>>, vector<16xf32>,
        } {sc.loop_unroll_factor = 16 : i64, sc.parallel_access}
      }
      %scan3A_493 = arith.constant 33 : i32
      %jit3A_494 = arith.constant 8 : i32
      %div3A_495 = arith.divsi %add3A_460, %jit3A_494 : i32
      %sign3A_496 = arith.constant 0 : i32
      %sign3A_497 = arith.cmpi sgt, %add3A_460, %sign3A_496 : i32
      %sign3A_498 = arith.extui %sign3A_497 : i1 to i32
      %sign3A_499 = arith.constant 0 : i32
      %sign3A_500 = arith.cmpi slt, %add3A_460, %sign3A_499 : i32
      %sign3A_501 = arith.extui %sign3A_500 : i1 to i32
      %sign3A_502 = arith.subi %sign3A_498, %sign3A_501 : i32
      %sign3A_503 = arith.constant 0 : i32
      %sign3A_504 = arith.cmpi sgt, %jit3A_494, %sign3A_503 : i32
      %sign3A_505 = arith.extui %sign3A_504 : i1 to i32
      %sign3A_506 = arith.constant 0 : i32
      %sign3A_507 = arith.cmpi slt, %jit3A_494, %sign3A_506 : i32
      %sign3A_508 = arith.extui %sign3A_507 : i1 to i32
      %sign3A_509 = arith.subi %sign3A_505, %sign3A_508 : i32
      %ne3A_510 = arith.cmpi ne, %sign3A_502, %sign3A_509 : i32
      %rem3A_511 = arith.remsi %add3A_460, %jit3A_494 : i32
      %ne3A_512 = arith.constant 0 : i32
      %ne3A_513 = arith.cmpi ne, %rem3A_511, %ne3A_512 : i32
      %and3A_514 = arith.andi %ne3A_510, %ne3A_513 : i1
      %sub3A_515 = arith.constant 1 : i32
      %sub3A_516 = arith.subi %div3A_495, %sub3A_515 : i32
      %select_n3A_517 = arith.select %and3A_514, %sub3A_516, %div3A_495 : i32
      %jit3A_518 = arith.constant 8 : i32
      %eq3A_519 = arith.constant 0 : i32
      %eq3A_520 = arith.cmpi eq, %jit3A_518, %eq3A_519 : i32
      %jit3A_521 = arith.constant 1 : i32
      %select_n3A_522 = arith.select %eq3A_520, %jit3A_521, %jit3A_518 : i32
      %rem3A_523 = arith.remsi %add3A_460, %select_n3A_522 : i32
      %ne3A_524 = arith.constant 0 : i32
      %ne3A_525 = arith.cmpi ne, %rem3A_523, %ne3A_524 : i32
      %lt3A_526 = arith.constant 0 : i32
      %lt3A_527 = arith.cmpi slt, %rem3A_523, %lt3A_526 : i32
      %lt3A_528 = arith.constant 0 : i32
      %lt3A_529 = arith.cmpi slt, %select_n3A_522, %lt3A_528 : i32
      %ne3A_530 = arith.xori %lt3A_527, %lt3A_529 : i1
      %and3A_531 = arith.andi %ne3A_530, %ne3A_525 : i1
      %add3A_532 = arith.addi %rem3A_523, %select_n3A_522 : i32
      %select_n3A_533 = arith.select %and3A_531, %add3A_532, %rem3A_523 : i32
      %dma_start3A_534 = arith.constant 0 : i32
      %dma_start3A_535 = arith.constant 0 : i32
      %dma_start3A_536 = tpu.memref_slice %arg5[%select_n3A, %select_n3A_517, %dma_start3A_534, %select_n3A_533, %dma_start3A_535] : memref<16x16x32x8x128xf32, #tpu.memory_space<hbm>> -> memref<1x1x32x1x128xf32, #tpu.memory_space<hbm>>
      %dma_start3A_537 = tpu.memref_squeeze %dma_start3A_536 : memref<1x1x32x1x128xf32, #tpu.memory_space<hbm>> -> memref<32x128xf32, #tpu.memory_space<hbm>>
      %dma_start3A_538 = arith.constant 0 : i32
      %dma_start3A_539 = arith.constant 0 : i32
      %dma_start3A_540 = tpu.memref_slice %arg5[%select_n3A, %select_n3A_517, %dma_start3A_538, %select_n3A_533, %dma_start3A_539] : memref<16x16x32x8x128xf32, #tpu.memory_space<hbm>> -> memref<1x1x32x1x128xf32, #tpu.memory_space<hbm>>
      %dma_start3A_541 = tpu.memref_squeeze %dma_start3A_540 : memref<1x1x32x1x128xf32, #tpu.memory_space<hbm>> -> memref<32x128xf32, #tpu.memory_space<hbm>>
      tpu.enqueue_dma source(%dma_start3A_541 : memref<32x128xf32, #tpu.memory_space<hbm>>) target(%arg14 : memref<32x128xf32, #tpu.memory_space<vmem>>) target_semaphore(%arg16 : memref<!tpu.dma_semaphore, #tpu.memory_space<semaphore_mem>>)
      %add3A_542 = arith.addi %mul3A_146, %add3A_456 : i32
      %add3A_543 = arith.constant 2 : i32
      %add3A_544 = arith.addi %add3A_543, %add3A_542 : i32
      %mul3A_545 = arith.constant 33 : i32
      %mul3A_546 = arith.muli %add3A_544, %mul3A_545 : i32
      %dma_start3A_547 = arith.constant 0 : i32
      %dma_start3A_548 = arith.constant 0 : i32
      %dma_start3A_549 = tpu.memref_slice %arg6[%mul3A_546, %select_n3A_54, %dma_start3A_547, %select_n3A_70, %dma_start3A_548] : memref<4290x2x8x8x128xf32, #tpu.memory_space<hbm>> -> memref<33x1x8x1x128xf32, #tpu.memory_space<hbm>>
      %dma_start3A_550 = tpu.memref_squeeze %dma_start3A_549 : memref<33x1x8x1x128xf32, #tpu.memory_space<hbm>> -> memref<33x8x128xf32, #tpu.memory_space<hbm>>
      %dma_start3A_551 = arith.constant 0 : i32
      %dma_start3A_552 = arith.constant 0 : i32
      %dma_start3A_553 = tpu.memref_slice %arg6[%mul3A_546, %select_n3A_54, %dma_start3A_551, %select_n3A_70, %dma_start3A_552] : memref<4290x2x8x8x128xf32, #tpu.memory_space<hbm>> -> memref<33x1x8x1x128xf32, #tpu.memory_space<hbm>>
      %dma_start3A_554 = tpu.memref_squeeze %dma_start3A_553 : memref<33x1x8x1x128xf32, #tpu.memory_space<hbm>> -> memref<33x8x128xf32, #tpu.memory_space<hbm>>
      tpu.enqueue_dma source(%arg12 : memref<33x8x128xf32, #tpu.memory_space<vmem>>) target(%dma_start3A_554 : memref<33x8x128xf32, #tpu.memory_space<hbm>>) target_semaphore(%arg18 : memref<!tpu.dma_semaphore, #tpu.memory_space<semaphore_mem>>)
      %dma_wait3A_555 = arith.constant 0 : i32
      %dma_wait3A_556 = arith.constant 0 : i32
      %dma_wait3A_557 = arith.constant 0 : i32
      %dma_wait3A_558 = arith.constant 0 : i32
      %dma_wait3A_559 = arith.constant 0 : i32
      %dma_wait3A_560 = tpu.memref_slice %arg5[%dma_wait3A_555, %dma_wait3A_556, %dma_wait3A_558, %dma_wait3A_557, %dma_wait3A_559] : memref<16x16x32x8x128xf32, #tpu.memory_space<hbm>> -> memref<1x1x32x1x128xf32, #tpu.memory_space<hbm>>
      %dma_wait3A_561 = tpu.memref_squeeze %dma_wait3A_560 : memref<1x1x32x1x128xf32, #tpu.memory_space<hbm>> -> memref<32x128xf32, #tpu.memory_space<hbm>>
      %dma_wait3A_562 = arith.constant 0 : i32
      %dma_wait3A_563 = arith.constant 0 : i32
      %dma_wait3A_564 = tpu.memref_slice %arg5[%dma_wait3A_555, %dma_wait3A_556, %dma_wait3A_562, %dma_wait3A_557, %dma_wait3A_563] : memref<16x16x32x8x128xf32, #tpu.memory_space<hbm>> -> memref<1x1x32x1x128xf32, #tpu.memory_space<hbm>>
      %dma_wait3A_565 = tpu.memref_squeeze %dma_wait3A_564 : memref<1x1x32x1x128xf32, #tpu.memory_space<hbm>> -> memref<32x128xf32, #tpu.memory_space<hbm>>
      tpu.wait_dma2 semaphore(%arg17 : memref<!tpu.dma_semaphore, #tpu.memory_space<semaphore_mem>>) src(%dma_wait3A_565 : memref<32x128xf32, #tpu.memory_space<hbm>>) dst(%arg15 : memref<32x128xf32, #tpu.memory_space<vmem>>)
      %dma_wait3A_566 = arith.constant 0 : i32
      %dma_wait3A_567 = arith.constant 0 : i32
      %dma_wait3A_568 = arith.constant 0 : i32
      %dma_wait3A_569 = arith.constant 0 : i32
      %dma_wait3A_570 = arith.constant 0 : i32
      %dma_wait3A_571 = tpu.memref_slice %arg6[%dma_wait3A_568, %dma_wait3A_566, %dma_wait3A_569, %dma_wait3A_567, %dma_wait3A_570] : memref<4290x2x8x8x128xf32, #tpu.memory_space<hbm>> -> memref<33x1x8x1x128xf32, #tpu.memory_space<hbm>>
      %dma_wait3A_572 = tpu.memref_squeeze %dma_wait3A_571 : memref<33x1x8x1x128xf32, #tpu.memory_space<hbm>> -> memref<33x8x128xf32, #tpu.memory_space<hbm>>
      %dma_wait3A_573 = arith.constant 0 : i32
      %dma_wait3A_574 = arith.constant 0 : i32
      %dma_wait3A_575 = arith.constant 0 : i32
      %dma_wait3A_576 = tpu.memref_slice %arg6[%dma_wait3A_573, %dma_wait3A_566, %dma_wait3A_574, %dma_wait3A_567, %dma_wait3A_575] : memref<4290x2x8x8x128xf32, #tpu.memory_space<hbm>> -> memref<33x1x8x1x128xf32, #tpu.memory_space<hbm>>
      %dma_wait3A_577 = tpu.memref_squeeze %dma_wait3A_576 : memref<33x1x8x1x128xf32, #tpu.memory_space<hbm>> -> memref<33x8x128xf32, #tpu.memory_space<hbm>>
      tpu.wait_dma2 semaphore(%arg19 : memref<!tpu.dma_semaphore, #tpu.memory_space<semaphore_mem>>) src(%arg13 : memref<33x8x128xf32, #tpu.memory_space<vmem>>) dst(%dma_wait3A_577 : memref<33x8x128xf32, #tpu.memory_space<hbm>>)
      %scan3A_578 = arith.constant 0 : i32
      %scan3A_579 = arith.constant 33 : i32
      %scan3A_580 = arith.addi %scan3A_578, %scan3A_579 : i32
      %scan3A_581 = arith.constant 1 : i32
      scf.for %scan3A_646 = %scan3A_578 to %scan3A_580 step %scan3A_581  : i32 {
        %mul3A_647 = arith.constant 1 : i32
        %mul3A_648 = arith.muli %scan3A_646, %mul3A_647 : i32
        %add3A_649 = arith.constant 0 : i32
        %add3A_650 = arith.addi %add3A_649, %mul3A_648 : i32
        %parallel_loop3A_651 = arith.constant 0 : i32
        %parallel_loop3A_652 = arith.constant 64 : i32
        %parallel_loop3A_653 = arith.constant 1 : i32
        scf.for %parallel_loop3A_654 = %parallel_loop3A_651 to %parallel_loop3A_652 step %parallel_loop3A_653  : i32 {
          %parallel_loop3A_655 = arith.constant 16 : i32
          %parallel_loop3A_656 = arith.muli %parallel_loop3A_654, %parallel_loop3A_655 : i32
          %parallel_loop3A_657 = arith.constant 33 : i32
          %parallel_loop3A_658 = arith.muli %parallel_loop3A_656, %parallel_loop3A_657 : i32
          %parallel_loop3A_659 = arith.addi %parallel_loop3A_658, %add3A_650 : i32
          %parallel_loop3A_660 = vector.broadcast %parallel_loop3A_659 : i32 to vector<16xi32>
          %parallel_loop3A_661 = arith.addi %mul3A_73, %parallel_loop3A_660 : vector<16xi32>
          %parallel_loop3A_662 = tpu.vector_load_idx %arg11[%parallel_loop3A_661] : memref<34336xi32, #tpu.memory_space<vmem>>[vector<16xi32>], vector<16xi32>,
          %parallel_loop3A_663 = arith.constant 7 : i32
          %parallel_loop3A_664 = vector.broadcast %parallel_loop3A_663 : i32 to vector<16xi32>
          %parallel_loop3A_665 = arith.shrui %parallel_loop3A_662, %parallel_loop3A_664 : vector<16xi32>
          %parallel_loop3A_666 = arith.constant 127 : i32
          %parallel_loop3A_667 = vector.broadcast %parallel_loop3A_666 : i32 to vector<16xi32>
          %parallel_loop3A_668 = arith.andi %parallel_loop3A_662, %parallel_loop3A_667 : vector<16xi32>
          %parallel_loop3A_669 = tpu.vector_load_idx %arg15[%parallel_loop3A_665, %parallel_loop3A_668] : memref<32x128xf32, #tpu.memory_space<vmem>>[vector<16xi32>, vector<16xi32>], vector<16xf32>,
          %parallel_loop3A_670 = arith.constant 8 : i32
          %parallel_loop3A_671 = arith.divsi %parallel_loop3A_654, %parallel_loop3A_670 : i32
          %parallel_loop3A_672 = arith.constant 0 : i32
          %parallel_loop3A_673 = arith.cmpi sgt, %parallel_loop3A_654, %parallel_loop3A_672 : i32
          %parallel_loop3A_674 = arith.extui %parallel_loop3A_673 : i1 to i32
          %parallel_loop3A_675 = arith.constant 0 : i32
          %parallel_loop3A_676 = arith.cmpi slt, %parallel_loop3A_654, %parallel_loop3A_675 : i32
          %parallel_loop3A_677 = arith.extui %parallel_loop3A_676 : i1 to i32
          %parallel_loop3A_678 = arith.subi %parallel_loop3A_674, %parallel_loop3A_677 : i32
          %parallel_loop3A_679 = arith.constant 0 : i32
          %parallel_loop3A_680 = arith.cmpi sgt, %parallel_loop3A_670, %parallel_loop3A_679 : i32
          %parallel_loop3A_681 = arith.extui %parallel_loop3A_680 : i1 to i32
          %parallel_loop3A_682 = arith.constant 0 : i32
          %parallel_loop3A_683 = arith.cmpi slt, %parallel_loop3A_670, %parallel_loop3A_682 : i32
          %parallel_loop3A_684 = arith.extui %parallel_loop3A_683 : i1 to i32
          %parallel_loop3A_685 = arith.subi %parallel_loop3A_681, %parallel_loop3A_684 : i32
          %parallel_loop3A_686 = arith.cmpi ne, %parallel_loop3A_678, %parallel_loop3A_685 : i32
          %parallel_loop3A_687 = arith.remsi %parallel_loop3A_654, %parallel_loop3A_670 : i32
          %parallel_loop3A_688 = arith.constant 0 : i32
          %parallel_loop3A_689 = arith.cmpi ne, %parallel_loop3A_687, %parallel_loop3A_688 : i32
          %parallel_loop3A_690 = arith.andi %parallel_loop3A_686, %parallel_loop3A_689 : i1
          %parallel_loop3A_691 = arith.constant 1 : i32
          %parallel_loop3A_692 = arith.subi %parallel_loop3A_671, %parallel_loop3A_691 : i32
          %parallel_loop3A_693 = arith.select %parallel_loop3A_690, %parallel_loop3A_692, %parallel_loop3A_671 : i32
          %parallel_loop3A_694 = arith.constant 8 : i32
          %parallel_loop3A_695 = arith.constant 0 : i32
          %parallel_loop3A_696 = arith.cmpi eq, %parallel_loop3A_694, %parallel_loop3A_695 : i32
          %parallel_loop3A_697 = arith.constant 1 : i32
          %parallel_loop3A_698 = arith.select %parallel_loop3A_696, %parallel_loop3A_697, %parallel_loop3A_694 : i32
          %parallel_loop3A_699 = arith.remsi %parallel_loop3A_654, %parallel_loop3A_698 : i32
          %parallel_loop3A_700 = arith.constant 0 : i32
          %parallel_loop3A_701 = arith.cmpi ne, %parallel_loop3A_699, %parallel_loop3A_700 : i32
          %parallel_loop3A_702 = arith.constant 0 : i32
          %parallel_loop3A_703 = arith.cmpi slt, %parallel_loop3A_699, %parallel_loop3A_702 : i32
          %parallel_loop3A_704 = arith.constant 0 : i32
          %parallel_loop3A_705 = arith.cmpi slt, %parallel_loop3A_698, %parallel_loop3A_704 : i32
          %parallel_loop3A_706 = arith.xori %parallel_loop3A_703, %parallel_loop3A_705 : i1
          %parallel_loop3A_707 = arith.andi %parallel_loop3A_706, %parallel_loop3A_701 : i1
          %parallel_loop3A_708 = arith.addi %parallel_loop3A_699, %parallel_loop3A_698 : i32
          %parallel_loop3A_709 = arith.select %parallel_loop3A_707, %parallel_loop3A_708, %parallel_loop3A_699 : i32
          %parallel_loop3A_710 = arith.constant 16 : i32
          %parallel_loop3A_711 = arith.muli %parallel_loop3A_709, %parallel_loop3A_710 : i32
          %parallel_loop3A_712 = arith.index_cast %add3A_650 : i32 to index
          %parallel_loop3A_713 = arith.index_cast %parallel_loop3A_693 : i32 to index
          %parallel_loop3A_714 = arith.index_cast %parallel_loop3A_711 : i32 to index
          %parallel_loop3A_715 = tpu.vector_load %arg13[%parallel_loop3A_712, %parallel_loop3A_713, %parallel_loop3A_714] {strides = array<i32>} : memref<33x8x128xf32, #tpu.memory_space<vmem>>, vector<16xf32>,
          tpu.vector_store %arg13[%parallel_loop3A_712, %parallel_loop3A_713, %parallel_loop3A_714], %parallel_loop3A_669 {strides = array<i32>} : memref<33x8x128xf32, #tpu.memory_space<vmem>>, vector<16xf32>,
        } {sc.loop_unroll_factor = 16 : i64, sc.parallel_access}
      }
      %scan3A_582 = arith.constant 33 : i32
      %jit3A_583 = arith.constant 8 : i32
      %div3A_584 = arith.divsi %add3A_465, %jit3A_583 : i32
      %sign3A_585 = arith.constant 0 : i32
      %sign3A_586 = arith.cmpi sgt, %add3A_465, %sign3A_585 : i32
      %sign3A_587 = arith.extui %sign3A_586 : i1 to i32
      %sign3A_588 = arith.constant 0 : i32
      %sign3A_589 = arith.cmpi slt, %add3A_465, %sign3A_588 : i32
      %sign3A_590 = arith.extui %sign3A_589 : i1 to i32
      %sign3A_591 = arith.subi %sign3A_587, %sign3A_590 : i32
      %sign3A_592 = arith.constant 0 : i32
      %sign3A_593 = arith.cmpi sgt, %jit3A_583, %sign3A_592 : i32
      %sign3A_594 = arith.extui %sign3A_593 : i1 to i32
      %sign3A_595 = arith.constant 0 : i32
      %sign3A_596 = arith.cmpi slt, %jit3A_583, %sign3A_595 : i32
      %sign3A_597 = arith.extui %sign3A_596 : i1 to i32
      %sign3A_598 = arith.subi %sign3A_594, %sign3A_597 : i32
      %ne3A_599 = arith.cmpi ne, %sign3A_591, %sign3A_598 : i32
      %rem3A_600 = arith.remsi %add3A_465, %jit3A_583 : i32
      %ne3A_601 = arith.constant 0 : i32
      %ne3A_602 = arith.cmpi ne, %rem3A_600, %ne3A_601 : i32
      %and3A_603 = arith.andi %ne3A_599, %ne3A_602 : i1
      %sub3A_604 = arith.constant 1 : i32
      %sub3A_605 = arith.subi %div3A_584, %sub3A_604 : i32
      %select_n3A_606 = arith.select %and3A_603, %sub3A_605, %div3A_584 : i32
      %jit3A_607 = arith.constant 8 : i32
      %eq3A_608 = arith.constant 0 : i32
      %eq3A_609 = arith.cmpi eq, %jit3A_607, %eq3A_608 : i32
      %jit3A_610 = arith.constant 1 : i32
      %select_n3A_611 = arith.select %eq3A_609, %jit3A_610, %jit3A_607 : i32
      %rem3A_612 = arith.remsi %add3A_465, %select_n3A_611 : i32
      %ne3A_613 = arith.constant 0 : i32
      %ne3A_614 = arith.cmpi ne, %rem3A_612, %ne3A_613 : i32
      %lt3A_615 = arith.constant 0 : i32
      %lt3A_616 = arith.cmpi slt, %rem3A_612, %lt3A_615 : i32
      %lt3A_617 = arith.constant 0 : i32
      %lt3A_618 = arith.cmpi slt, %select_n3A_611, %lt3A_617 : i32
      %ne3A_619 = arith.xori %lt3A_616, %lt3A_618 : i1
      %and3A_620 = arith.andi %ne3A_619, %ne3A_614 : i1
      %add3A_621 = arith.addi %rem3A_612, %select_n3A_611 : i32
      %select_n3A_622 = arith.select %and3A_620, %add3A_621, %rem3A_612 : i32
      %dma_start3A_623 = arith.constant 0 : i32
      %dma_start3A_624 = arith.constant 0 : i32
      %dma_start3A_625 = tpu.memref_slice %arg5[%select_n3A, %select_n3A_606, %dma_start3A_623, %select_n3A_622, %dma_start3A_624] : memref<16x16x32x8x128xf32, #tpu.memory_space<hbm>> -> memref<1x1x32x1x128xf32, #tpu.memory_space<hbm>>
      %dma_start3A_626 = tpu.memref_squeeze %dma_start3A_625 : memref<1x1x32x1x128xf32, #tpu.memory_space<hbm>> -> memref<32x128xf32, #tpu.memory_space<hbm>>
      %dma_start3A_627 = arith.constant 0 : i32
      %dma_start3A_628 = arith.constant 0 : i32
      %dma_start3A_629 = tpu.memref_slice %arg5[%select_n3A, %select_n3A_606, %dma_start3A_627, %select_n3A_622, %dma_start3A_628] : memref<16x16x32x8x128xf32, #tpu.memory_space<hbm>> -> memref<1x1x32x1x128xf32, #tpu.memory_space<hbm>>
      %dma_start3A_630 = tpu.memref_squeeze %dma_start3A_629 : memref<1x1x32x1x128xf32, #tpu.memory_space<hbm>> -> memref<32x128xf32, #tpu.memory_space<hbm>>
      tpu.enqueue_dma source(%dma_start3A_630 : memref<32x128xf32, #tpu.memory_space<hbm>>) target(%arg15 : memref<32x128xf32, #tpu.memory_space<vmem>>) target_semaphore(%arg17 : memref<!tpu.dma_semaphore, #tpu.memory_space<semaphore_mem>>)
      %add3A_631 = arith.addi %mul3A_146, %add3A_456 : i32
      %add3A_632 = arith.constant 1 : i32
      %add3A_633 = arith.addi %add3A_631, %add3A_632 : i32
      %add3A_634 = arith.constant 2 : i32
      %add3A_635 = arith.addi %add3A_634, %add3A_633 : i32
      %mul3A_636 = arith.constant 33 : i32
      %mul3A_637 = arith.muli %add3A_635, %mul3A_636 : i32
      %dma_start3A_638 = arith.constant 0 : i32
      %dma_start3A_639 = arith.constant 0 : i32
      %dma_start3A_640 = tpu.memref_slice %arg6[%mul3A_637, %select_n3A_54, %dma_start3A_638, %select_n3A_70, %dma_start3A_639] : memref<4290x2x8x8x128xf32, #tpu.memory_space<hbm>> -> memref<33x1x8x1x128xf32, #tpu.memory_space<hbm>>
      %dma_start3A_641 = tpu.memref_squeeze %dma_start3A_640 : memref<33x1x8x1x128xf32, #tpu.memory_space<hbm>> -> memref<33x8x128xf32, #tpu.memory_space<hbm>>
      %dma_start3A_642 = arith.constant 0 : i32
      %dma_start3A_643 = arith.constant 0 : i32
      %dma_start3A_644 = tpu.memref_slice %arg6[%mul3A_637, %select_n3A_54, %dma_start3A_642, %select_n3A_70, %dma_start3A_643] : memref<4290x2x8x8x128xf32, #tpu.memory_space<hbm>> -> memref<33x1x8x1x128xf32, #tpu.memory_space<hbm>>
      %dma_start3A_645 = tpu.memref_squeeze %dma_start3A_644 : memref<33x1x8x1x128xf32, #tpu.memory_space<hbm>> -> memref<33x8x128xf32, #tpu.memory_space<hbm>>
      tpu.enqueue_dma source(%arg13 : memref<33x8x128xf32, #tpu.memory_space<vmem>>) target(%dma_start3A_645 : memref<33x8x128xf32, #tpu.memory_space<hbm>>) target_semaphore(%arg19 : memref<!tpu.dma_semaphore, #tpu.memory_space<semaphore_mem>>)
    }
    %scan3A_405 = arith.constant 31 : i32
    %dma_wait3A_406 = arith.constant 0 : i32
    %dma_wait3A_407 = arith.constant 0 : i32
    %dma_wait3A_408 = arith.constant 0 : i32
    %dma_wait3A_409 = arith.constant 0 : i32
    %dma_wait3A_410 = arith.constant 0 : i32
    %dma_wait3A_411 = tpu.memref_slice %arg5[%dma_wait3A_406, %dma_wait3A_407, %dma_wait3A_409, %dma_wait3A_408, %dma_wait3A_410] : memref<16x16x32x8x128xf32, #tpu.memory_space<hbm>> -> memref<1x1x32x1x128xf32, #tpu.memory_space<hbm>>
    %dma_wait3A_412 = tpu.memref_squeeze %dma_wait3A_411 : memref<1x1x32x1x128xf32, #tpu.memory_space<hbm>> -> memref<32x128xf32, #tpu.memory_space<hbm>>
    %dma_wait3A_413 = arith.constant 0 : i32
    %dma_wait3A_414 = arith.constant 0 : i32
    %dma_wait3A_415 = tpu.memref_slice %arg5[%dma_wait3A_406, %dma_wait3A_407, %dma_wait3A_413, %dma_wait3A_408, %dma_wait3A_414] : memref<16x16x32x8x128xf32, #tpu.memory_space<hbm>> -> memref<1x1x32x1x128xf32, #tpu.memory_space<hbm>>
    %dma_wait3A_416 = tpu.memref_squeeze %dma_wait3A_415 : memref<1x1x32x1x128xf32, #tpu.memory_space<hbm>> -> memref<32x128xf32, #tpu.memory_space<hbm>>
    tpu.wait_dma2 semaphore(%arg16 : memref<!tpu.dma_semaphore, #tpu.memory_space<semaphore_mem>>) src(%dma_wait3A_416 : memref<32x128xf32, #tpu.memory_space<hbm>>) dst(%arg14 : memref<32x128xf32, #tpu.memory_space<vmem>>)
    %dma_wait3A_417 = arith.constant 0 : i32
    %dma_wait3A_418 = arith.constant 0 : i32
    %dma_wait3A_419 = arith.constant 0 : i32
    %dma_wait3A_420 = arith.constant 0 : i32
    %dma_wait3A_421 = arith.constant 0 : i32
    %dma_wait3A_422 = tpu.memref_slice %arg5[%dma_wait3A_417, %dma_wait3A_418, %dma_wait3A_420, %dma_wait3A_419, %dma_wait3A_421] : memref<16x16x32x8x128xf32, #tpu.memory_space<hbm>> -> memref<1x1x32x1x128xf32, #tpu.memory_space<hbm>>
    %dma_wait3A_423 = tpu.memref_squeeze %dma_wait3A_422 : memref<1x1x32x1x128xf32, #tpu.memory_space<hbm>> -> memref<32x128xf32, #tpu.memory_space<hbm>>
    %dma_wait3A_424 = arith.constant 0 : i32
    %dma_wait3A_425 = arith.constant 0 : i32
    %dma_wait3A_426 = tpu.memref_slice %arg5[%dma_wait3A_417, %dma_wait3A_418, %dma_wait3A_424, %dma_wait3A_419, %dma_wait3A_425] : memref<16x16x32x8x128xf32, #tpu.memory_space<hbm>> -> memref<1x1x32x1x128xf32, #tpu.memory_space<hbm>>
    %dma_wait3A_427 = tpu.memref_squeeze %dma_wait3A_426 : memref<1x1x32x1x128xf32, #tpu.memory_space<hbm>> -> memref<32x128xf32, #tpu.memory_space<hbm>>
    tpu.wait_dma2 semaphore(%arg17 : memref<!tpu.dma_semaphore, #tpu.memory_space<semaphore_mem>>) src(%dma_wait3A_427 : memref<32x128xf32, #tpu.memory_space<hbm>>) dst(%arg15 : memref<32x128xf32, #tpu.memory_space<vmem>>)
    %dma_wait3A_428 = arith.constant 0 : i32
    %dma_wait3A_429 = arith.constant 0 : i32
    %dma_wait3A_430 = arith.constant 0 : i32
    %dma_wait3A_431 = arith.constant 0 : i32
    %dma_wait3A_432 = arith.constant 0 : i32
    %dma_wait3A_433 = tpu.memref_slice %arg6[%dma_wait3A_430, %dma_wait3A_428, %dma_wait3A_431, %dma_wait3A_429, %dma_wait3A_432] : memref<4290x2x8x8x128xf32, #tpu.memory_space<hbm>> -> memref<33x1x8x1x128xf32, #tpu.memory_space<hbm>>
    %dma_wait3A_434 = tpu.memref_squeeze %dma_wait3A_433 : memref<33x1x8x1x128xf32, #tpu.memory_space<hbm>> -> memref<33x8x128xf32, #tpu.memory_space<hbm>>
    %dma_wait3A_435 = arith.constant 0 : i32
    %dma_wait3A_436 = arith.constant 0 : i32
    %dma_wait3A_437 = arith.constant 0 : i32
    %dma_wait3A_438 = tpu.memref_slice %arg6[%dma_wait3A_435, %dma_wait3A_428, %dma_wait3A_436, %dma_wait3A_429, %dma_wait3A_437] : memref<4290x2x8x8x128xf32, #tpu.memory_space<hbm>> -> memref<33x1x8x1x128xf32, #tpu.memory_space<hbm>>
    %dma_wait3A_439 = tpu.memref_squeeze %dma_wait3A_438 : memref<33x1x8x1x128xf32, #tpu.memory_space<hbm>> -> memref<33x8x128xf32, #tpu.memory_space<hbm>>
    tpu.wait_dma2 semaphore(%arg18 : memref<!tpu.dma_semaphore, #tpu.memory_space<semaphore_mem>>) src(%arg12 : memref<33x8x128xf32, #tpu.memory_space<vmem>>) dst(%dma_wait3A_439 : memref<33x8x128xf32, #tpu.memory_space<hbm>>)
    %dma_wait3A_440 = arith.constant 0 : i32
    %dma_wait3A_441 = arith.constant 0 : i32
    %dma_wait3A_442 = arith.constant 0 : i32
    %dma_wait3A_443 = arith.constant 0 : i32
    %dma_wait3A_444 = arith.constant 0 : i32
    %dma_wait3A_445 = tpu.memref_slice %arg6[%dma_wait3A_442, %dma_wait3A_440, %dma_wait3A_443, %dma_wait3A_441, %dma_wait3A_444] : memref<4290x2x8x8x128xf32, #tpu.memory_space<hbm>> -> memref<33x1x8x1x128xf32, #tpu.memory_space<hbm>>
    %dma_wait3A_446 = tpu.memref_squeeze %dma_wait3A_445 : memref<33x1x8x1x128xf32, #tpu.memory_space<hbm>> -> memref<33x8x128xf32, #tpu.memory_space<hbm>>
    %dma_wait3A_447 = arith.constant 0 : i32
    %dma_wait3A_448 = arith.constant 0 : i32
    %dma_wait3A_449 = arith.constant 0 : i32
    %dma_wait3A_450 = tpu.memref_slice %arg6[%dma_wait3A_447, %dma_wait3A_440, %dma_wait3A_448, %dma_wait3A_441, %dma_wait3A_449] : memref<4290x2x8x8x128xf32, #tpu.memory_space<hbm>> -> memref<33x1x8x1x128xf32, #tpu.memory_space<hbm>>
    %dma_wait3A_451 = tpu.memref_squeeze %dma_wait3A_450 : memref<33x1x8x1x128xf32, #tpu.memory_space<hbm>> -> memref<33x8x128xf32, #tpu.memory_space<hbm>>
    tpu.wait_dma2 semaphore(%arg19 : memref<!tpu.dma_semaphore, #tpu.memory_space<semaphore_mem>>) src(%arg13 : memref<33x8x128xf32, #tpu.memory_space<vmem>>) dst(%dma_wait3A_451 : memref<33x8x128xf32, #tpu.memory_space<hbm>>)
    return
  }
}

</mosaic_0001>

<sc_bundles>
// kernel: kernel.3.cloned.1.call-start
scs
__scs_entry_jumppad:
0x0: {  	(pc) =	sbr.rel $0x88, $3  }
0x1: {  	(tag) =	ssettag $0x0;
	lr =	simm.s32 $0x1  }
0x2: {  	[smem:$0x3F9D] =	sst lr;
	_ =	strace $0xD0000000  }
0x3: {  	_ = 	snop  }
0x4: {  	_ = 	snop  }
0x5: {  	_ = 	snop  }
0x6: {  	_ = 	snop  }
0x7: {  	_ = 	snop  }
__scs_overlays_trampoline_lowered:
0x8: {  	[smem:$0x3FAC] =	sst s0  }
0x9: {  	[smem:$0x3FAD] =	sst s1  }
0xa: {  	[smem:$0x3FAE] =	sst s2  }
0xb: {  	[smem:$0x3FAF] =	sst s3  }
0xc: {  	[smem:$0x3FB0] =	sst s4  }
0xd: {  	[smem:$0x3FB1] =	sst s5  }
0xe: {  	[smem:$0x3FB2] =	sst s6  }
0xf: {  	[smem:$0x3FB3] =	sst s7  }
0x10: {  	[smem:$0x3FB4] =	sst s8  }
0x11: {  	[smem:$0x3FB5] =	sst s9;
	s0 =	simm.s32 @!p0 $0x0  }
0x12: {  	s1 =	sld [smem:$0x3F9B];
	s0 =	simm.s32 @p0 $0x1  }
0x13: {  	[smem:$0x3FB6] =	sst s0;
	s0 =	simm.s32 @!p1 $0x0  }
0x14: {  	s2 =	sld [smem:$0x3F9A];
	s0 =	simm.s32 @p1 $0x1  }
0x15: {  	[smem:$0x3FB7] =	sst s0;
	s0 =	simm.s32 @!p2 $0x0  }
0x16: {  	s3 =	sld [smem:$0x3FDB];
	s0 =	simm.s32 @p2 $0x1  }
0x17: {  	s4 =	simm.s32 $0x1BF5;
	[smem:$0x3FB9] =	sst s0  }
0x18: {  	s0 =	sld [smem:$0x3F9C];
	_ =	swait.ge [sflag:s4], $0x0  }
0x19: {  	s7 =	sld [smem:$0x3F9D]  }
0x1a: {  	s8 =	sadd.s32 $0xFFFFE003, lr  }
0x1b: {  	s9 =	sadd.s32 $0xFFFFFEF7, lr;
	s5 =	simm.s32 $0xFFFFFFFF;
	p2 =	slt.u32 s8, $0xFFFFF086  }
0x1c: {  	p1 =	slt.u32 s9, $0xF7A;
	s5 =	simm.s32 @!p2 $0x0  }
0x1d: {  	s5 =	simm.s32 @p1 $0x1;
	p0 =	seq.s32 s7, s2  }
0x1e: {  	s7 =	smul.u32 @!p0 $0xF7A, s2;
	p2 =	seq.s32 @!p0 s5, $0x0  }
0x1f: {  	s9 =	smul.u32 $0xF7A, s1;
	s8 =	simm.s32 @!p0 $0x1BF5;
	p2 =	por !p2, p0  }
0x20: {  	[sflag:s8] =	ssyncset.s32 @!p0 $0xFFFFF086;
	s6 =	sadd.s32 @!p0 s3, s7;
	s7 =	simm.s32 @!p0 $0x108  }
0x21: {  	s3 =	sadd.s32 s3, s9;
	s6 =	sadd.s32 @!p0 $0x88, s6;
	s7 =	simm.s32 @p2 $0x1082  }
0x22: {  	[simem:s7], [sflag:s8] =	dma.local @!p0 [hbm:s6], $0xF7A  }
0x23: {  	s9 =	sor.u32 $0xD0000000, s2;
	s6 =	simm.s32 $0x108;
	_ =	swait.ge @!p0 [sflag:s8], $0x0  }
0x24: {  	s3 =	sadd.s32 $0x88, s3;
	s6 =	simm.s32 @!p1 $0x1082;
	[sflag:s4] =	ssyncset.s32 $0xFFFFF086  }
0x25: {  	[simem:s6], [sflag:s4] =	dma.local [hbm:s3], $0xF7A  }
0x26: {  	[smem:$0x3F9D] =	sst s1;
	(tag) =	ssettag s2;
	_ =	strace s9  }
0x27: {  	s1 =	sld [smem:$0x3FAD]  }
0x28: {  	s2 =	sld [smem:$0x3FAE]  }
0x29: {  	s4 =	sld [smem:$0x3FB0]  }
0x2a: {  	p0 =	seq.s32 s5, $0x0;
	s5 =	sld [smem:$0x3FB1]  }
0x2b: {  	s6 =	sld [smem:$0x3FB2]  }
0x2c: {  	s7 =	sld [smem:$0x3FB3]  }
0x2d: {  	s3 =	simm.s32 $0x108;
	s8 =	sld [smem:$0x3FB4]  }
0x2e: {  	s3 =	simm.s32 @!p0 $0x1082;
	s9 =	sld [smem:$0x3FB5]  }
0x2f: {  	lr =	sadd.s32 s0, s3;
	s0 =	sld [smem:$0x3FAC]  }
0x30: {  	s3 =	sld [smem:$0x3FAF]  }
0x31: {  	[smem:$0x3FB8] =	sst s10  }
0x32: {  	s10 =	sld [smem:$0x3FB6];
	_ =	sdelay $0x3  }
0x33: {  	p0 =	seq.s32 s10, $0x1;
	s10 =	sld [smem:$0x3FB8];
	_ =	sdelay $0x3  }
0x34: {  	[smem:$0x3FB8] =	sst s10  }
0x35: {  	s10 =	sld [smem:$0x3FB7];
	_ =	sdelay $0x3  }
0x36: {  	p1 =	seq.s32 s10, $0x1;
	s10 =	sld [smem:$0x3FB8];
	_ =	sdelay $0x3  }
0x37: {  	[smem:$0x3FB8] =	sst s10  }
0x38: {  	s10 =	sld [smem:$0x3FB9]  }
0x39: {  	_ = 	snop;
	(pc) =	sbr.ind lr, $3  }
0x3a: {  	_ = 	snop  }
0x3b: {  	_ = 	snop  }
0x3c: {  	p2 =	seq.s32 s10, $0x1;
	s10 =	sld [smem:$0x3FB8]  }
0x3d: {  	_ =	shalt  }
0x3e: {  	_ =	shalt  }
0x3f: {  	_ =	shalt  }
0x40: {  	_ =	shalt  }
0x41: {  	_ =	shalt  }
0x42: {  	_ =	shalt  }
0x43: {  	_ =	shalt  }
0x44: {  	_ =	shalt  }
0x45: {  	_ =	shalt  }
0x46: {  	_ =	shalt  }
0x47: {  	_ =	shalt  }
0x48: {  	_ =	shalt  }
0x49: {  	_ =	shalt  }
0x4a: {  	_ =	shalt  }
0x4b: {  	_ =	shalt  }
0x4c: {  	_ =	shalt  }
0x4d: {  	_ =	shalt  }
0x4e: {  	_ =	shalt  }
0x4f: {  	_ =	shalt  }
0x50: {  	_ =	shalt  }
0x51: {  	_ =	shalt  }
0x52: {  	_ =	shalt  }
0x53: {  	_ =	shalt  }
0x54: {  	_ =	shalt  }
0x55: {  	_ =	shalt  }
0x56: {  	_ =	shalt  }
0x57: {  	_ =	shalt  }
0x58: {  	_ =	shalt  }
0x59: {  	_ =	shalt  }
0x5a: {  	_ =	shalt  }
0x5b: {  	_ =	shalt  }
0x5c: {  	_ =	shalt  }
0x5d: {  	_ =	shalt  }
0x5e: {  	_ =	shalt  }
0x5f: {  	_ =	shalt  }
0x60: {  	_ =	shalt  }
0x61: {  	_ =	shalt  }
0x62: {  	_ =	shalt  }
0x63: {  	_ =	shalt  }
0x64: {  	_ =	shalt  }
0x65: {  	_ =	shalt  }
0x66: {  	_ =	shalt  }
0x67: {  	_ =	shalt  }
0x68: {  	_ =	shalt  }
0x69: {  	_ =	shalt  }
0x6a: {  	_ =	shalt  }
0x6b: {  	_ =	shalt  }
0x6c: {  	_ =	shalt  }
0x6d: {  	_ =	shalt  }
0x6e: {  	_ =	shalt  }
0x6f: {  	_ =	shalt  }
0x70: {  	_ =	shalt  }
0x71: {  	_ =	shalt  }
0x72: {  	_ =	shalt  }
0x73: {  	_ =	shalt  }
0x74: {  	_ =	shalt  }
0x75: {  	_ =	shalt  }
0x76: {  	_ =	shalt  }
0x77: {  	_ =	shalt  }
0x78: {  	_ =	shalt  }
0x79: {  	_ =	shalt  }
0x7a: {  	_ =	shalt  }
0x7b: {  	_ =	shalt  }
0x7c: {  	_ =	shalt  }
0x7d: {  	_ =	shalt  }
0x7e: {  	_ =	shalt  }
0x7f: {  	_ =	shalt  }
0x80: {  	_ =	shalt  }
0x81: {  	_ =	shalt  }
0x82: {  	_ =	shalt  }
0x83: {  	_ =	shalt  }
0x84: {  	_ =	shalt  }
0x85: {  	_ =	shalt  }
0x86: {  	_ =	shalt  }
0x87: {  	_ =	shalt  }
.Lfunc_end0:
.L_simem_size_0:
called_computation_lowered:
.L_overlay_start_0:
0x88: {  	s2 =	sld [smem:$0x3FD9]  }
0x89: {  	s3 =	sld [smem:$0x3FFE];
	_ =	sdelay $0x1  }
0x8a: {  	s1 =	srdreg.scid  }
0x8b: {  	s0 =	sand.u32 $0x1, s1  }
0x8c: {  	s17 =	sshll.u32 s0, $0xA;
	s2 =	sadd.s32 s3, s2  }
0x8d: {  	s2 =	sadd.s32 s2, s17  }
0x8e: {  	[smem:$0x3FC4] =	sst s2  }
0x8f: {  	_ = 	snop  }
0x90: {  	s2 =	sld [smem:$0x3FC7]  }
0x91: {  	s18 =	sld [smem:$0x3FD0];
	(tm) =	ssettm $0x1  }
0x92: {  	s4 =	sld [smem:$0x3FFB];
	_ =	sdelay $0x3  }
0x93: {  	_ =	strace s4  }
0x94: {  	s4 =	sld [smem:$0x3FFC];
	_ =	sdelay $0x3  }
0x95: {  	_ =	strace s4  }
0x96: {  	s4 =	sld [smem:$0x3FFD];
	_ =	sdelay $0x3  }
0x97: {  	_ =	strace s4  }
0x98: {  	_ =	strace $0x8FFFFFFF  }
0x99: {  	s19 =	sld [smem:$0x3FDB];
	_ =	sdelay $0x1  }
0x9a: {  	s5 =	simm.s32 $_scs_section_size  }
0x9b: {  	s6 =	simm.s32 $_size__tile_overlayer_lowered;
	s7 =	simm.s32 $_tile_overlayer_lowered  }
0x9c: {  	s22 =	simm.s32 $0x1BFF;
	s21 =	sshll.u32 s7, $0x1;
	s4 =	sadd.s32 s5, s19  }
0x9d: {  	s8 =	simm.s32 $0x0;
	s20 =	sshll.u32 s6, $0x1;
	s6 =	sadd.s32 s21, s4  }
0x9e: {  	[timem:s8], [sflag:s22] =	dma.local [hbm:s6], s20  }
0x9f: {  	_ =	swait.ge [sflag:s22], s20  }
0xa0: {  	s5 =	ssub.s32 $0x0, s20;
	[sflag:s22] =	ssyncset.done $0x0  }
0xa1: {  	[sflag:s22] =	ssyncadd.s32 s5;
	_ =	sdelay $0x1  }
0xa2: {  	s23 =	simm.s32 $0x1B8B  }
0xa3: {  	_ =	swait.ge [sflag:s23], $0x1  }
0xa4: {  	[sflag:s23] =	ssyncset.done $0x0  }
0xa5: {  	s25 =	simm.s32 $0x1B8E;
	s24 =	sld [smem:$0x3FFE];
	[sflag:s23] =	ssyncadd.s32 $0xFFFFFFFF  }
0xa6: {  	s26 =	simm.s32 $execute0_lowered;
	[smem:$0x3FD2] =	sst s25  }
0xa7: {  	s6 =	sshll.u32 s26, $0x1;
	_ =	strace $0x80000046;
	[dreg:$0x1] =	wrdreg $0xFFFFFFFF  }
0xa8: {  	s28 =	simm.s32 $_size_execute0_lowered;
	s4 =	sadd.s32 s4, s6;
	[dreg:$0x0] =	wrdreg $0x0  }
0xa9: {  	s6 =	sshll.u32 s28, $0x1;
	[dreg:$0x2] =	wrdreg s4  }
0xaa: {  	[dreg:$0x3] =	wrdreg s6  }
0xab: {  	[dreg:$0x4] =	wrdreg $0xC0  }
0xac: {  	_ =	task [dreg:s8], $0x5FFFF  }
0xad: {  	[dreg:$0x1] =	wrdreg $0xFFFFFFFF  }
0xae: {  	[dreg:$0x0] =	wrdreg $0x60  }
0xaf: {  	[dreg:$0x2] =	wrdreg s24  }
0xb0: {  	[dreg:$0x3] =	wrdreg s2  }
0xb1: {  	[dreg:$0x4] =	wrdreg s18  }
0xb2: {  	[dreg:$0x5] =	wrdreg $0x9  }
0xb3: {  	_ =	task.clear_ibuf [dreg:s8], $0x6FFFF;
	_ =	strace $0x90000046  }
0xb4: {  	s29 =	simm.s32 $0x9;
	_ =	strace $0x80000048  }
0xb5: {  	_ =	swait.ge [sflag:s29], $0x1  }
0xb6: {  	[sflag:s29] =	ssyncadd.s32 $0xFFFFFFFF  }
0xb7: {  	_ =	strace $0x90000048  }
0xb8: {  	_ =	sfence  }
0xb9: {  	s30 =	sld [smem:$0x0];
	_ =	sdelay $0x2  }
0xba: {  	s31 =	sshll.u32 s1, $0xD;
	s1 =	sshrl.u32 s1, $0x2  }
0xbb: {  	s3 =	sand.u32 $0x4000, s31;
	s1 =	sadd.s32 s1, s30  }
0xbc: {  	s0 =	sor.u32 s3, s0;
	s1 =	sshll.u32 s1, $0x11  }
0xbd: {  	s0 =	sor.u32 s1, s0  }
0xbe: {  	s0 =	sadd.s32 $0x8F2B, s0  }
0xbf: {  	[sflag:s0] =	ssyncadd.remote.s32 $0x1  }
0xc0: {  	_ =	sfence.sel $0xFFFF  }
0xc1: {  	[dreg:$0x0] =	wrdreg $0xFFFFFFFF;
	(pc) =	sbr.abs _section_cstart, $3  }
0xc2: {  	[dreg:$0x1] =	wrdreg $0xFFFFFFFF  }
0xc3: {  	_ =	task.clear_ibuf [dreg:s8], $0x2FFFF;
	_ =	strace $0x9FFFFFFF  }
0xc4: {  	(tm) =	ssettm $0x7FFFFFFF  }
0xc5: {  	_ =	shalt  }
tec
execute0_lowered:
.L_overlay_start_1:
0x0: {  	(tag) =	ssettag $0x1  }
0x1: {  	s29 =	rddreg [dreg:$0x0]  }
0x2: {  	s0 =	srdreg.scid;
	s17 =	rddreg [dreg:$0x1]  }
0x3: {  	s3 =	stileid.u32;
	s5 =	simm.s32 $0x1;
	s20 =	rddreg [dreg:$0x2]  }
0x4: {  	s4 =	simm.s32 $0x0;
	s13 =	simm.s32 $0x1;
	s2 =	sand.u32 $0x1, s0  }
0x5: {  	[smem:$0x7FF] =	sst s4;
	s10 =	sadd.s32 $0x1000, s29;
	s0 =	sshll.u32 s2, $0x4  }
0x6: {  	_ =	strace $0x80000047;
	s1 =	sor.u32 s3, s0;
	s0 =	sand.u32 $0x1, s3  }
0x7: {  	s2 =	ssub.s32 $0x2, s2;
	p0 =	seq.s32 s1, $0x0;
	p1 =	seq.s32 s0, $0x1  }
0x8: {  	s3 =	sadd.s32 $0x8800, s29;
	s12 =	sshrl.u32 s2, $0x1;
	p0 =	por !p0, !p1  }
0x9: {  	s1 =	sshrl.u32 s1, $0x1;
	s25 =	smul.u32 $0x10800, s0;
	p0 =	por !p0, !p0  }
0xa: {  	s2 =	ssub.s32 s2, s12;
	s23 =	smul.u32 $0x4200, s0;
	s5 =	simm.s32 @!p0 $0x0  }
0xb: {  	s18 =	sshll.u32 s0, $0xC;
	s28 =	sshrl.u32 s25, $0x2;
	s1 =	ssub.s32 s1, s5  }
0xc: {  	[dreg:$0x9] =	wrdreg s23;
	s5 =	sshrl.u32 s1, $0xC;
	s6 =	smul.u32 $0x3000, s1  }
0xd: {  	s8 =	sshll.u32 s1, $0xA;
	p5 =	slt.s32 s1, $0x1;
	s30 =	smul.u32 $0xC00, s1  }
0xe: {  	s24 =	smul.u32 $0x8400, s1;
	s7 =	sand.u32 $0x7, s5;
	s5 =	sshll.u32 s0, $0x9  }
0xf: {  	s7 =	sadd.s32 s7, s1;
	s6 =	sshrl.u32 s6, $0x3;
	s8 =	sor.u32 s5, s8  }
0x10: {  	s9 =	sand.u32 $0xFFFFFFF8, s7;
	s6 =	sadd.s32 s6, s29;
	s8 =	sshrl.u32 s8, $0x3  }
0x11: {  	s7 =	sshrl.u32 s7, $0x3;
	s9 =	ssub.s32 s1, s9;
	s6 =	sadd.s32 $0x2800, s6  }
0x12: {  	s8 =	sadd.s32 s8, s29;
	s11 =	sand.u32 $0xFF, s9;
	[dreg:$0x4] =	wrdreg s6  }
0x13: {  	s8 =	sadd.s32 $0x800, s8;
	p6 =	sne.s32 s11, $0x0;
	s11 =	sor.u32 s5, s30  }
0x14: {  	s15 =	sshll.u32 s9, $0x7;
	[dreg:$0x8] =	wrdreg s8;
	s31 =	sadd.s32 $0x400, s11  }
0x15: {  	p0 =	por !p5, !p6;
	s16 =	sadd.s32 $0x800, s11;
	s12 =	sshrl.u32 s31, $0x3  }
0x16: {  	p0 =	por !p0, !p0;
	s9 =	sshrl.u32 s16, $0x3;
	s14 =	sadd.s32 s10, s12  }
0x17: {  	s13 =	simm.s32 @!p0 $0x0;
	s9 =	sadd.s32 s10, s9;
	[dreg:$0x6] =	wrdreg s14  }
0x18: {  	s7 =	ssub.s32 s7, s13;
	s13 =	sshrl.u32 s11, $0x3;
	[dreg:$0x7] =	wrdreg s9  }
0x19: {  	s14 =	sxor.u32 $0x1, s0;
	s6 =	sadd.s32 s10, s13;
	s7 =	sshll.u32 s7, $0xD  }
0x1a: {  	s16 =	smul.u32 $0x4200, s14;
	[dreg:$0x5] =	wrdreg s6;
	s6 =	sand.u32 $0x380, s15  }
0x1b: {  	s14 =	smul.u32 $0x10800, s14;
	s15 =	sadd.s32 s23, s24;
	s19 =	sor.u32 s18, s6  }
0x1c: {  	s9 =	sor.u32 s6, s7;
	s26 =	sshrl.u32 s15, $0x3;
	s10 =	sadd.s32 s16, s24  }
0x1d: {  	s29 =	sshrl.u32 s14, $0x2;
	s24 =	sadd.s32 $0x14300, s5;
	s21 =	sor.u32 s7, s19  }
0x1e: {  	s22 =	sor.u32 s18, s9;
	s31 =	sadd.s32 $0x3880, s29;
	[dreg:$0x13] =	wrdreg s24  }
0x1f: {  	s10 =	sshrl.u32 s10, $0x3;
	s16 =	sadd.s32 $0x18C000, s9;
	[dreg:$0xc] =	wrdreg s31  }
0x20: {  	s19 =	sshll.u32 s0, $0x6;
	s8 =	sshrl.u32 s21, $0x3;
	[dreg:$0x10] =	wrdreg s16  }
0x21: {  	s29 =	sor.u32 $0x2, s19;
	s12 =	sadd.s32 s20, s8;
	s8 =	sadd.s32 $0x84000, s22  }
0x22: {  	s31 =	sadd.s32 $0x210, s23;
	[dreg:$0x17] =	wrdreg s29;
	s8 =	sshrl.u32 s8, $0x3  }
0x23: {  	[dreg:$0x18] =	wrdreg s31;
	s13 =	sadd.s32 s20, s8;
	s8 =	sadd.s32 s3, s26  }
0x24: {  	s30 =	smul.u32 $0x2100000, s0;
	s3 =	sadd.s32 s3, s10;
	[dreg:$0xa] =	wrdreg s8  }
0x25: {  	s18 =	sshll.u32 s1, $0x13;
	s8 =	sadd.s32 $0x3880, s28;
	[dreg:$0xd] =	wrdreg s3  }
0x26: {  	s16 =	simm.s32 $0x1D700;
	s3 =	sshll.u32 s0, $0x12;
	[dreg:$0xb] =	wrdreg s8  }
0x27: {  	s8 =	sor.u32 s6, s30;
	s10 =	sor.u32 s3, s18;
	s30 =	sadd.s32 $0x108000, s9  }
0x28: {  	s9 =	simm.s32 $0x3880;
	s11 =	sadd.s32 s7, s8;
	s0 =	sshrl.u32 s10, $0x3  }
0x29: {  	s8 =	simm.s32 $0x3000;
	s10 =	simm.s32 $0x80;
	[dreg:$0xf] =	wrdreg s30  }
0x2a: {  	s3 =	sadd.s32 $0x108000, s11;
	s14 =	sadd.s32 s17, s0;
	s17 =	smax.u32 s2, $0x1  }
0x2b: {  	s1 =	sadd.s32 $0x18C000, s11;
	s2 =	simm.s32 $0x0;
	[dreg:$0x11] =	wrdreg s17  }
0x2c: {  	s15 =	sshrl.u32 s3, $0x3;
	s25 =	sadd.s32 $0x10, s14;
	[dreg:$0xe] =	wrdreg s14  }
0x2d: {  	s1 =	sshrl.u32 s1, $0x3;
	s26 =	sadd.s32 $0x20, s14;
	[dreg:$0x14] =	wrdreg s25  }
0x2e: {  	s28 =	sadd.s32 $0x30, s14;
	s21 =	sadd.s32 s20, s15;
	[dreg:$0x15] =	wrdreg s26  }
0x2f: {  	s22 =	sadd.s32 s20, s1;
	s20 =	sadd.s32 $0xBF00, s5;
	[dreg:$0x16] =	wrdreg s28  }
0x30: {  	v1 =	vimm.s32 $0x1;
	v2 =	vlaneseq.u32;
	v0 =	vmov s23;
	s14 =	simm.s32 $0x400;
	s15 =	simm.s32 $0x1C700;
	[dreg:$0x12] =	wrdreg s20  }
.LBB2_1:
0x31: {  	[dreg:$0x19] =	wrdreg s2  }
0x32: {  	s0 =	rddreg [dreg:$0x4];
	s1 =	simm.s32 $0x5  }
0x33: {  	[tilespmem:s4], [sflag:$0x5] =	stream.linear.gather [hbm4b:s0+s4], $0x3000, $0x38;
	[tilespmem:$0x1E700] =	vst v63  }
0x34: {  	_ =	swait.ge [sflag:s1], $0x3000  }
0x35: {  	[sflag:s1] =	ssyncset.done $0x0  }
0x36: {  	s24 =	rddreg [dreg:$0x5];
	[sflag:s1] =	ssyncadd.s32 $0xFFFFD000  }
0x37: {  	[tilespmem:s8], [sflag:$0x5] =	stream.linear.gather [hbm4b:s24+s4], $0x200, $0x38;
	[tilespmem:$0x1E700] =	vst v63  }
0x38: {  	_ =	swait.ge [sflag:s1], $0x200  }
0x39: {  	[sflag:s1] =	ssyncset.done $0x0  }
0x3a: {  	s26 =	simm.s32 $0x3200;
	s25 =	rddreg [dreg:$0x6];
	[sflag:s1] =	ssyncadd.s32 $0xFFFFFE00  }
0x3b: {  	[tilespmem:s26], [sflag:$0x5] =	stream.linear.gather [hbm4b:s25+s4], $0x200, $0x38;
	[tilespmem:$0x1E700] =	vst v63  }
0x3c: {  	_ =	swait.ge [sflag:s1], $0x200  }
0x3d: {  	[sflag:s1] =	ssyncset.done $0x0  }
0x3e: {  	s29 =	simm.s32 $0x3400;
	s28 =	rddreg [dreg:$0x7];
	[sflag:s1] =	ssyncadd.s32 $0xFFFFFE00  }
0x3f: {  	[tilespmem:s29], [sflag:$0x5] =	stream.linear.gather [hbm4b:s28+s4], $0x200, $0x38;
	[tilespmem:$0x1E700] =	vst v63  }
0x40: {  	_ =	swait.ge [sflag:s1], $0x200  }
0x41: {  	s31 =	simm.s32 $0x3680;
	[sflag:s1] =	ssyncset.done $0x0  }
.Ltmp0:
0x42: {  	s30 =	rddreg [dreg:$0x8];
	[sflag:s1] =	ssyncadd.s32 $0xFFFFFE00;
	(pc) =	sbr.rel .LBB2_2-.Ltmp0, $4  }
0x43: {  	[tilespmem:s31], [sflag:$0x5] =	stream.linear.gather [hbm4b:s30+s4], $0x200, $0x38;
	[tilespmem:$0x1E700] =	vst v63  }
0x44: {  	_ =	swait.ge [sflag:s1], $0x200  }
0x45: {  	[sflag:s1] =	ssyncset.done $0x0  }
0x46: {  	[sflag:s1] =	ssyncadd.s32 $0xFFFFFE00;
	s1 =	simm.s32 $0x0  }
.LBB2_9:
0x47: {  	s0 =	smov.u32 @p0 s0  }
.LBB2_10:
0x48: {  	v3 =	vld [tilespmem:s6+$0x3881];
	_ =	sdelay $0x4  }
0x49: {  	(v2sf) =	vpush v3, $0x0;
	_ =	sdelay $0xb  }
0x4a: {  	s0 =	ssub.s32 s0, s6  }
0x4b: {  	v4 =	vadd.s32 $0x1, v2;
	v3 =	vmov s0  }
0x4c: {  	s2 =	sadd.s32 $0x1, s6;
	v62 =	vadd.s32 $0x11, v2;
	vm0 =	vlt.s32 v3, v4  }
0x4d: {  	v6 =	vor.u32 $0x10, v2;
	s1 =	sadd.s32 $0x1, s1;
	v5 =	vadd.s32 s2, v2;
	p0 =	sgt.s32 s0, $0x0;
	vm1 =	vlt.s32 v3, v62;
	s0 =	spop (v2sf)  }
0x4e: {  	v3 =	vadd.s32 s2, v6;
	s0 =	simm.s32 @!p0 $0x0;
	p0 =	sne.s32 s1, $0x200  }
.Ltmp1:
0x4f: {  	_ = 	snop;
	(pc) =	sbr.rel @!p0 .LBB2_11-.Ltmp1, $4  }
0x50: {  	_ = 	snop  }
0x51: {  	v63 =	vmov s0  }
0x52: {  	[tilespmem:v5+s9+$0x0] =	vst.idx.msk vm0, v63  }
0x53: {  	[tilespmem:v3+s9+$0x0] =	vst.idx.msk vm1, v63  }
.LBB2_2:
0x54: {  	v3 =	vld.msk [tilespmem:s1+$0x3000 ss:$0x0], $0xffff;
	s24 =	simm.s32 $0x1040  }
0x55: {  	v7 =	vld [tilespmem:s24+$0xFE0]  }
0x56: {  	v8 =	vld [tilespmem:s24+$0xFF0]  }
0x57: {  	v9 =	vld [tilespmem:s24+$0x1000]  }
0x58: {  	v10 =	vld [tilespmem:s24+$0x1010]  }
0x59: {  	v11 =	vld [tilespmem:s24+$0x1020]  }
0x5a: {  	v12 =	vld [tilespmem:s24+$0x1030]  }
0x5b: {  	v13 =	vld [tilespmem:s24+$0xFD0]  }
0x5c: {  	v15 =	vld [tilespmem:s24+$0xFFFFEFE0]  }
0x5d: {  	v17 =	vld [tilespmem:s24+$0xFFFFEFF0]  }
0x5e: {  	v19 =	vld [tilespmem:s24+$0xFFFFF000]  }
0x5f: {  	v21 =	vld [tilespmem:s24+$0xFFFFF010]  }
0x60: {  	v23 =	vld [tilespmem:s24+$0xFFFFF020]  }
0x61: {  	v25 =	vld [tilespmem:s24+$0xFFFFF030]  }
0x62: {  	v27 =	vld [tilespmem:s24+$0xFFFFEFD0]  }
0x63: {  	s0 =	sand.u32 $0x1FF, s1;
	s25 =	simm.s32 $0x10C0;
	v28 =	vld [tilespmem:s24+$0xFFFFEFC0]  }
0x64: {  	s3 =	sor.u32 $0x3200, s0;
	s0 =	sor.u32 $0x3400, s0;
	v32 =	vld [tilespmem:s25+$0xFFFFF010]  }
0x65: {  	v5 =	vld.msk [tilespmem:s0+$0x0 ss:$0x0], $0xffff;
	v15 =	vsub.f32 v15, v3  }
0x66: {  	v14 =	vld [tilespmem:s24+$0xFC0];
	v17 =	vsub.f32 v17, v3;
	v19 =	vsub.f32 v19, v3  }
0x67: {  	v16 =	vld [tilespmem:s24+$0xFFFFFFE0];
	v21 =	vsub.f32 v21, v3;
	v23 =	vsub.f32 v23, v3  }
0x68: {  	v18 =	vld [tilespmem:s24+$0xFFFFFFF0];
	v25 =	vsub.f32 v25, v3;
	v27 =	vsub.f32 v27, v3  }
0x69: {  	v4 =	vld.msk [tilespmem:s3+$0x0 ss:$0x0], $0xffff;
	v28 =	vsub.f32 v28, v3;
	v60 =	vsub.f32 v32, v3  }
0x6a: {  	s2 =	smul.u32 $0x21, s1;
	s26 =	simm.s32 $0x0;
	v20 =	vld [tilespmem:s24+$0x0];
	v7 =	vsub.f32 v7, v5;
	v8 =	vsub.f32 v8, v5  }
0x6b: {  	s30 =	simm.s32 $0x60;
	v22 =	vld [tilespmem:s24+$0x10];
	v31 =	vor.u32 s26, v2;
	v9 =	vsub.f32 v9, v5;
	v10 =	vsub.f32 v10, v5  }
0x6c: {  	v24 =	vld [tilespmem:s24+$0x20];
	v59 =	vor.u32 s30, v2;
	s6 =	sadd.s32 s23, s2;
	v11 =	vsub.f32 v11, v5;
	v13 =	vsub.f32 v13, v5  }
0x6d: {  	v26 =	vld [tilespmem:s24+$0x30];
	v6 =	vmov s6;
	v12 =	vsub.f32 v12, v5;
	v14 =	vsub.f32 v14, v5  }
0x6e: {  	v29 =	vld [tilespmem:s24+$0xFFFFFFC0];
	v16 =	vsub.f32 v16, v4;
	v18 =	vsub.f32 v18, v4;
	v15 =	vmul.f32 v15, v15  }
0x6f: {  	v30 =	vld [tilespmem:s24+$0xFFFFFFD0];
	v20 =	vsub.f32 v20, v4;
	v17 =	vmul.f32 v17, v17;
	v19 =	vmul.f32 v19, v19  }
0x70: {  	v61 =	vld [tilespmem:s25+$0x30];
	v22 =	vsub.f32 v22, v4;
	v21 =	vmul.f32 v21, v21;
	v23 =	vmul.f32 v23, v23  }
0x71: {  	v36 =	vld [tilespmem:s25+$0xFFFFFFD0];
	v24 =	vsub.f32 v24, v4;
	v25 =	vmul.f32 v25, v25;
	v28 =	vmul.f32 v28, v28  }
0x72: {  	v26 =	vsub.f32 v26, v4;
	v27 =	vmul.f32 v27, v27;
	v7 =	vmul.f32 v7, v7  }
0x73: {  	v29 =	vsub.f32 v29, v4;
	v8 =	vmul.f32 v8, v8;
	v9 =	vmul.f32 v9, v9  }
0x74: {  	v30 =	vsub.f32 v30, v4;
	v10 =	vmul.f32 v10, v10;
	v16 =	vmul.f32 v16, v16  }
0x75: {  	v32 =	vsub.f32 v61, v4;
	v18 =	vmul.f32 v18, v18;
	v20 =	vmul.f32 v20, v20  }
0x76: {  	v57 =	vld [tilespmem:s25+$0xFFFFF020];
	v36 =	vsub.f32 v36, v4;
	v22 =	vmul.f32 v22, v22;
	v24 =	vmul.f32 v24, v24  }
0x77: {  	v58 =	vld [tilespmem:s25+$0xFFFFF030];
	v26 =	vmul.f32 v26, v26;
	v29 =	vmul.f32 v29, v29;
	v15 =	vadd.f32 v16, v15  }
0x78: {  	v14 =	vmul.f32 v14, v14;
	v16 =	vadd.f32 v18, v17;
	v18 =	vadd.f32 v20, v19  }
0x79: {  	v17 =	vmul.f32 v30, v30;
	v19 =	vadd.f32 v22, v21;
	v20 =	vadd.f32 v29, v28  }
0x7a: {  	v13 =	vmul.f32 v13, v13;
	v21 =	vadd.f32 v24, v23;
	v22 =	vadd.f32 v26, v25  }
0x7b: {  	v11 =	vmul.f32 v11, v11;
	v28 =	vsub.f32 v57, v3;
	v17 =	vadd.f32 v17, v27  }
0x7c: {  	v12 =	vmul.f32 v12, v12;
	v30 =	vsub.f32 v58, v3;
	v14 =	vadd.f32 v14, v20  }
0x7d: {  	v32 =	vmul.f32 v32, v32;
	v7 =	vadd.f32 v7, v15;
	v13 =	vadd.f32 v13, v17  }
0x7e: {  	v8 =	vadd.f32 v8, v16;
	v9 =	vadd.f32 v9, v18;
	vm6 =	vlt.f32 v14, $3.999999910e-02  }
0x7f: {  	v23 =	vld [tilespmem:s25+$0xFFFFEFE0];
	v10 =	vadd.f32 v10, v19;
	v11 =	vadd.f32 v11, v21;
	(xrf0) =	vadd.scan.msk.s32 vm6, v1;
	vm5 =	vlt.f32 v13, $3.999999910e-02  }
0x80: {  	v15 =	vld [tilespmem:s25+$0xFE0];
	v28 =	vmul.f32 v28, v28;
	v30 =	vmul.f32 v30, v30;
	vm4 =	vlt.f32 v7, $3.999999910e-02;
	(xrf0) =	vadd.scan.msk.s32 vm5, v1  }
0x81: {  	v19 =	vld [tilespmem:s25+$0x1020];
	v7 =	vadd.f32 v12, v22;
	vm2 =	vlt.f32 v8, $3.999999910e-02;
	vm0 =	vlt.f32 v9, $3.999999910e-02;
	(xrf0) =	vadd.scan.msk.s32 vm4, v1  }
0x82: {  	v21 =	vld [tilespmem:s25+$0xFD0];
	vm1 =	vlt.f32 v10, $3.999999910e-02;
	v16 =	vmpcnt.ones.xlane vm6;
	v18 =	vmpcnt.ones.xlane vm4;
	(xrf0) =	vadd.scan.msk.s32 vm2, v1  }
0x83: {  	v20 =	vld [tilespmem:s25+$0x1030];
	vm7 =	vlt.f32 v11, $3.999999910e-02;
	v9 =	vmpcnt.ones.xlane vm0;
	v17 =	vmpcnt.ones.xlane vm5;
	(xrf0) =	vadd.scan.msk.s32 vm0, v1  }
0x84: {  	v10 =	vmpcnt.ones.xlane vm1;
	v23 =	vsub.f32 v23, v3;
	v16 =	vadd.s32 v6, v16;
	(xrf0) =	vadd.scan.msk.s32 vm1, v1  }
0x85: {  	v14 =	vld [tilespmem:s25+$0xFF0];
	vm3 =	vlt.f32 v7, $3.999999910e-02;
	v8 =	vadd.s32 v16, v17;
	v17 =	vmpcnt.ones.xlane vm2;
	v7, _, _ =	vpop (xrf0);
	(xrf0) =	vadd.scan.msk.s32 vm7, v1  }
0x86: {  	v12 =	vld [tilespmem:s25+$0x1010];
	v15 =	vsub.f32 v15, v5;
	v19 =	vsub.f32 v19, v5;
	v18 =	vadd.s32 v8, v18;
	v25, _, _ =	vpop (xrf0)  }
0x87: {  	v56 =	vld [tilespmem:s25+$0xFFFFFFF0];
	v21 =	vsub.f32 v21, v5;
	v17 =	vadd.s32 v18, v17;
	v26 =	vadd.s32 v6, v7;
	v6, _, _ =	vpop (xrf0)  }
0x88: {  	v13 =	vld [tilespmem:s25+$0x1000];
	v34 =	vsub.f32 v20, v5;
	v22 =	vadd.s32 v17, v9;
	v55 =	vadd.s32 v8, v6;
	v6, _, _ =	vpop (xrf0)  }
0x89: {  	v11 =	vld [tilespmem:s25+$0xFC0];
	v23 =	vmul.f32 v23, v23;
	vm2 =	vmmov vm2;
	v7 =	vadd.s32 v18, v6;
	v6, _, _ =	vpop (xrf0)  }
0x8a: {  	v63 =	vld [tilespmem:s25+$0xFFFFFFC0];
	v14 =	vsub.f32 v14, v5;
	v9 =	vmpcnt.ones.xlane vm7;
	v8 =	vadd.s32 v17, v6;
	v6, _, _ =	vpop (xrf0)  }
0x8b: {  	v27 =	vld [tilespmem:s25+$0xFFFFFFE0];
	v33 =	vsub.f32 v12, v5;
	v24 =	vadd.s32 v22, v10;
	v6 =	vadd.s32 v22, v6;
	v22, _, _ =	vpop (xrf0)  }
0x8c: {  	v62 =	vmul.f32 v15, v15;
	v54 =	vadd.s32 v24, v9;
	v22 =	vadd.s32 v24, v22;
	v24 =	vld [tilespmem:s25+$0x10]  }
0x8d: {  	v21 =	vmul.f32 v21, v21;
	v13 =	vsub.f32 v13, v5;
	v16 =	vadd.s32 v16, v25;
	v25 =	vld [tilespmem:s25+$0xFFFFEFF0]  }
0x8e: {  	v20 =	vsub.f32 v11, v5;
	v35 =	vmul.f32 v14, v14;
	v10 =	vmpcnt.ones.xlane vm3;
	v18 =	vld [tilespmem:s25+$0xFFFFF000]  }
0x8f: {  	s28 =	simm.s32 $0x10;
	v14 =	vmul.f32 v13, v13;
	v13 =	vmul.f32 v33, v33;
	v33 =	vsub.f32 v63, v4;
	v17 =	vld [tilespmem:s25+$0x0]  }
0x90: {  	v11 =	vor.u32 s28, v2;
	v20 =	vmul.f32 v20, v20;
	[tilespmem:v26+s9+$0x0] =	vst.idx.msk vm6, v31;
	v26 =	vsub.f32 v27, v4;
	v27 =	vld [tilespmem:s25+$0x20]  }
0x91: {  	s20 =	simm.s32 $0x70;
	(xrf0) =	vadd.scan.msk.s32 vm3, v1;
	v9 =	vadd.s32 v54, v10;
	v33 =	vmul.f32 v33, v33;
	v15 =	vsub.f32 v24, v4;
	v24 =	vld [tilespmem:s25+$0xFFFFEFC0]  }
0x92: {  	s29 =	simm.s32 $0x20;
	v10 =	vor.u32 s20, v2;
	v25 =	vsub.f32 v25, v3;
	v26 =	vmul.f32 v26, v26;
	[tilespmem:v22+s9+$0x0] =	vst.idx.msk vm7, v59;
	v22 =	vld [tilespmem:s25+$0xFFFFEFD0]  }
0x93: {  	v31 =	vmul.f32 v60, v60;
	[tilespmem:v16+s9+$0x0] =	vst.idx.msk vm5, v11;
	v11 =	vor.u32 s29, v2;
	v16 =	vsub.f32 v56, v4  }
0x94: {  	v18 =	vsub.f32 v18, v3;
	v25 =	vmul.f32 v25, v25;
	v23 =	vadd.f32 v26, v23  }
0x95: {  	v16 =	vmul.f32 v16, v16;
	v17 =	vsub.f32 v17, v4;
	v27 =	vsub.f32 v27, v4  }
0x96: {  	v26 =	vmul.f32 v36, v36;
	v18 =	vmul.f32 v18, v18;
	v24 =	vsub.f32 v24, v3  }
0x97: {  	v17 =	vmul.f32 v17, v17;
	v27 =	vmul.f32 v27, v27;
	v22 =	vsub.f32 v22, v3  }
0x98: {  	v25 =	vadd.f32 v16, v25;
	v15 =	vmul.f32 v15, v15;
	v24 =	vmul.f32 v24, v24  }
0x99: {  	v12, _, _ =	vpop (xrf0);
	v18 =	vadd.f32 v17, v18;
	v16 =	vadd.f32 v27, v28;
	v22 =	vmul.f32 v22, v22  }
0x9a: {  	s31 =	simm.s32 $0x30;
	v12 =	vadd.s32 v54, v12;
	v17 =	vadd.f32 v15, v31;
	v24 =	vadd.f32 v33, v24  }
0x9b: {  	[tilespmem:v55+s9+$0x0] =	vst.idx.msk vm4, v11;
	v11 =	vor.u32 s31, v2;
	v15 =	vadd.f32 v32, v30;
	v26 =	vadd.f32 v26, v22  }
0x9c: {  	v22 =	vmul.f32 v19, v19;
	v19 =	vadd.f32 v35, v25;
	v24 =	vadd.f32 v20, v24  }
0x9d: {  	s0 =	simm.s32 $0x8;
	s2 =	simm.s32 $0x1140;
	v20 =	vadd.f32 v62, v23;
	v23 =	vadd.f32 v21, v26;
	v21 =	vmul.f32 v34, v34  }
.LBB2_3:
0x9e: {  	vm5 =	vlt.f32 v24, $3.999999910e-02;
	v14 =	vadd.f32 v14, v18  }
0x9f: {  	v25 =	vld [tilespmem:s2+$0xFE0];
	v13 =	vadd.f32 v13, v17;
	[tilespmem:v12+s9+$0x0] =	vst.idx.msk vm3, v10;
	vm9 =	vmmov vm0;
	vm8 =	vmmov vm1  }
0xa0: {  	v16 =	vadd.f32 v22, v16;
	v12 =	vld [tilespmem:s2+$0xFF0];
	v10 =	vmpcnt.ones.xlane vm5;
	vm6 =	vlt.f32 v23, $3.999999910e-02;
	(xrf0) =	vadd.scan.msk.s32 vm5, v1  }
0xa1: {  	vm4 =	vlt.f32 v20, $3.999999910e-02;
	v15 =	vadd.f32 v21, v15;
	v17 =	vld [tilespmem:s2+$0x1000];
	v18 =	vmpcnt.ones.xlane vm6;
	(xrf0) =	vadd.scan.msk.s32 vm6, v1  }
0xa2: {  	v21 =	vmpcnt.ones.xlane vm4;
	vm10 =	vlt.f32 v19, $3.999999910e-02;
	v20 =	vld [tilespmem:s2+$0x1010];
	v10 =	vadd.s32 v9, v10;
	(xrf0) =	vadd.scan.msk.s32 vm4, v1  }
0xa3: {  	v22 =	vmpcnt.ones.xlane vm10;
	vm0 =	vlt.f32 v14, $3.999999910e-02;
	v19 =	vld [tilespmem:s2+$0x1020];
	v18 =	vadd.s32 v10, v18;
	(xrf0) =	vadd.scan.msk.s32 vm10, v1  }
0xa4: {  	vm1 =	vlt.f32 v13, $3.999999910e-02;
	v23 =	vmpcnt.ones.xlane vm0;
	v14 =	vld [tilespmem:s2+$0x1030];
	v21 =	vadd.s32 v18, v21;
	(xrf0) =	vadd.scan.msk.s32 vm0, v1  }
0xa5: {  	vm7 =	vlt.f32 v16, $3.999999910e-02;
	v24 =	vmpcnt.ones.xlane vm1;
	v13 =	vld [tilespmem:s2+$0xFD0];
	v22 =	vadd.s32 v21, v22;
	(xrf0) =	vadd.scan.msk.s32 vm1, v1  }
0xa6: {  	v26 =	vmpcnt.ones.xlane vm7;
	vm3 =	vlt.f32 v15, $3.999999910e-02;
	v16 =	vld [tilespmem:s2+$0xFC0];
	v23 =	vadd.s32 v22, v23;
	v15, _, _ =	vpop (xrf0);
	(xrf0) =	vadd.scan.msk.s32 vm7, v1  }
0xa7: {  	s3 =	sadd.s32 $0xFFFFFFD0, s20;
	v27 =	vld [tilespmem:s2+$0xFFFFEFE0];
	v15 =	vadd.s32 v9, v15;
	v24 =	vadd.s32 v23, v24;
	v9 =	vmpcnt.ones.xlane vm3;
	v28, _, _ =	vpop (xrf0);
	(xrf0) =	vadd.scan.msk.s32 vm3, v1  }
0xa8: {  	v29 =	vld [tilespmem:s2+$0xFFFFFFE0];
	v28 =	vadd.s32 v10, v28;
	v26 =	vadd.s32 v24, v26;
	v10, _, _ =	vpop (xrf0);
	[tilespmem:v7+s9+$0x0] =	vst.idx.msk vm2, v11;
	v7 =	vor.u32 s3, v2;
	s3 =	sadd.s32 $0xFFFFFFE0, s20  }
0xa9: {  	s20 =	sadd.s32 $0x80, s20;
	v11 =	vld [tilespmem:s2+$0xFFFFEFF0];
	v18 =	vadd.s32 v18, v10;
	v9 =	vadd.s32 v26, v9;
	v10, _, _ =	vpop (xrf0);
	[tilespmem:v8+s9+$0x0] =	vst.idx.msk vm9, v7;
	v8 =	vor.u32 s3, v2  }
0xaa: {  	vm2 =	vmmov vm10;
	s3 =	sadd.s32 $0xFFFFFF90, s20;
	v30 =	vld [tilespmem:s2+$0xFFFFFFF0];
	v7 =	vadd.s32 v21, v10;
	v10 =	vor.u32 s20, v2;
	v21, _, _ =	vpop (xrf0);
	[tilespmem:v6+s9+$0x0] =	vst.idx.msk vm8, v8  }
0xab: {  	v25 =	vsub.f32 v25, v5;
	v32 =	vor.u32 s3, v2;
	v31 =	vld [tilespmem:s2+$0xFFFFF000];
	v8 =	vadd.s32 v22, v21;
	v6, _, _ =	vpop (xrf0)  }
0xac: {  	v17 =	vsub.f32 v17, v5;
	v21 =	vsub.f32 v12, v5;
	v22 =	vld [tilespmem:s2+$0x0];
	v6 =	vadd.s32 v23, v6;
	v12, _, _ =	vpop (xrf0)  }
0xad: {  	v20 =	vsub.f32 v20, v5;
	v19 =	vsub.f32 v19, v5;
	v23 =	vld [tilespmem:s2+$0xFFFFF010];
	v24 =	vadd.s32 v24, v12;
	v12, _, _ =	vpop (xrf0)  }
0xae: {  	v34 =	vsub.f32 v14, v5;
	v33 =	vsub.f32 v13, v5;
	s3 =	sadd.s32 $0xFFFFFFA0, s20;
	v13 =	vld [tilespmem:s2+$0x10];
	v12 =	vadd.s32 v26, v12  }
0xaf: {  	v16 =	vsub.f32 v16, v5;
	v14 =	vor.u32 s3, v2;
	s3 =	sadd.s32 $0xFFFFFFB0, s20;
	v26 =	vsub.f32 v27, v3;
	v27 =	vld [tilespmem:s2+$0xFFFFF020];
	[tilespmem:v15+s9+$0x0] =	vst.idx.msk vm5, v32  }
0xb0: {  	s0 =	sadd.s32 $0x8, s0;
	v15 =	vsub.f32 v29, v4;
	v29 =	vsub.f32 v11, v3;
	v11 =	vor.u32 s3, v2;
	s3 =	sadd.s32 $0xFFFFFFF0, s20;
	v32 =	vld [tilespmem:s2+$0x20];
	[tilespmem:v28+s9+$0x0] =	vst.idx.msk vm6, v14  }
0xb1: {  	p0 =	slt.u32 s0, $0x38;
	s7 =	sadd.s32 $0xFFFFFFC0, s20;
	v28 =	vsub.f32 v30, v4;
	v30 =	vsub.f32 v31, v3;
	v14 =	vor.u32 s3, v2;
	v31 =	vld [tilespmem:s2+$0xFFFFF030];
	[tilespmem:v18+s9+$0x0] =	vst.idx.msk vm4, v11  }
0xb2: {  	v18 =	vsub.f32 v22, v4;
	v11 =	vor.u32 s7, v2;
	v22 =	vsub.f32 v23, v3;
	v23 =	vld [tilespmem:s2+$0x30];
	[tilespmem:v24+s9+$0x0] =	vst.idx.msk vm7, v14  }
0xb3: {  	v25 =	vmul.f32 v25, v25;
	v21 =	vmul.f32 v21, v21;
	v24 =	vld [tilespmem:s2+$0xFFFFEFD0];
	v35 =	vsub.f32 v13, v4  }
0xb4: {  	v14 =	vmul.f32 v17, v17;
	v13 =	vmul.f32 v20, v20;
	v36 =	vld [tilespmem:s2+$0xFFFFEFC0];
	v17 =	vsub.f32 v27, v3  }
0xb5: {  	v26 =	vmul.f32 v26, v26;
	v15 =	vmul.f32 v15, v15;
	v20 =	vld [tilespmem:s2+$0xFFFFFFC0];
	v27 =	vsub.f32 v32, v4  }
0xb6: {  	v29 =	vmul.f32 v29, v29;
	v28 =	vmul.f32 v28, v28;
	v32 =	vld [tilespmem:s2+$0xFFFFFFD0];
	v31 =	vsub.f32 v31, v3  }
0xb7: {  	v30 =	vmul.f32 v30, v30;
	v18 =	vmul.f32 v18, v18;
	v23 =	vsub.f32 v23, v4  }
0xb8: {  	v22 =	vmul.f32 v22, v22;
	v35 =	vmul.f32 v35, v35;
	v24 =	vsub.f32 v24, v3  }
0xb9: {  	v37 =	vmul.f32 v17, v17;
	v27 =	vmul.f32 v27, v27;
	v36 =	vsub.f32 v36, v3  }
0xba: {  	v23 =	vmul.f32 v23, v23;
	v17 =	vsub.f32 v20, v4;
	v20 =	vmul.f32 v31, v31  }
0xbb: {  	v24 =	vmul.f32 v24, v24;
	v31 =	vmul.f32 v36, v36;
	v32 =	vsub.f32 v32, v4  }
0xbc: {  	v26 =	vadd.f32 v15, v26;
	v28 =	vadd.f32 v28, v29;
	v36 =	vmul.f32 v17, v17  }
.Ltmp2:
0xbd: {  	v18 =	vadd.f32 v18, v30;
	v17 =	vadd.f32 v35, v22;
	v15 =	vmul.f32 v32, v32;
	(pc) =	sbr.rel @p0 .LBB2_3-.Ltmp2, $4  }
0xbe: {  	v29 =	vmul.f32 v16, v16;
	v16 =	vadd.f32 v27, v37;
	v22 =	vadd.f32 v36, v31  }
0xbf: {  	v30 =	vmul.f32 v33, v33;
	v27 =	vadd.f32 v15, v24;
	v15 =	vadd.f32 v23, v20  }
0xc0: {  	v20 =	vadd.f32 v25, v26;
	v24 =	vadd.f32 v29, v22;
	v22 =	vmul.f32 v19, v19  }
0xc1: {  	s2 =	sadd.s32 $0x80, s2;
	v19 =	vadd.f32 v21, v28;
	v21 =	vmul.f32 v34, v34;
	v23 =	vadd.f32 v30, v27  }
0xc2: {  	vm6 =	vlt.f32 v24, $3.999999910e-02  }
0xc3: {  	vm5 =	vlt.f32 v23, $3.999999910e-02;
	(xrf0) =	vadd.scan.msk.s32 vm6, v1  }
0xc4: {  	v14 =	vadd.f32 v14, v18;
	vm4 =	vlt.f32 v20, $3.999999910e-02;
	(xrf0) =	vadd.scan.msk.s32 vm5, v1  }
0xc5: {  	v13 =	vadd.f32 v13, v17;
	vm11 =	vlt.f32 v19, $3.999999910e-02;
	(xrf0) =	vadd.scan.msk.s32 vm4, v1  }
0xc6: {  	v16 =	vadd.f32 v22, v16;
	vm10 =	vlt.f32 v14, $3.999999910e-02;
	(xrf0) =	vadd.scan.msk.s32 vm11, v1  }
0xc7: {  	vm9 =	vlt.f32 v13, $3.999999910e-02;
	(xrf0) =	vadd.scan.msk.s32 vm10, v1  }
0xc8: {  	v43 =	vmpcnt.ones.xlane vm6;
	vm8 =	vlt.f32 v16, $3.999999910e-02;
	(xrf0) =	vadd.scan.msk.s32 vm9, v1  }
0xc9: {  	vm0 =	vmmov vm0;
	v44 =	vmpcnt.ones.xlane vm5;
	v45, _, _ =	vpop (xrf0);
	(xrf0) =	vadd.scan.msk.s32 vm8, v1  }
0xca: {  	vm1 =	vmmov vm1;
	v46 =	vmpcnt.ones.xlane vm4;
	v13 =	vadd.s32 v9, v43;
	v47, _, _ =	vpop (xrf0)  }
0xcb: {  	v42 =	vadd.f32 v21, v15;
	v48 =	vmpcnt.ones.xlane vm11;
	v15 =	vadd.s32 v13, v44;
	v49, _, _ =	vpop (xrf0)  }
0xcc: {  	v50 =	vmpcnt.ones.xlane vm10;
	v16 =	vadd.s32 v15, v46;
	v51, _, _ =	vpop (xrf0)  }
0xcd: {  	v52 =	vmpcnt.ones.xlane vm9;
	v18 =	vadd.s32 v16, v48;
	v53 =	vadd.s32 v9, v45;
	v54, _, _ =	vpop (xrf0)  }
0xce: {  	[tilespmem:v12+s9+$0x0] =	vst.idx.msk vm3, v10;
	s0 =	sadd.s32 $0xFFFFFFD0, s20;
	v56 =	vmpcnt.ones.xlane vm8;
	v55 =	vadd.s32 v18, v50;
	v13 =	vadd.s32 v13, v47;
	v57, _, _ =	vpop (xrf0)  }
0xcf: {  	[tilespmem:v7+s9+$0x0] =	vst.idx.msk vm2, v11;
	s17 =	sadd.s32 $0xFFFFFFE0, s20;
	s2 =	sadd.s32 $0x80, s20;
	v58 =	vor.u32 s0, v2;
	v7 =	vadd.s32 v55, v52;
	v15 =	vadd.s32 v15, v49;
	v59, _, _ =	vpop (xrf0)  }
0xd0: {  	s24 =	sadd.s32 $0xFFFFFF90, s2;
	[tilespmem:v8+s9+$0x0] =	vst.idx.msk vm0, v58;
	v8 =	vor.u32 s17, v2;
	v12 =	vadd.s32 v7, v56;
	v7 =	vadd.s32 v7, v59  }
0xd1: {  	s25 =	sadd.s32 $0xFFFFFFA0, s2;
	[tilespmem:v6+s9+$0x0] =	vst.idx.msk vm1, v8;
	v6 =	vor.u32 s24, v2;
	v61 =	vadd.s32 v16, v51  }
0xd2: {  	s26 =	sadd.s32 $0xFFFFFFB0, s2;
	v62 =	vadd.s32 v18, v54;
	[tilespmem:v53+s9+$0x0] =	vst.idx.msk vm6, v6;
	v6 =	vor.u32 s25, v2  }
0xd3: {  	s28 =	sadd.s32 $0xFFFFFFF0, s2;
	[tilespmem:v13+s9+$0x0] =	vst.idx.msk vm5, v6;
	v6 =	vor.u32 s26, v2  }
0xd4: {  	s29 =	sadd.s32 $0xFFFFFFC0, s2;
	vm7 =	vlt.f32 v42, $3.999999910e-02;
	[tilespmem:v15+s9+$0x0] =	vst.idx.msk vm4, v6;
	v6 =	vor.u32 s28, v2  }
0xd5: {  	s30 =	sadd.s32 $0xFFFFFFD0, s2;
	[tilespmem:v7+s9+$0x0] =	vst.idx.msk vm8, v6;
	v6 =	vor.u32 s29, v2;
	v7 =	vmpcnt.ones.xlane vm7  }
0xd6: {  	[tilespmem:v61+s9+$0x0] =	vst.idx.msk vm11, v6;
	v6 =	vor.u32 s30, v2  }
0xd7: {  	[tilespmem:v62+s9+$0x0] =	vst.idx.msk vm10, v6;
	v6 =	vadd.s32 v12, v7  }
0xd8: {  	(v2sf) =	vpush v6, $0x0;
	_ =	sdelay $0x7  }
0xd9: {  	(xrf0) =	vadd.scan.msk.s32 vm7, v1;
	_ =	sdelay $0x5  }
0xda: {  	v60, _, _ =	vpop (xrf0)  }
0xdb: {  	s20 =	sadd.s32 $0x20, s6;
	v8 =	vadd.s32 v12, v60;
	s0 =	spop (v2sf)  }
0xdc: {  	v10 =	vadd.s32 v55, v57;
	p0 =	sge.s32 s0, s20  }
.Ltmp3:
0xdd: {  	_ = 	snop;
	(pc) =	sbr.rel @p0 .LBB2_10-.Ltmp3, $4  }
0xde: {  	_ = 	snop  }
0xdf: {  	v63 =	vor.u32 s2, v2;
	s31 =	sadd.s32 $0xFFFFFFE0, s2  }
0xe0: {  	[tilespmem:v8+s9+$0x0] =	vst.idx.msk vm7, v63;
	v8 =	vor.u32 s31, v2  }
0xe1: {  	vm13 =	vmmov vm11;
	vm14 =	vmmov vm10;
	vm15 =	vmmov vm9;
	[tilespmem:v10+s9+$0x0] =	vst.idx.msk vm9, v8  }
0xe2: {  	s31 =	simm.s32 $0x2;
	s28 =	simm.s32 $0x470;
	s29 =	simm.s32 $0x1400  }
.LBB2_6:
0xe3: {  	v7 =	vld [tilespmem:s29+$0x1020]  }
0xe4: {  	v8 =	vld [tilespmem:s29+$0x1030]  }
0xe5: {  	v9 =	vld [tilespmem:s29+$0x1040]  }
0xe6: {  	v10 =	vld [tilespmem:s29+$0x1050]  }
0xe7: {  	v11 =	vld [tilespmem:s29+$0x1060]  }
0xe8: {  	v12 =	vld [tilespmem:s29+$0x1070]  }
0xe9: {  	v13 =	vld [tilespmem:s29+$0x1010]  }
0xea: {  	v14 =	vld [tilespmem:s29+$0x1000]  }
0xeb: {  	v15 =	vld [tilespmem:s29+$0xFFFFF020]  }
0xec: {  	v16 =	vld [tilespmem:s29+$0x20]  }
0xed: {  	v17 =	vld [tilespmem:s29+$0xFFFFF030]  }
0xee: {  	v18 =	vld [tilespmem:s29+$0x30]  }
0xef: {  	v19 =	vld [tilespmem:s29+$0xFFFFF040]  }
0xf0: {  	v20 =	vld [tilespmem:s29+$0x40];
	v7 =	vsub.f32 v7, v5;
	v8 =	vsub.f32 v8, v5  }
0xf1: {  	v21 =	vld [tilespmem:s29+$0xFFFFF050];
	v9 =	vsub.f32 v9, v5;
	v10 =	vsub.f32 v10, v5  }
0xf2: {  	v24 =	vld [tilespmem:s29+$0xFFFFF060];
	v11 =	vsub.f32 v11, v5;
	v22 =	vsub.f32 v13, v5  }
0xf3: {  	v25 =	vld [tilespmem:s29+$0x60];
	v23 =	vsub.f32 v14, v5;
	v15 =	vsub.f32 v15, v3  }
0xf4: {  	v26 =	vld [tilespmem:s29+$0xFFFFF070];
	v16 =	vsub.f32 v16, v4;
	v17 =	vsub.f32 v17, v3  }
0xf5: {  	v27 =	vld [tilespmem:s29+$0x70];
	v18 =	vsub.f32 v18, v4;
	v19 =	vsub.f32 v19, v3  }
0xf6: {  	v30 =	vld [tilespmem:s29+$0xFFFFF000];
	v20 =	vsub.f32 v20, v4;
	v21 =	vsub.f32 v21, v3;
	v7 =	vmul.f32 v7, v7  }
0xf7: {  	v28 =	vld [tilespmem:s29+$0xFFFFF010];
	v61 =	vsub.f32 v24, v3;
	v8 =	vmul.f32 v8, v8;
	v14 =	vmul.f32 v9, v9  }
0xf8: {  	v62 =	vld [tilespmem:s29+$0x0];
	v24 =	vsub.f32 v25, v4;
	v15 =	vmul.f32 v15, v15;
	v16 =	vmul.f32 v16, v16  }
0xf9: {  	v13 =	vld [tilespmem:s29+$0x50];
	v26 =	vsub.f32 v26, v3;
	v17 =	vmul.f32 v17, v17;
	v18 =	vmul.f32 v18, v18  }
0xfa: {  	v25 =	vld [tilespmem:s29+$0x10];
	v27 =	vsub.f32 v27, v4;
	v19 =	vmul.f32 v19, v19;
	v20 =	vmul.f32 v20, v20  }
0xfb: {  	v30 =	vsub.f32 v30, v3;
	v21 =	vmul.f32 v21, v21;
	v9 =	vmul.f32 v61, v61  }
0xfc: {  	v12 =	vsub.f32 v12, v5;
	v24 =	vmul.f32 v24, v24;
	v26 =	vmul.f32 v26, v26  }
0xfd: {  	v28 =	vsub.f32 v28, v3;
	v27 =	vmul.f32 v27, v27;
	v30 =	vmul.f32 v30, v30  }
0xfe: {  	s0 =	sshll.u32 s31, $0x5;
	v29 =	vsub.f32 v13, v4;
	v13 =	vmul.f32 v10, v10;
	v10 =	vsub.f32 v62, v4  }
0xff: {  	s2 =	sadd.s32 $0x20, s0;
	s0 =	sadd.s32 $0x8, s0;
	v28 =	vmul.f32 v28, v28;
	v31 =	vadd.f32 v16, v15;
	v25 =	vsub.f32 v25, v4  }
0x100: {  	p1 =	slt.u32 s0, s2;
	v32 =	vadd.f32 v18, v17;
	v18 =	vadd.f32 v20, v19;
	v10 =	vmul.f32 v10, v10  }
.Ltmp4:
0x101: {  	v16 =	vadd.f32 v24, v9;
	v29 =	vmul.f32 v29, v29;
	v15 =	vmul.f32 v25, v25;
	(pc) =	sbr.rel @!p1 .LBB2_7-.Ltmp4, $4  }
0x102: {  	v19 =	vmul.f32 v23, v23;
	v20 =	vadd.f32 v7, v31;
	v10 =	vadd.f32 v10, v30  }
0x103: {  	v17 =	vadd.f32 v29, v21;
	v63 =	vadd.f32 v15, v28;
	v21 =	vmul.f32 v22, v22  }
0x104: {  	v15 =	vadd.f32 v27, v26;
	v22 =	vmul.f32 v11, v11;
	v24 =	vadd.f32 v19, v10  }
0x105: {  	s7 =	sadd.s32 $0x80, s29;
	p0 =	por $0x0, $0x0;
	v23 =	vadd.f32 v21, v63;
	v19 =	vadd.f32 v8, v32;
	v21 =	vmul.f32 v12, v12  }
0x106: {  	v8 =	vld [tilespmem:s7+$0x1020]  }
0x107: {  	v11 =	vld [tilespmem:s7+$0x1030]  }
0x108: {  	v9 =	vadd.f32 v13, v17;
	v13 =	vld [tilespmem:s7+$0x1040]  }
0x109: {  	vm6 =	vlt.f32 v24, $3.999999910e-02;
	v7 =	vadd.f32 v14, v18;
	v12 =	vadd.f32 v22, v16;
	v16 =	vld [tilespmem:s7+$0x1050]  }
0x10a: {  	vm4 =	vlt.f32 v20, $3.999999910e-02;
	v18 =	vld [tilespmem:s7+$0x1060];
	v10 =	vmpcnt.ones.xlane vm6;
	vm5 =	vlt.f32 v23, $3.999999910e-02  }
0x10b: {  	v20 =	vld [tilespmem:s7+$0x1070];
	s3 =	sadd.s32 $0xFFFFFF90, s28;
	(xrf0) =	vadd.scan.msk.s32 vm6, v1;
	v15 =	vadd.f32 v21, v15;
	v17 =	vmpcnt.ones.xlane vm4;
	vm2 =	vlt.f32 v19, $3.999999910e-02  }
0x10c: {  	v32 =	vld [tilespmem:s7+$0xFFFFF050];
	v31 =	vor.u32 s3, v2;
	v14 =	vmpcnt.ones.xlane vm5;
	(xrf0) =	vadd.scan.msk.s32 vm5, v1;
	v19 =	vmpcnt.ones.xlane vm2  }
0x10d: {  	v63 =	vld [tilespmem:s7+$0x70];
	vm0 =	vlt.f32 v7, $3.999999910e-02;
	vm1 =	vlt.f32 v9, $3.999999910e-02;
	v10 =	vadd.s32 v6, v10;
	(xrf0) =	vadd.scan.msk.s32 vm4, v1  }
0x10e: {  	v35 =	vld [tilespmem:s7+$0xFFFFF000];
	vm7 =	vlt.f32 v12, $3.999999910e-02;
	vm3 =	vlt.f32 v15, $3.999999910e-02;
	v14 =	vadd.s32 v10, v14;
	(xrf0) =	vadd.scan.msk.s32 vm2, v1  }
0x10f: {  	v24 =	vmpcnt.ones.xlane vm3;
	(xrf0) =	vadd.scan.msk.s32 vm0, v1;
	v29 =	vsub.f32 v8, v5;
	v60 =	vsub.f32 v11, v5  }
0x110: {  	v22 =	vld [tilespmem:s7+$0x1000];
	vm2 =	vmmov vm2;
	v13 =	vsub.f32 v13, v5;
	v16 =	vsub.f32 v16, v5;
	(xrf0) =	vadd.scan.msk.s32 vm1, v1  }
0x111: {  	v36 =	vld [tilespmem:s7+$0x10];
	v7 =	vadd.s32 v14, v17;
	v33 =	vsub.f32 v18, v5;
	v34 =	vsub.f32 v20, v5;
	v15, _, _ =	vpop (xrf0);
	(xrf0) =	vadd.scan.msk.s32 vm7, v1  }
0x112: {  	v17 =	vmpcnt.ones.xlane vm0;
	v62 =	vsub.f32 v32, v3;
	v32 =	vsub.f32 v63, v4;
	v25, _, _ =	vpop (xrf0)  }
0x113: {  	v26 =	vld [tilespmem:s7+$0x20];
	v35 =	vsub.f32 v35, v3;
	v9 =	vadd.s32 v7, v19;
	v15 =	vadd.s32 v6, v15;
	v6, _, _ =	vpop (xrf0)  }
0x114: {  	v30 =	vld [tilespmem:s7+$0xFFFFF040];
	v19 =	vmpcnt.ones.xlane vm1;
	v12 =	vadd.s32 v9, v17;
	v25 =	vadd.s32 v10, v25;
	v10, _, _ =	vpop (xrf0)  }
0x115: {  	v21 =	vld [tilespmem:s7+$0x1010];
	v20 =	vsub.f32 v22, v5;
	v17 =	vmpcnt.ones.xlane vm7;
	v29 =	vmul.f32 v29, v29;
	(xrf0) =	vadd.scan.msk.s32 vm3, v1;
	v28, _, _ =	vpop (xrf0)  }
0x116: {  	v61 =	vld [tilespmem:s7+$0xFFFFF070];
	v36 =	vsub.f32 v36, v4;
	v32 =	vmul.f32 v32, v32;
	v35 =	vmul.f32 v35, v35;
	v8, _, _ =	vpop (xrf0)  }
0x117: {  	v23 =	vld [tilespmem:s7+$0xFFFFF020];
	v19 =	vadd.s32 v12, v19;
	v14 =	vadd.s32 v14, v6;
	v8 =	vadd.s32 v12, v8;
	v12, _, _ =	vpop (xrf0)  }
0x118: {  	v27 =	vld [tilespmem:s7+$0xFFFFF030];
	v20 =	vmul.f32 v20, v20;
	v17 =	vadd.s32 v19, v17;
	v18 =	vadd.s32 v19, v12  }
0x119: {  	s25 =	sadd.s32 $0xFFFFFFA0, s28;
	v22 =	vld [tilespmem:s7+$0xFFFFF060];
	v6 =	vadd.s32 v17, v24;
	v7 =	vadd.s32 v7, v10;
	v9 =	vadd.s32 v9, v28  }
0x11a: {  	s26 =	sadd.s32 $0xFFFFFFB0, s28;
	v24 =	vld [tilespmem:s7+$0x30];
	v28 =	vmul.f32 v60, v60;
	[tilespmem:v15+s9+$0x0] =	vst.idx.msk vm6, v31;
	v15 =	vor.u32 s25, v2;
	v19 =	vsub.f32 v21, v5  }
0x11b: {  	s30 =	sadd.s32 $0xFFFFFFF0, s28;
	v11 =	vld [tilespmem:s7+$0x40];
	v12, _, _ =	vpop (xrf0);
	[tilespmem:v25+s9+$0x0] =	vst.idx.msk vm5, v15;
	v15 =	vor.u32 s26, v2;
	v25 =	vsub.f32 v30, v3;
	v30 =	vsub.f32 v61, v3  }
0x11c: {  	v21 =	vld [tilespmem:s7+$0x50];
	v12 =	vadd.s32 v17, v12;
	v17 =	vsub.f32 v23, v3;
	[tilespmem:v14+s9+$0x0] =	vst.idx.msk vm4, v15;
	v14 =	vor.u32 s30, v2  }
0x11d: {  	v10 =	vor.u32 s28, v2;
	v23 =	vsub.f32 v26, v4;
	v26 =	vsub.f32 v27, v3;
	v27 =	vld [tilespmem:s7+$0x60];
	[tilespmem:v18+s9+$0x0] =	vst.idx.msk vm7, v14  }
0x11e: {  	v14 =	vmul.f32 v13, v13;
	v13 =	vmul.f32 v16, v16;
	v16 =	vsub.f32 v22, v3;
	v22 =	vld [tilespmem:s7+$0x0]  }
0x11f: {  	v31 =	vmul.f32 v62, v62;
	v24 =	vsub.f32 v24, v4;
	v25 =	vmul.f32 v25, v25;
	v18 =	vld [tilespmem:s7+$0xFFFFF010]  }
0x120: {  	v15 =	vsub.f32 v11, v4;
	v30 =	vmul.f32 v30, v30;
	v17 =	vmul.f32 v17, v17  }
0x121: {  	v23 =	vmul.f32 v23, v23;
	v26 =	vmul.f32 v26, v26;
	v21 =	vsub.f32 v21, v4  }
0x122: {  	v24 =	vmul.f32 v24, v24;
	v15 =	vmul.f32 v15, v15;
	v27 =	vsub.f32 v27, v4  }
0x123: {  	v23 =	vadd.f32 v23, v17;
	v21 =	vmul.f32 v21, v21;
	v22 =	vsub.f32 v22, v4  }
0x124: {  	s3 =	sadd.s32 $0x8, s0;
	v16 =	vmul.f32 v16, v16;
	v27 =	vmul.f32 v27, v27;
	v18 =	vsub.f32 v18, v3  }
0x125: {  	p1 =	slt.u32 s3, s2;
	v26 =	vadd.f32 v24, v26;
	v24 =	vmul.f32 v36, v36;
	v22 =	vmul.f32 v22, v22  }
.Ltmp5:
0x126: {  	s11 =	sadd.s32 $0xFFFFFFC0, s28;
	v17 =	vadd.f32 v21, v31;
	v16 =	vadd.f32 v27, v16;
	v37 =	vmul.f32 v18, v18;
	(pc) =	sbr.rel @!p1 .LBB2_52-.Ltmp5, $4  }
0x127: {  	v11 =	vor.u32 s11, v2;
	v18 =	vadd.f32 v15, v25;
	v21 =	vadd.f32 v22, v35  }
0x128: {  	v19 =	vmul.f32 v19, v19;
	v15 =	vadd.f32 v32, v30;
	v25 =	vadd.f32 v24, v37  }
0x129: {  	v22 =	vmul.f32 v33, v33;
	v24 =	vadd.f32 v20, v21;
	v20 =	vadd.f32 v29, v23  }
0x12a: {  	p0 =	por $0x1, $0x1;
	s0 =	smov.u32 s28;
	s7 =	sadd.s32 $0x80, s7;
	v23 =	vadd.f32 v19, v25;
	v19 =	vadd.f32 v28, v26;
	v21 =	vmul.f32 v34, v34  }
.LBB2_53:
0x12b: {  	vm5 =	vlt.f32 v24, $3.999999910e-02;
	v14 =	vadd.f32 v14, v18  }
0x12c: {  	v25 =	vld [tilespmem:s7+$0x1020];
	v13 =	vadd.f32 v13, v17;
	[tilespmem:v12+s9+$0x0] =	vst.idx.msk vm3, v10;
	vm9 =	vmmov vm0;
	vm8 =	vmmov vm1  }
0x12d: {  	v16 =	vadd.f32 v22, v16;
	v12 =	vld [tilespmem:s7+$0x1030];
	v10 =	vmpcnt.ones.xlane vm5;
	vm6 =	vlt.f32 v23, $3.999999910e-02;
	(xrf0) =	vadd.scan.msk.s32 vm5, v1  }
0x12e: {  	vm4 =	vlt.f32 v20, $3.999999910e-02;
	v15 =	vadd.f32 v21, v15;
	v17 =	vld [tilespmem:s7+$0x1040];
	v18 =	vmpcnt.ones.xlane vm6;
	(xrf0) =	vadd.scan.msk.s32 vm6, v1  }
0x12f: {  	v21 =	vmpcnt.ones.xlane vm4;
	vm10 =	vlt.f32 v19, $3.999999910e-02;
	v20 =	vld [tilespmem:s7+$0x1050];
	v10 =	vadd.s32 v6, v10;
	(xrf0) =	vadd.scan.msk.s32 vm4, v1  }
0x130: {  	v22 =	vmpcnt.ones.xlane vm10;
	vm0 =	vlt.f32 v14, $3.999999910e-02;
	v19 =	vld [tilespmem:s7+$0x1060];
	v18 =	vadd.s32 v10, v18;
	(xrf0) =	vadd.scan.msk.s32 vm10, v1  }
0x131: {  	vm1 =	vlt.f32 v13, $3.999999910e-02;
	v23 =	vmpcnt.ones.xlane vm0;
	v14 =	vld [tilespmem:s7+$0x1070];
	v21 =	vadd.s32 v18, v21;
	(xrf0) =	vadd.scan.msk.s32 vm0, v1  }
0x132: {  	vm7 =	vlt.f32 v16, $3.999999910e-02;
	v24 =	vmpcnt.ones.xlane vm1;
	v13 =	vld [tilespmem:s7+$0x1010];
	v22 =	vadd.s32 v21, v22;
	(xrf0) =	vadd.scan.msk.s32 vm1, v1  }
0x133: {  	v26 =	vmpcnt.ones.xlane vm7;
	vm3 =	vlt.f32 v15, $3.999999910e-02;
	v16 =	vld [tilespmem:s7+$0x1000];
	v23 =	vadd.s32 v22, v23;
	v15, _, _ =	vpop (xrf0);
	(xrf0) =	vadd.scan.msk.s32 vm7, v1  }
0x134: {  	s11 =	sadd.s32 $0xFFFFFFD0, s0;
	v27 =	vld [tilespmem:s7+$0xFFFFF020];
	v15 =	vadd.s32 v6, v15;
	v24 =	vadd.s32 v23, v24;
	v6 =	vmpcnt.ones.xlane vm3;
	v28, _, _ =	vpop (xrf0);
	(xrf0) =	vadd.scan.msk.s32 vm3, v1  }
0x135: {  	v29 =	vld [tilespmem:s7+$0x20];
	v28 =	vadd.s32 v10, v28;
	v26 =	vadd.s32 v24, v26;
	v10, _, _ =	vpop (xrf0);
	[tilespmem:v7+s9+$0x0] =	vst.idx.msk vm2, v11;
	v7 =	vor.u32 s11, v2;
	s11 =	sadd.s32 $0xFFFFFFE0, s0  }
0x136: {  	s0 =	sadd.s32 $0x80, s0;
	v11 =	vld [tilespmem:s7+$0xFFFFF030];
	v18 =	vadd.s32 v18, v10;
	v6 =	vadd.s32 v26, v6;
	v10, _, _ =	vpop (xrf0);
	[tilespmem:v9+s9+$0x0] =	vst.idx.msk vm9, v7;
	v9 =	vor.u32 s11, v2  }
0x137: {  	vm2 =	vmmov vm10;
	s11 =	sadd.s32 $0xFFFFFF90, s0;
	v30 =	vld [tilespmem:s7+$0x30];
	v7 =	vadd.s32 v21, v10;
	v10 =	vor.u32 s0, v2;
	v21, _, _ =	vpop (xrf0);
	[tilespmem:v8+s9+$0x0] =	vst.idx.msk vm8, v9  }
0x138: {  	v25 =	vsub.f32 v25, v5;
	v32 =	vor.u32 s11, v2;
	v31 =	vld [tilespmem:s7+$0xFFFFF040];
	v9 =	vadd.s32 v22, v21;
	v8, _, _ =	vpop (xrf0)  }
0x139: {  	v17 =	vsub.f32 v17, v5;
	v21 =	vsub.f32 v12, v5;
	v22 =	vld [tilespmem:s7+$0x40];
	v8 =	vadd.s32 v23, v8;
	v12, _, _ =	vpop (xrf0)  }
0x13a: {  	v20 =	vsub.f32 v20, v5;
	v19 =	vsub.f32 v19, v5;
	v23 =	vld [tilespmem:s7+$0xFFFFF050];
	v24 =	vadd.s32 v24, v12;
	v12, _, _ =	vpop (xrf0)  }
0x13b: {  	v34 =	vsub.f32 v14, v5;
	v33 =	vsub.f32 v13, v5;
	s11 =	sadd.s32 $0xFFFFFFA0, s0;
	v13 =	vld [tilespmem:s7+$0x50];
	v12 =	vadd.s32 v26, v12  }
0x13c: {  	v16 =	vsub.f32 v16, v5;
	v14 =	vor.u32 s11, v2;
	s11 =	sadd.s32 $0xFFFFFFB0, s0;
	v26 =	vsub.f32 v27, v3;
	v27 =	vld [tilespmem:s7+$0xFFFFF060];
	[tilespmem:v15+s9+$0x0] =	vst.idx.msk vm5, v32  }
0x13d: {  	s3 =	sadd.s32 $0x8, s3;
	v15 =	vsub.f32 v29, v4;
	v29 =	vsub.f32 v11, v3;
	v11 =	vor.u32 s11, v2;
	s11 =	sadd.s32 $0xFFFFFFF0, s0;
	v32 =	vld [tilespmem:s7+$0x60];
	[tilespmem:v28+s9+$0x0] =	vst.idx.msk vm6, v14  }
0x13e: {  	p1 =	slt.u32 s3, s2;
	s17 =	sadd.s32 $0xFFFFFFC0, s0;
	v28 =	vsub.f32 v30, v4;
	v30 =	vsub.f32 v31, v3;
	v14 =	vor.u32 s11, v2;
	v31 =	vld [tilespmem:s7+$0xFFFFF070];
	[tilespmem:v18+s9+$0x0] =	vst.idx.msk vm4, v11  }
0x13f: {  	v18 =	vsub.f32 v22, v4;
	v11 =	vor.u32 s17, v2;
	v22 =	vsub.f32 v23, v3;
	v23 =	vld [tilespmem:s7+$0x70];
	[tilespmem:v24+s9+$0x0] =	vst.idx.msk vm7, v14  }
0x140: {  	v25 =	vmul.f32 v25, v25;
	v21 =	vmul.f32 v21, v21;
	v24 =	vld [tilespmem:s7+$0xFFFFF010];
	v35 =	vsub.f32 v13, v4  }
0x141: {  	v14 =	vmul.f32 v17, v17;
	v13 =	vmul.f32 v20, v20;
	v36 =	vld [tilespmem:s7+$0xFFFFF000];
	v17 =	vsub.f32 v27, v3  }
0x142: {  	v26 =	vmul.f32 v26, v26;
	v15 =	vmul.f32 v15, v15;
	v20 =	vld [tilespmem:s7+$0x0];
	v27 =	vsub.f32 v32, v4  }
0x143: {  	v29 =	vmul.f32 v29, v29;
	v28 =	vmul.f32 v28, v28;
	v32 =	vld [tilespmem:s7+$0x10];
	v31 =	vsub.f32 v31, v3  }
0x144: {  	v30 =	vmul.f32 v30, v30;
	v18 =	vmul.f32 v18, v18;
	v23 =	vsub.f32 v23, v4  }
0x145: {  	v22 =	vmul.f32 v22, v22;
	v35 =	vmul.f32 v35, v35;
	v24 =	vsub.f32 v24, v3  }
0x146: {  	v37 =	vmul.f32 v17, v17;
	v27 =	vmul.f32 v27, v27;
	v36 =	vsub.f32 v36, v3  }
0x147: {  	v23 =	vmul.f32 v23, v23;
	v17 =	vsub.f32 v20, v4;
	v20 =	vmul.f32 v31, v31  }
0x148: {  	v24 =	vmul.f32 v24, v24;
	v31 =	vmul.f32 v36, v36;
	v32 =	vsub.f32 v32, v4  }
0x149: {  	v26 =	vadd.f32 v15, v26;
	v28 =	vadd.f32 v28, v29;
	v36 =	vmul.f32 v17, v17  }
.Ltmp6:
0x14a: {  	v18 =	vadd.f32 v18, v30;
	v17 =	vadd.f32 v35, v22;
	v15 =	vmul.f32 v32, v32;
	(pc) =	sbr.rel @p1 .LBB2_53-.Ltmp6, $4  }
0x14b: {  	v29 =	vmul.f32 v16, v16;
	v16 =	vadd.f32 v27, v37;
	v22 =	vadd.f32 v36, v31  }
0x14c: {  	v30 =	vmul.f32 v33, v33;
	v27 =	vadd.f32 v15, v24;
	v15 =	vadd.f32 v23, v20  }
0x14d: {  	v20 =	vadd.f32 v25, v26;
	v24 =	vadd.f32 v29, v22;
	v22 =	vmul.f32 v19, v19  }
0x14e: {  	s7 =	sadd.s32 $0x80, s7;
	v19 =	vadd.f32 v21, v28;
	v21 =	vmul.f32 v34, v34;
	v23 =	vadd.f32 v30, v27  }
.LBB2_54:
0x14f: {  	vm6 =	vlt.f32 v24, $3.999999910e-02  }
0x150: {  	vm5 =	vlt.f32 v23, $3.999999910e-02;
	(xrf0) =	vadd.scan.msk.s32 vm6, v1  }
0x151: {  	v14 =	vadd.f32 v14, v18;
	vm4 =	vlt.f32 v20, $3.999999910e-02;
	(xrf0) =	vadd.scan.msk.s32 vm5, v1  }
0x152: {  	v13 =	vadd.f32 v13, v17;
	vm11 =	vlt.f32 v19, $3.999999910e-02;
	(xrf0) =	vadd.scan.msk.s32 vm4, v1  }
0x153: {  	v16 =	vadd.f32 v22, v16;
	vm10 =	vlt.f32 v14, $3.999999910e-02;
	(xrf0) =	vadd.scan.msk.s32 vm11, v1  }
0x154: {  	v43 =	vadd.f32 v21, v15;
	vm9 =	vlt.f32 v13, $3.999999910e-02;
	(xrf0) =	vadd.scan.msk.s32 vm10, v1  }
0x155: {  	v44 =	vmpcnt.ones.xlane vm6;
	vm8 =	vlt.f32 v16, $3.999999910e-02;
	(xrf0) =	vadd.scan.msk.s32 vm9, v1  }
0x156: {  	v45 =	vmpcnt.ones.xlane vm5;
	vm7 =	vlt.f32 v43, $3.999999910e-02;
	v46, _, _ =	vpop (xrf0);
	(xrf0) =	vadd.scan.msk.s32 vm8, v1  }
0x157: {  	vm0 =	vmmov @p0 vm0;
	v47 =	vmpcnt.ones.xlane vm4;
	v13 =	vadd.s32 v6, v44;
	v48, _, _ =	vpop (xrf0);
	(xrf0) =	vadd.scan.msk.s32 vm7, v1  }
0x158: {  	vm1 =	vmmov @p0 vm1;
	v49 =	vmpcnt.ones.xlane vm11;
	v15 =	vadd.s32 v13, v45;
	v50, _, _ =	vpop (xrf0)  }
0x159: {  	v51 =	vmpcnt.ones.xlane vm10;
	v16 =	vadd.s32 v15, v47;
	v52, _, _ =	vpop (xrf0)  }
0x15a: {  	v53 =	vmpcnt.ones.xlane vm9;
	v18 =	vadd.s32 v16, v49;
	v6 =	vadd.s32 v6, v46;
	v54, _, _ =	vpop (xrf0)  }
0x15b: {  	[tilespmem:v12+s9+$0x0] =	vst.idx.msk @p0 vm3, v10;
	s2 =	sadd.s32 @p0 $0xFFFFFFD0, s0;
	s3 =	sadd.s32 @p0 $0x80, s0;
	s7 =	smov.u32 s28;
	v56 =	vmpcnt.ones.xlane vm8;
	v55 =	vadd.s32 v18, v51;
	v13 =	vadd.s32 v13, v48;
	v57, _, _ =	vpop (xrf0)  }
0x15c: {  	[tilespmem:v7+s9+$0x0] =	vst.idx.msk @p0 vm2, v11;
	s0 =	sadd.s32 @p0 $0xFFFFFFE0, s0;
	v20 =	vor.u32 @p0 s2, v2;
	s7 =	smov.u32 @p0 s3;
	v7 =	vadd.s32 v55, v53;
	v58 =	vadd.s32 v15, v50;
	v59, _, _ =	vpop (xrf0)  }
0x15d: {  	s3 =	sadd.s32 $0xFFFFFF90, s7;
	[tilespmem:v9+s9+$0x0] =	vst.idx.msk @p0 vm0, v20;
	v9 =	vor.u32 @p0 s0, v2;
	v12 =	vadd.s32 v7, v56;
	v7 =	vadd.s32 v7, v59;
	v60, _, _ =	vpop (xrf0)  }
0x15e: {  	s11 =	sadd.s32 $0xFFFFFFA0, s7;
	[tilespmem:v8+s9+$0x0] =	vst.idx.msk @p0 vm1, v9;
	v8 =	vor.u32 s3, v2;
	v61 =	vadd.s32 v12, v60  }
0x15f: {  	s17 =	sadd.s32 $0xFFFFFFB0, s7;
	v62 =	vadd.s32 v16, v52;
	[tilespmem:v6+s9+$0x0] =	vst.idx.msk vm6, v8;
	v6 =	vor.u32 s11, v2  }
0x160: {  	s24 =	sadd.s32 $0xFFFFFFF0, s7;
	v8 =	vadd.s32 v18, v54;
	[tilespmem:v13+s9+$0x0] =	vst.idx.msk vm5, v6;
	v6 =	vor.u32 s17, v2  }
0x161: {  	v10 =	vadd.s32 v55, v57;
	[tilespmem:v58+s9+$0x0] =	vst.idx.msk vm4, v6;
	v6 =	vor.u32 s24, v2  }
0x162: {  	v63 =	vor.u32 s7, v2;
	s25 =	sadd.s32 $0xFFFFFFC0, s7;
	[tilespmem:v7+s9+$0x0] =	vst.idx.msk vm8, v6  }
0x163: {  	s26 =	sadd.s32 $0xFFFFFFD0, s7;
	v6 =	vor.u32 s25, v2;
	[tilespmem:v61+s9+$0x0] =	vst.idx.msk vm7, v63  }
0x164: {  	s30 =	sadd.s32 $0xFFFFFFE0, s7;
	v7 =	vmpcnt.ones.xlane vm7;
	[tilespmem:v62+s9+$0x0] =	vst.idx.msk vm11, v6;
	v6 =	vor.u32 s26, v2  }
0x165: {  	vm13 =	vmmov vm11;
	[tilespmem:v8+s9+$0x0] =	vst.idx.msk vm10, v6;
	v8 =	vor.u32 s30, v2  }
0x166: {  	vm14 =	vmmov vm10;
	vm15 =	vmmov vm9;
	v6 =	vadd.s32 v12, v7;
	[tilespmem:v10+s9+$0x0] =	vst.idx.msk vm9, v8  }
0x167: {  	(v2sf) =	vpush v6, $0x0;
	_ =	sdelay $0xe  }
0x168: {  	p0 =	sgt.u32 s31, $0x6;
	s0 =	spop (v2sf)  }
0x169: {  	p1 =	sge.s32 @!p0 s0, s20  }
0x16a: {  	p1 =	por p0, p1  }
.Ltmp7:
0x16b: {  	_ = 	snop;
	(pc) =	sbr.rel @!p1 .LBB2_6-.Ltmp7, $4  }
.Ltmp8:
0x16c: {  	_ = 	snop;
	(pc) =	sbr.rel @p1 .LBB2_9-.Ltmp8, $4  }
0x16d: {  	_ = 	snop  }
0x16e: {  	_ = 	snop  }
0x16f: {  	s31 =	sadd.s32 $0x1, s31;
	s28 =	sadd.s32 $0x200, s28;
	s29 =	sadd.s32 $0x200, s29  }
0x170: {  	_ = 	snop  }
.LBB2_7:
.Ltmp9:
0x171: {  	(pc) =	sbr.rel .LBB2_54-.Ltmp9, $2  }
0x172: {  	_ =	sdelay $0x2  }
0x173: {  	s0 =	smov.u32 s28  }
.LBB2_52:
.Ltmp10:
0x174: {  	(pc) =	sbr.rel .LBB2_54-.Ltmp10, $2  }
0x175: {  	_ =	sdelay $0x2  }
0x176: {  	s0 =	smov.u32 s28  }
.LBB2_11:
0x177: {  	s0 =	simm.s32 $0x0  }
0x178: {  	v3 =	vmov s0  }
0x179: {  	v3 =	vmul.u32 $0x21, v3;
	_ =	sdelay $0x1  }
0x17a: {  	v3 =	vadd.s32 v0, v3  }
0x17b: {  	v4 =	vbroadcast v3, $0x0;
	v3 =	vmul.u32 $0x21, v2  }
0x17c: {  	s1 =	simm.s32 $0x3680;
	s2 =	simm.s32 $0x10  }
.LBB2_12:
0x17d: {  	v5 =	vmov s2;
	p0 =	sne.s32 s2, $0x1F0;
	s2 =	sadd.s32 $0x10, s2;
	v6 =	vld [tilespmem:s1+$0x0];
	v7 =	vadd.s32 v3, v4  }
.Ltmp11:
0x17e: {  	v4 =	vmul.u32 $0x21, v5;
	(pc) =	sbr.rel @p0 .LBB2_12-.Ltmp11, $4  }
0x17f: {  	_ = 	snop  }
0x180: {  	v4 =	vadd.s32 v0, v4  }
0x181: {  	v4 =	vbroadcast v4, $0x0  }
0x182: {  	s1 =	sadd.s32 $0x10, s1;
	[tilespmem:v7+s9+$0x0] =	vst.idx.msk $0xffff, v6  }
0x183: {  	v5 =	vld [tilespmem:s1+$0x0];
	v4 =	vadd.s32 v3, v4;
	_ =	sdelay $0x4  }
0x184: {  	s31 =	simm.s32 $0x3000;
	[tilespmem:v4+s9+$0x0] =	vst.idx.msk $0xffff, v5  }
0x185: {  	s20 =	sand.u32 $0x1F0, s0;
	v21 =	vld [tilespmem:s31+$0x0]  }
0x186: {  	v22 =	vld [tilespmem:s20+$0x3200];
	_ =	sdelay $0x1  }
0x187: {  	v19 =	vld [tilespmem:s20+$0x3400];
	_ =	sdelay $0x2  }
0x188: {  	v4 =	vmul.f32 v21, v21;
	v5 =	vmul.f32 v22, v22;
	_ =	sdelay $0x1  }
0x189: {  	s17 =	simm.s32 $0x10;
	s28 =	simm.s32 $0x3010;
	v4 =	vadd.f32 v5, v4;
	v5 =	vmul.f32 v19, v19  }
0x18a: {  	s1 =	sand.u32 $0x1F0, s17;
	v17 =	vld [tilespmem:s28+$0x0]  }
0x18b: {  	v18 =	vld [tilespmem:s1+$0x3200];
	v14 =	vadd.f32 v5, v4;
	_ =	sdelay $0x1  }
0x18c: {  	v10 =	vld [tilespmem:s1+$0x3400];
	v4 =	vshrl.u32 v14, $0x1;
	v11 =	vmul.f32 $5.000000000e-01, v14  }
0x18d: {  	v7 =	vsub.s32 $0x5F3759DF, v4  }
0x18e: {  	s23 =	simm.s32 $0x20;
	s29 =	simm.s32 $0x3020;
	v4 =	vmul.f32 v7, v11  }
0x18f: {  	s6 =	sand.u32 $0x1F0, s23;
	v6 =	vld [tilespmem:s29+$0x0];
	v8 =	vmul.f32 v17, v17;
	v9 =	vmul.f32 v18, v18  }
0x190: {  	v5 =	vmul.f32 v7, v4;
	v4 =	vld [tilespmem:s6+$0x3200]  }
0x191: {  	v8 =	vadd.f32 v9, v8;
	v9 =	vmul.f32 v10, v10  }
0x192: {  	v12 =	vsub.f32 $1.500000000e+00, v5;
	v5 =	vld [tilespmem:s6+$0x3400]  }
0x193: {  	v20 =	vadd.f32 v9, v8  }
0x194: {  	v12 =	vmul.f32 v7, v12  }
0x195: {  	v13 =	vshrl.u32 v20, $0x1;
	v7 =	vmul.f32 v6, v6;
	v8 =	vmul.f32 v4, v4  }
0x196: {  	v16 =	vmul.f32 $5.000000000e-01, v20;
	v13 =	vsub.s32 $0x5F3759DF, v13  }
0x197: {  	v9 =	vmul.f32 v12, v11;
	v7 =	vadd.f32 v8, v7;
	v8 =	vmul.f32 v5, v5  }
0x198: {  	v15 =	vmul.f32 v13, v16  }
0x199: {  	s24 =	simm.s32 $0x30;
	s2 =	simm.s32 $0x3030;
	v9 =	vmul.f32 v9, v12;
	v34 =	vadd.f32 v8, v7  }
0x19a: {  	s7 =	sand.u32 $0x1F0, s24;
	v8 =	vmul.f32 v13, v15;
	v7 =	vld [tilespmem:s2+$0x0]  }
0x19b: {  	v15 =	vsub.f32 $1.500000000e+00, v9;
	v9 =	vld [tilespmem:s7+$0x3200];
	v23 =	vshrl.u32 v34, $0x1;
	v24 =	vmul.f32 $5.000000000e-01, v34  }
0x19c: {  	v25 =	vsub.f32 $1.500000000e+00, v8;
	v23 =	vsub.s32 $0x5F3759DF, v23  }
0x19d: {  	v8 =	vld [tilespmem:s7+$0x3400];
	v15 =	vmul.f32 v15, v12;
	v26 =	vmul.f32 v23, v24  }
0x19e: {  	v25 =	vmul.f32 v13, v25  }
0x19f: {  	s11 =	simm.s32 $0x3040;
	v13 =	vmul.f32 v15, v11;
	v12 =	vmul.f32 v23, v26  }
0x1a0: {  	s25 =	simm.s32 $0x40;
	v11 =	vld [tilespmem:s11+$0x0];
	v26 =	vmul.f32 v7, v7;
	v27 =	vmul.f32 v9, v9  }
0x1a1: {  	s3 =	sand.u32 $0x1F0, s25;
	v13 =	vmul.f32 v13, v15  }
0x1a2: {  	v28 =	vsub.f32 $1.500000000e+00, v12;
	v26 =	vadd.f32 v27, v26;
	v27 =	vmul.f32 v8, v8;
	v12 =	vld [tilespmem:s3+$0x3200]  }
0x1a3: {  	v29 =	vmul.f32 v25, v16  }
0x1a4: {  	v23 =	vmul.f32 v23, v28;
	v28 =	vsub.f32 $1.500000000e+00, v13;
	v26 =	vadd.f32 v27, v26;
	v13 =	vld [tilespmem:s3+$0x3400]  }
0x1a5: {  	v30 =	vmul.f32 v29, v25;
	v31 =	vmul.f32 v11, v11  }
0x1a6: {  	v15 =	vmul.f32 v28, v15;
	v28 =	vshrl.u32 v26, $0x1;
	v29 =	vmul.f32 $5.000000000e-01, v26  }
0x1a7: {  	v27 =	vmul.f32 v23, v24;
	v32 =	vsub.s32 $0x5F3759DF, v28;
	v28 =	vmul.f32 v12, v12  }
0x1a8: {  	v14 =	vmul.f32 v15, v14;
	v15 =	vsub.f32 $1.500000000e+00, v30;
	v30 =	vmul.f32 v32, v29  }
0x1a9: {  	v27 =	vmul.f32 v27, v23;
	v28 =	vadd.f32 v28, v31;
	v31 =	vmul.f32 v13, v13  }
0x1aa: {  	v14 =	vadd.f32 $9.999999970e-07, v14;
	v30 =	vmul.f32 v32, v30  }
0x1ab: {  	s26 =	simm.s32 $0x50;
	s23 =	simm.s32 $0x3050;
	v33 =	vmul.f32 v15, v25;
	v27 =	vsub.f32 $1.500000000e+00, v27;
	v25 =	vadd.f32 v31, v28  }
0x1ac: {  	s24 =	sand.u32 $0x1F0, s26;
	v15 =	vld [tilespmem:s23+$0x0];
	v28 =	vshrl.u32 v14, $0x1;
	v35 =	vmul.f32 $5.000000000e-01, v14;
	v30 =	vsub.f32 $1.500000000e+00, v30  }
0x1ad: {  	v14 =	vld [tilespmem:s24+$0x3200];
	v36 =	vmul.f32 v33, v16;
	v48 =	vmul.f32 v27, v23;
	v31 =	vsub.s32 $0x5F3759DF, v28  }
0x1ae: {  	v28 =	vmul.f32 $5.000000000e-01, v25;
	v38 =	vmul.f32 v31, v35  }
0x1af: {  	v16 =	vld [tilespmem:s24+$0x3400];
	v37 =	vshrl.u32 v25, $0x1;
	v39 =	vmul.f32 v32, v30;
	v57 =	vmul.f32 v36, v33  }
0x1b0: {  	v30 =	vsub.s32 $0x5F3759DF, v37;
	v24 =	vmul.f32 v48, v24;
	v59 =	vmul.f32 v31, v38  }
0x1b1: {  	v58 =	vmul.f32 v30, v28;
	v60 =	vmul.f32 v15, v15;
	v32 =	vsub.f32 $1.500000000e+00, v57  }
0x1b2: {  	v45 =	vmul.f32 v24, v48;
	v40 =	vmul.f32 v14, v14;
	v37 =	vsub.f32 $1.500000000e+00, v59  }
0x1b3: {  	s17 =	simm.s32 $0x60;
	v36 =	vmul.f32 v30, v58;
	v32 =	vmul.f32 v32, v33  }
0x1b4: {  	s25 =	sand.u32 $0x1F0, s17;
	v62 =	vmul.f32 v16, v16;
	v61 =	vadd.f32 v40, v60;
	v37 =	vmul.f32 v31, v37  }
0x1b5: {  	v41 =	vmul.f32 v39, v29;
	v24 =	vld [tilespmem:s25+$0x3400];
	v55 =	vsub.f32 $1.500000000e+00, v45;
	v20 =	vmul.f32 v32, v20  }
0x1b6: {  	v36 =	vsub.f32 $1.500000000e+00, v36;
	v27 =	vadd.f32 v62, v61;
	v23 =	vmul.f32 v37, v35  }
0x1b7: {  	v63 =	vmul.f32 v41, v39;
	v41 =	vmul.f32 v55, v48;
	v20 =	vadd.f32 $9.999999970e-07, v20  }
0x1b8: {  	s0 =	simm.s32 $0x3060;
	v31 =	vmul.f32 v30, v36;
	v49 =	vshrl.u32 v27, $0x1;
	v23 =	vmul.f32 v23, v37  }
0x1b9: {  	v30 =	vmul.f32 $5.000000000e-01, v27;
	v52 =	vshrl.u32 v20, $0x1;
	v32 =	vmul.f32 $5.000000000e-01, v20;
	v20 =	vld [tilespmem:s0+$0x0]  }
0x1ba: {  	v58 =	vmul.f32 v24, v24;
	v51 =	vsub.s32 $0x5F3759DF, v49;
	v43 =	vsub.f32 $1.500000000e+00, v23;
	v23 =	vld [tilespmem:s25+$0x3200]  }
0x1bb: {  	v50 =	vmul.f32 v31, v28;
	v42 =	vmul.f32 v51, v30;
	v38 =	vsub.s32 $0x5F3759DF, v52  }
0x1bc: {  	v41 =	vmul.f32 v41, v34;
	v44 =	vmul.f32 v38, v32  }
0x1bd: {  	v40 =	vsub.f32 $1.500000000e+00, v63;
	v33 =	vmul.f32 v50, v31;
	v42 =	vmul.f32 v51, v42  }
0x1be: {  	v41 =	vadd.f32 $9.999999970e-07, v41;
	v43 =	vmul.f32 v43, v37;
	v54 =	vmul.f32 v38, v44  }
0x1bf: {  	v53 =	vsub.f32 $1.500000000e+00, v42;
	v46 =	vmul.f32 v20, v20;
	v57 =	vmul.f32 v23, v23  }
0x1c0: {  	v63 =	vshrl.u32 v41, $0x1;
	v56 =	vmul.f32 v43, v35;
	v42 =	vsub.f32 $1.500000000e+00, v54  }
0x1c1: {  	v41 =	vmul.f32 $5.000000000e-01, v41;
	v35 =	vmul.f32 v51, v53;
	v36 =	vadd.f32 v57, v46  }
0x1c2: {  	v45 =	vmul.f32 v56, v43;
	v37 =	vmul.f32 v38, v42  }
0x1c3: {  	v33 =	vsub.f32 $1.500000000e+00, v33;
	v59 =	vmul.f32 v35, v30;
	v34 =	vadd.f32 v58, v36  }
0x1c4: {  	v38 =	vmul.f32 v40, v39;
	v45 =	vsub.f32 $1.500000000e+00, v45;
	v60 =	vmul.f32 v37, v32  }
0x1c5: {  	v61 =	vmul.f32 v59, v35;
	v62 =	vshrl.u32 v34, $0x1;
	v39 =	vmul.f32 $5.000000000e-01, v34  }
0x1c6: {  	v43 =	vmul.f32 v45, v43;
	v44 =	vmul.f32 v60, v37;
	v36 =	vsub.s32 $0x5F3759DF, v62  }
0x1c7: {  	s30 =	simm.s32 $0x70;
	s26 =	simm.s32 $0x3070;
	v40 =	vsub.s32 $0x5F3759DF, v63;
	v42 =	vsub.f32 $1.500000000e+00, v61;
	v45 =	vmul.f32 v36, v39  }
.LBB2_14:
0x1c8: {  	v47 =	vmul.f32 v38, v29;
	v44 =	vsub.f32 $1.500000000e+00, v44;
	v43 =	vmul.f32 v43, v43;
	v48 =	vmovc v31;
	v31 =	vmovc v35  }
0x1c9: {  	v46 =	vld [tilespmem:s26+$0x0];
	s17 =	sand.u32 $0x1F0, s30;
	p0 =	sne.s32 s30, $0x1F0;
	s30 =	sadd.s32 $0x10, s30;
	v49 =	vmovc v26;
	v26 =	vmovc v25;
	v25 =	vmov v27;
	v27 =	vmov v34;
	v29 =	vmov v28  }
0x1ca: {  	v28 =	vmovc v30;
	v30 =	vmovc v39;
	v39 =	vmov v33;
	v50 =	vld [tilespmem:s17+$0x3200];
	v34 =	vmul.f32 v36, v45;
	v35 =	vmul.f32 v40, v41  }
0x1cb: {  	v33 =	vmovc v42;
	v45 =	vmul.f32 v47, v38;
	v44 =	vmul.f32 v44, v37;
	v37 =	vmovc v32;
	v32 =	vmov v41  }
0x1cc: {  	v41 =	vmul.f32 v43, v21;
	v21 =	vmovc v17;
	v17 =	vmovc v6;
	v47 =	vld [tilespmem:s17+$0x3400];
	v34 =	vsub.f32 $1.500000000e+00, v34;
	v35 =	vmul.f32 v40, v35  }
0x1cd: {  	v48 =	vmul.f32 v39, v48;
	v6 =	vmovc v7;
	v7 =	vmovc v11;
	v39 =	vsub.f32 $1.500000000e+00, v45;
	v37 =	vmul.f32 v44, v37  }
0x1ce: {  	v11 =	vmovc v15;
	v42 =	vmul.f32 v46, v46;
	v45 =	vsub.f32 $1.500000000e+00, v35;
	[tilespmem:s31+$0x0] =	vst v41;
	v41 =	vmul.f32 v43, v22;
	s31 =	smov.u32 s28;
	s28 =	smov.u32 s29;
	s29 =	smov.u32 s2  }
0x1cf: {  	v15 =	vmovc v20;
	v20 =	vmovc v46;
	v22 =	vmov v18;
	s2 =	smov.u32 s11;
	s11 =	smov.u32 s23;
	s23 =	smov.u32 s0;
	v51 =	vmul.f32 v50, v50;
	v52 =	vmul.f32 v37, v44  }
0x1d0: {  	v35 =	vmul.f32 v36, v34;
	v18 =	vmovc v4;
	v4 =	vmov v9;
	s0 =	smov.u32 s26;
	v34 =	vmul.f32 v39, v38;
	[tilespmem:s20+$0x3200] =	vst v41  }
0x1d1: {  	v9 =	vmovc v12;
	v37 =	vmul.f32 v40, v45;
	v36 =	vadd.f32 v51, v42;
	v38 =	vmul.f32 v47, v47  }
0x1d2: {  	v12 =	vmovc v14;
	v14 =	vmovc v23;
	v39 =	vmul.f32 v35, v30;
	v40 =	vmul.f32 v34, v49;
	v41 =	vsub.f32 $1.500000000e+00, v52  }
.Ltmp12:
0x1d3: {  	v23 =	vmovc v50;
	v34 =	vadd.f32 v38, v36;
	v36 =	vmul.f32 v37, v32;
	v38 =	vmul.f32 v43, v19;
	(pc) =	sbr.rel @p0 .LBB2_14-.Ltmp12, $4  }
0x1d4: {  	v42 =	vmul.f32 v39, v35;
	v46 =	vadd.f32 $9.999999970e-07, v40;
	v43 =	vmul.f32 v41, v44;
	v19 =	vmovc v10;
	v10 =	vmovc v5  }
0x1d5: {  	v5 =	vmovc v8;
	v8 =	vmovc v13;
	v40 =	vshrl.u32 v34, $0x1;
	v39 =	vmul.f32 $5.000000000e-01, v34;
	v44 =	vmul.f32 v36, v37;
	[tilespmem:s20+$0x3400] =	vst v38;
	s20 =	smov.u32 s1;
	s1 =	smov.u32 s6;
	s6 =	smov.u32 s7  }
0x1d6: {  	v13 =	vmovc v16;
	v16 =	vmovc v24;
	v42 =	vsub.f32 $1.500000000e+00, v42;
	v49 =	vshrl.u32 v46, $0x1;
	s7 =	smov.u32 s3;
	s3 =	smov.u32 s24;
	s24 =	smov.u32 s25;
	v36 =	vsub.s32 $0x5F3759DF, v40  }
0x1d7: {  	s26 =	sadd.s32 $0x10, s26;
	v24 =	vmovc v47;
	v41 =	vmul.f32 $5.000000000e-01, v46;
	s25 =	smov.u32 s17;
	v40 =	vsub.s32 $0x5F3759DF, v49;
	v45 =	vmul.f32 v36, v39;
	v38 =	vmovc v48  }
0x1d8: {  	v29 =	vmul.f32 v38, v29;
	v43 =	vmul.f32 v43, v43  }
0x1d9: {  	v44 =	vsub.f32 $1.500000000e+00, v44;
	v31 =	vmul.f32 v33, v31;
	v45 =	vmul.f32 v36, v45  }
0x1da: {  	v35 =	vmul.f32 v42, v35;
	v46 =	vmul.f32 v40, v41  }
0x1db: {  	v29 =	vmul.f32 v29, v38;
	v37 =	vmul.f32 v44, v37;
	v45 =	vsub.f32 $1.500000000e+00, v45  }
0x1dc: {  	v21 =	vmul.f32 v43, v21;
	v22 =	vmul.f32 v43, v22  }
0x1dd: {  	v28 =	vmul.f32 v31, v28;
	v47 =	vmul.f32 v36, v45  }
0x1de: {  	v30 =	vmul.f32 v35, v30;
	v63 =	vmul.f32 v40, v46  }
0x1df: {  	v29 =	vsub.f32 $1.500000000e+00, v29;
	v32 =	vmul.f32 v37, v32;
	v48 =	vmul.f32 v47, v39  }
0x1e0: {  	v28 =	vmul.f32 v28, v31;
	v30 =	vmul.f32 v30, v35  }
0x1e1: {  	v46 =	vsub.f32 $1.500000000e+00, v63;
	v29 =	vmul.f32 v29, v38;
	v38 =	vmul.f32 v48, v47  }
0x1e2: {  	v19 =	vmul.f32 v43, v19;
	v32 =	vmul.f32 v32, v37;
	v28 =	vsub.f32 $1.500000000e+00, v28  }
0x1e3: {  	v30 =	vsub.f32 $1.500000000e+00, v30;
	v33 =	vmul.f32 v40, v46;
	v50 =	vsub.f32 $1.500000000e+00, v38  }
0x1e4: {  	v26 =	vmul.f32 v29, v26;
	v32 =	vsub.f32 $1.500000000e+00, v32;
	v28 =	vmul.f32 v28, v31  }
0x1e5: {  	v30 =	vmul.f32 v30, v35;
	v36 =	vmul.f32 v50, v47  }
0x1e6: {  	v49 =	vmul.f32 v33, v41;
	v32 =	vmul.f32 v32, v37  }
0x1e7: {  	v26 =	vadd.f32 $9.999999970e-07, v26;
	v25 =	vmul.f32 v28, v25;
	v53 =	vmul.f32 v36, v39  }
0x1e8: {  	v27 =	vmul.f32 v30, v27;
	v29 =	vmul.f32 v49, v33  }
0x1e9: {  	v51 =	vshrl.u32 v26, $0x1;
	v26 =	vmul.f32 $5.000000000e-01, v26;
	v54 =	vmul.f32 v53, v36  }
0x1ea: {  	v32 =	vmul.f32 v32, v32;
	v25 =	vadd.f32 $9.999999970e-07, v25;
	v52 =	vsub.s32 $0x5F3759DF, v51  }
0x1eb: {  	v29 =	vsub.f32 $1.500000000e+00, v29;
	v38 =	vmul.f32 v52, v26;
	v28 =	vsub.f32 $1.500000000e+00, v54  }
0x1ec: {  	v17 =	vmul.f32 v32, v17;
	v56 =	vshrl.u32 v25, $0x1;
	v25 =	vmul.f32 $5.000000000e-01, v25  }
0x1ed: {  	v27 =	vadd.f32 $9.999999970e-07, v27;
	v18 =	vmul.f32 v32, v18;
	v28 =	vmul.f32 v28, v36  }
0x1ee: {  	v29 =	vmul.f32 v29, v33;
	v30 =	vsub.s32 $0x5F3759DF, v56;
	v55 =	vmul.f32 v52, v38  }
0x1ef: {  	v58 =	vshrl.u32 v27, $0x1;
	v57 =	vmul.f32 v30, v25;
	v28 =	vmul.f32 v28, v34  }
0x1f0: {  	v27 =	vmul.f32 $5.000000000e-01, v27;
	v33 =	vmul.f32 v29, v41;
	v31 =	vsub.f32 $1.500000000e+00, v55  }
0x1f1: {  	v35 =	vmul.f32 v30, v57;
	v34 =	vsub.s32 $0x5F3759DF, v58;
	v28 =	vadd.f32 $9.999999970e-07, v28  }
0x1f2: {  	v31 =	vmul.f32 v52, v31;
	v59 =	vmul.f32 v34, v27  }
0x1f3: {  	v35 =	vsub.f32 $1.500000000e+00, v35;
	v60 =	vshrl.u32 v28, $0x1;
	v28 =	vmul.f32 $5.000000000e-01, v28  }
0x1f4: {  	v61 =	vmul.f32 v31, v26;
	v36 =	vmul.f32 v34, v59;
	v37 =	vsub.s32 $0x5F3759DF, v60  }
0x1f5: {  	v30 =	vmul.f32 v30, v35;
	v62 =	vmul.f32 v37, v28  }
0x1f6: {  	v33 =	vmul.f32 v33, v29;
	v38 =	vmul.f32 v61, v31;
	v36 =	vsub.f32 $1.500000000e+00, v36  }
0x1f7: {  	v63 =	vmul.f32 v30, v25;
	v35 =	vmul.f32 v37, v62  }
0x1f8: {  	v10 =	vmul.f32 v32, v10;
	v38 =	vsub.f32 $1.500000000e+00, v38;
	v34 =	vmul.f32 v34, v36  }
0x1f9: {  	v33 =	vsub.f32 $1.500000000e+00, v33;
	v41 =	vmul.f32 v63, v30;
	v35 =	vsub.f32 $1.500000000e+00, v35  }
0x1fa: {  	v31 =	vmul.f32 v38, v31;
	v36 =	vmul.f32 v34, v27  }
0x1fb: {  	v29 =	vmul.f32 v33, v29;
	v32 =	vsub.f32 $1.500000000e+00, v41;
	v42 =	vmul.f32 v37, v35  }
0x1fc: {  	v26 =	vmul.f32 v31, v26;
	v43 =	vmul.f32 v36, v34  }
0x1fd: {  	v30 =	vmul.f32 v32, v30;
	v44 =	vmul.f32 v42, v28  }
0x1fe: {  	v29 =	vmul.f32 v29, v29;
	v26 =	vmul.f32 v26, v31;
	v35 =	vsub.f32 $1.500000000e+00, v43  }
0x1ff: {  	[tilespmem:s31+$0x0] =	vst v21;
	v45 =	vmul.f32 v30, v25;
	v46 =	vmul.f32 v44, v42  }
0x200: {  	[tilespmem:s20+$0x3200] =	vst v22;
	v6 =	vmul.f32 v29, v6;
	v47 =	vsub.f32 $1.500000000e+00, v26;
	v48 =	vmul.f32 v35, v34  }
0x201: {  	[tilespmem:s20+$0x3400] =	vst v19;
	v4 =	vmul.f32 v29, v4;
	v49 =	vmul.f32 v45, v30;
	v50 =	vsub.f32 $1.500000000e+00, v46  }
0x202: {  	[tilespmem:s28+$0x0] =	vst v17;
	v51 =	vmul.f32 v47, v31;
	v52 =	vmul.f32 v48, v27  }
0x203: {  	[tilespmem:s1+$0x3200] =	vst v18;
	v5 =	vmul.f32 v29, v5;
	v53 =	vsub.f32 $1.500000000e+00, v49;
	v54 =	vmul.f32 v50, v42  }
0x204: {  	[tilespmem:s1+$0x3400] =	vst v10;
	v55 =	vmul.f32 v51, v51;
	v56 =	vmul.f32 v52, v48  }
0x205: {  	[tilespmem:s29+$0x0] =	vst v6;
	v57 =	vmul.f32 v53, v30;
	v58 =	vmul.f32 v54, v28  }
0x206: {  	[tilespmem:s6+$0x3200] =	vst v4;
	v4 =	vmul.f32 v55, v7;
	v59 =	vmul.f32 v55, v9;
	v60 =	vsub.f32 $1.500000000e+00, v56  }
0x207: {  	[tilespmem:s6+$0x3400] =	vst v5;
	v5 =	vmul.f32 v57, v57;
	v61 =	vmul.f32 v58, v54  }
0x208: {  	[tilespmem:s2+$0x0] =	vst v4;
	v4 =	vmul.f32 v55, v8;
	v62 =	vmul.f32 v60, v48  }
0x209: {  	v63 =	vmul.f32 v5, v11;
	[tilespmem:s7+$0x3200] =	vst v59;
	v6 =	vsub.f32 $1.500000000e+00, v61  }
0x20a: {  	[tilespmem:s7+$0x3400] =	vst v4;
	v4 =	vmul.f32 v5, v12;
	v8 =	vmul.f32 v62, v62  }
0x20b: {  	[tilespmem:s11+$0x0] =	vst v63;
	v5 =	vmul.f32 v5, v13;
	v6 =	vmul.f32 v6, v54  }
0x20c: {  	[tilespmem:s3+$0x3200] =	vst v4;
	v4 =	vmul.f32 v8, v15  }
0x20d: {  	[tilespmem:s3+$0x3400] =	vst v5;
	v5 =	vmul.f32 v8, v14;
	v6 =	vmul.f32 v6, v6  }
0x20e: {  	[tilespmem:s23+$0x0] =	vst v4;
	v4 =	vmul.f32 v8, v16  }
0x20f: {  	[tilespmem:s24+$0x3200] =	vst v5;
	v5 =	vmul.f32 v6, v20  }
0x210: {  	[tilespmem:s24+$0x3400] =	vst v4;
	v4 =	vmul.f32 v6, v23  }
0x211: {  	[tilespmem:s0+$0x0] =	vst v5;
	v5 =	vmul.f32 v6, v24  }
0x212: {  	[tilespmem:s25+$0x3200] =	vst v4  }
0x213: {  	[tilespmem:s25+$0x3400] =	vst v5  }
0x214: {  	s1 =	simm.s32 $0x0;
	s6 =	rddreg [dreg:$0x18]  }
.LBB2_16:
0x215: {  	v4 =	vadd.s32 s6, v3;
	_ =	sdelay $0x4  }
0x216: {  	v4 =	vld.idx.msk [tilespmem:v4+s9+$0x0], $0xffff;
	_ =	sdelay $0x4  }
0x217: {  	v5 =	vadd.s32 $0x1000, v4;
	_ =	sdelay $0x1  }
0x218: {  	v6 =	vadd.s32 $0x2000, v4;
	_ =	sdelay $0x1  }
0x219: {  	v4 =	vld.idx.msk [tilespmem:v4+s4+$0x0], $0xffff  }
0x21a: {  	v10 =	vld.idx.msk [tilespmem:v5+s4+$0x0], $0xffff  }
0x21b: {  	s0 =	sadd.s32 $0xFFFFFDF0, s6  }
0x21c: {  	v5 =	vadd.s32 s0, v3;
	v6 =	vld.idx.msk [tilespmem:v6+s4+$0x0], $0xffff;
	_ =	sdelay $0x2  }
0x21d: {  	v7 =	vmul.f32 v4, v4;
	v8 =	vmul.f32 v10, v10;
	_ =	sdelay $0x1  }
0x21e: {  	v9 =	vld.idx.msk [tilespmem:v5+s9+$0x0], $0xffff;
	v5 =	vmul.f32 v6, v6;
	v7 =	vadd.f32 v8, v7;
	_ =	sdelay $0x1  }
0x21f: {  	v5 =	vadd.f32 v5, v7;
	_ =	sdelay $0x1  }
0x220: {  	v5 =	vadd.f32 $9.999999960e-13, v5  }
0x221: {  	v7 =	vadd.s32 $0x1000, v9  }
0x222: {  	v8 =	vshrl.u32 v5, $0x1;
	v11 =	vmul.f32 $5.000000000e-01, v5  }
0x223: {  	v12 =	vadd.s32 $0x2000, v9;
	v8 =	vsub.s32 $0x5F3759DF, v8  }
0x224: {  	v13 =	vmul.f32 v8, v11  }
0x225: {  	v14 =	vld.idx.msk [tilespmem:v9+s4+$0x0], $0xffff  }
0x226: {  	v15 =	vld.idx.msk [tilespmem:v7+s4+$0x0], $0xffff;
	v7 =	vmul.f32 v8, v13;
	_ =	sdelay $0x1  }
0x227: {  	v12 =	vld.idx.msk [tilespmem:v12+s4+$0x0], $0xffff;
	v9 =	vsub.f32 $1.500000000e+00, v7;
	_ =	sdelay $0x1  }
0x228: {  	s26 =	simm.s32 $0x10;
	v7 =	vor.u32 $0x200, v2;
	v13 =	vmul.f32 v8, v9  }
0x229: {  	v16 =	vmul.f32 v15, v15;
	v9 =	vor.u32 s26, v7;
	v8 =	vmul.f32 v14, v14  }
0x22a: {  	v17 =	vor.u32 s26, v2;
	v18 =	vmul.f32 v13, v11  }
0x22b: {  	s25 =	sadd.s32 $0x420, s6;
	v19 =	vmul.f32 v12, v12;
	v16 =	vadd.f32 v16, v8;
	v8 =	vor.u32 $0x400, v2  }
0x22c: {  	s2 =	sadd.s32 $0xFFFFFDF0, s25;
	v20 =	vor.u32 s26, v8;
	v18 =	vmul.f32 v18, v13  }
0x22d: {  	v21 =	vadd.s32 s2, v3;
	v16 =	vadd.f32 v19, v16  }
0x22e: {  	v19 =	vld.idx.msk [tilespmem:v9+s8+$0x0], $0xffff;
	v18 =	vsub.f32 $1.500000000e+00, v18  }
0x22f: {  	v17 =	vld.idx.msk [tilespmem:v17+s8+$0x0], $0xffff;
	v9 =	vadd.f32 $9.999999960e-13, v16;
	v16 =	vadd.s32 s25, v3  }
0x230: {  	s30 =	simm.s32 $0x0;
	v13 =	vmul.f32 v18, v13  }
0x231: {  	v18 =	vor.u32 s30, v2;
	v22 =	vshrl.u32 v9, $0x1;
	v23 =	vmul.f32 $5.000000000e-01, v9;
	v20 =	vld.idx.msk [tilespmem:v20+s8+$0x0], $0xffff  }
0x232: {  	v21 =	vld.idx.msk [tilespmem:v21+s9+$0x0], $0xffff;
	v24 =	vor.u32 s30, v7;
	v22 =	vsub.s32 $0x5F3759DF, v22;
	v11 =	vmul.f32 v13, v11  }
0x233: {  	v10 =	vmul.f32 v19, v10;
	v19 =	vmul.f32 v22, v23  }
0x234: {  	v4 =	vmul.f32 v17, v4;
	v16 =	vld.idx.msk [tilespmem:v16+s9+$0x0], $0xffff  }
0x235: {  	v11 =	vmul.f32 v11, v13;
	v17 =	vmul.f32 v22, v19  }
0x236: {  	v19 =	vor.u32 s30, v8;
	v4 =	vadd.f32 v10, v4;
	v18 =	vld.idx.msk [tilespmem:v18+s8+$0x0], $0xffff;
	v6 =	vmul.f32 v20, v6  }
0x237: {  	v10 =	vsub.f32 $1.500000000e+00, v11;
	v11 =	vld.idx.msk [tilespmem:v24+s8+$0x0], $0xffff;
	v17 =	vsub.f32 $1.500000000e+00, v17  }
0x238: {  	v4 =	vadd.f32 v6, v4;
	v6 =	vadd.s32 $0x1000, v21  }
0x239: {  	v10 =	vmul.f32 v10, v13;
	v13 =	vmul.f32 v22, v17;
	v17 =	vadd.s32 $0x1000, v16  }
0x23a: {  	v24 =	vadd.s32 $0x2000, v21;
	v21 =	vld.idx.msk [tilespmem:v21+s4+$0x0], $0xffff;
	v20 =	vadd.s32 $0x2000, v16  }
0x23b: {  	v19 =	vld.idx.msk [tilespmem:v19+s8+$0x0], $0xffff;
	v4 =	vmul.f32 v10, v4;
	v22 =	vmul.f32 v13, v23  }
0x23c: {  	v14 =	vmul.f32 v18, v14;
	v11 =	vmul.f32 v11, v15;
	v16 =	vld.idx.msk [tilespmem:v16+s4+$0x0], $0xffff  }
0x23d: {  	s24 =	simm.s32 $0x20;
	v4 =	vmax.f32 v4, $-9.999989860e-01;
	v15 =	vmul.f32 v22, v13;
	v26 =	vld.idx.msk [tilespmem:v6+s4+$0x0], $0xffff  }
0x23e: {  	s29 =	simm.s32 $0x30;
	v4 =	vmin.f32 v4, $9.999989860e-01;
	v14 =	vadd.f32 v11, v14;
	v18 =	vld.idx.msk [tilespmem:v17+s4+$0x0], $0xffff;
	v17 =	vor.u32 s24, v2  }
0x23f: {  	v6 =	vand.u32 $0x7FFFFFFF, v4;
	v22 =	vsub.f32 $1.500000000e+00, v15;
	v15 =	vld.idx.msk [tilespmem:v20+s4+$0x0], $0xffff;
	v20 =	vor.u32 s29, v7  }
0x240: {  	v27 =	vmul.f32 v19, v12;
	v12 =	vld.idx.msk [tilespmem:v24+s4+$0x0], $0xffff;
	v11 =	vsub.f32 $1.000000000e+00, v6;
	v25 =	vmul.f32 $1.262491100e-03, v6  }
0x241: {  	v24 =	vor.u32 s29, v2;
	v28 =	vmul.f32 v22, v13;
	v22 =	vmul.f32 v21, v21  }
0x242: {  	v14 =	vadd.f32 v27, v14;
	v13 =	vshrl.u32 v11, $0x1;
	v29 =	vmul.f32 v26, v26  }
0x243: {  	v30 =	vsub.s32 $0x5F3759DF, v13;
	v13 =	vmul.f32 v16, v16;
	v31 =	vmul.f32 v18, v18  }
0x244: {  	v19 =	vmul.f32 $5.000000000e-01, v11;
	v17 =	vld.idx.msk [tilespmem:v17+s8+$0x0], $0xffff;
	v23 =	vmul.f32 v28, v23;
	v22 =	vadd.f32 v29, v22  }
0x245: {  	v20 =	vld.idx.msk [tilespmem:v20+s8+$0x0], $0xffff;
	v29 =	vmul.f32 v15, v15;
	v32 =	vmul.f32 v12, v12;
	v13 =	vadd.f32 v31, v13  }
0x246: {  	v25 =	vsub.f32 $6.670089900e-03, v25;
	v31 =	vmul.f32 v30, v19;
	v23 =	vmul.f32 v23, v28  }
0x247: {  	v33 =	vor.u32 s24, v7;
	v27 =	vadd.f32 v32, v22;
	v13 =	vadd.f32 v29, v13  }
0x248: {  	v25 =	vmul.f32 v25, v6;
	v29 =	vmul.f32 v30, v31;
	v23 =	vsub.f32 $1.500000000e+00, v23  }
0x249: {  	v24 =	vld.idx.msk [tilespmem:v24+s8+$0x0], $0xffff;
	v22 =	vmul.f32 v17, v21;
	v17 =	vadd.f32 $9.999999960e-13, v27;
	v13 =	vadd.f32 $9.999999960e-13, v13  }
0x24a: {  	v21 =	vmul.f32 v20, v18;
	v27 =	vmul.f32 v23, v28;
	v18 =	vadd.f32 $-1.708812640e-02, v25  }
0x24b: {  	v23 =	vshrl.u32 v17, $0x1;
	v20 =	vshrl.u32 v13, $0x1;
	v25 =	vmul.f32 $5.000000000e-01, v13  }
0x24c: {  	v18 =	vmul.f32 v18, v6;
	v31 =	vsub.s32 $0x5F3759DF, v20;
	v20 =	vmul.f32 $5.000000000e-01, v17  }
0x24d: {  	v23 =	vsub.s32 $0x5F3759DF, v23;
	v14 =	vmul.f32 v27, v14;
	v28 =	vmul.f32 v31, v25  }
0x24e: {  	v60 =	vld.idx.msk [tilespmem:v33+s8+$0x0], $0xffff;
	v61 =	vmul.f32 v24, v16;
	v16 =	vsub.f32 $1.500000000e+00, v29;
	v24 =	vmul.f32 v23, v20  }
0x24f: {  	v29 =	vadd.f32 $3.089188040e-02, v18;
	v14 =	vmax.f32 v14, $-9.999989860e-01;
	v34 =	vmul.f32 v31, v28  }
0x250: {  	v18 =	vmin.f32 v14, $9.999989860e-01;
	v28 =	vmul.f32 v30, v16;
	v14 =	vmul.f32 v23, v24  }
0x251: {  	v33 =	vor.u32 s29, v8;
	v24 =	vmul.f32 v29, v6;
	v29 =	vsub.f32 $1.500000000e+00, v34  }
0x252: {  	v16 =	vand.u32 $0x7FFFFFFF, v18;
	v62 =	vmul.f32 v28, v19;
	v35 =	vsub.f32 $1.500000000e+00, v14  }
0x253: {  	v30 =	vmul.f32 v60, v26;
	v63 =	vadd.f32 $-5.017430340e-02, v24;
	v31 =	vmul.f32 v31, v29  }
0x254: {  	v14 =	vsub.f32 $1.000000000e+00, v16;
	v34 =	vmul.f32 v62, v28;
	v24 =	vmul.f32 v23, v35  }
0x255: {  	s20 =	sshll.u32 s1, $0xA;
	v26 =	vadd.f32 v21, v61;
	v23 =	vmul.f32 $1.262491100e-03, v16;
	v21 =	vmul.f32 v31, v25  }
0x256: {  	s3 =	sand.u32 $0x70, s26;
	s31 =	sand.u32 $0x60, s30;
	s28 =	sand.u32 $0x70, s29;
	v36 =	vshrl.u32 v14, $0x1;
	v37 =	vmul.f32 v63, v6;
	v29 =	vmul.f32 v24, v20  }
0x257: {  	s17 =	sand.u32 $0x60, s24;
	s7 =	sand.u32 $0x180, s24;
	s2 =	sand.u32 $0x180, s30;
	v34 =	vsub.f32 $1.500000000e+00, v34;
	v38 =	vmul.f32 v21, v31;
	v21 =	vmul.f32 $5.000000000e-01, v14  }
0x258: {  	s11 =	sor.u32 s20, s31;
	s7 =	sor.u32 s5, s7;
	s23 =	sor.u32 s20, s17;
	v32 =	vsub.s32 $0x5F3759DF, v36;
	v35 =	vsub.f32 $6.670089900e-03, v23;
	v23 =	vadd.f32 $8.897899090e-02, v37  }
0x259: {  	s2 =	sor.u32 s5, s2;
	s0 =	simm.s32 $0x2;
	s25 =	sadd.s32 $0x420, s25;
	v29 =	vmul.f32 v29, v24;
	v37 =	vsub.f32 $1.500000000e+00, v38;
	v36 =	vmul.f32 v32, v21  }
.LBB2_17:
0x25a: {  	s17 =	sadd.s32 $0xFFFFFDF0, s25;
	s0 =	sadd.s32 $0x2, s0;
	v22 =	vadd.f32 v30, v22;
	v27 =	vmul.f32 v27, v9;
	v30 =	vmul.f32 v35, v16;
	v9 =	vmovc v17  }
0x25b: {  	s31 =	sor.u32 s2, s11;
	s11 =	smov.u32 s23;
	v17 =	vadd.s32 s17, v3;
	p0 =	slt.u32 s0, $0x1E;
	v33 =	vld.idx.msk [tilespmem:v33+s8+$0x0], $0xffff;
	v31 =	vmul.f32 v37, v31;
	v35 =	vmul.f32 v32, v36  }
0x25c: {  	s29 =	sadd.s32 $0x20, s29;
	v36 =	vadd.s32 s25, v3;
	v28 =	vmul.f32 v34, v28;
	[tilespmem:s31+$0xBF00] =	vst v27;
	v27 =	vadd.f32 $-1.708812640e-02, v30  }
0x25d: {  	s17 =	sand.u32 $0x70, s29;
	v30 =	vor.u32 s24, v8;
	s24 =	sadd.s32 $0xFFFFFFF0, s29;
	v25 =	vmul.f32 v31, v25;
	v34 =	vsub.f32 $1.500000000e+00, v35  }
0x25e: {  	v35 =	vor.u32 s24, v2;
	s23 =	sand.u32 $0x60, s24;
	s26 =	sand.u32 $0x180, s24;
	v19 =	vmul.f32 v28, v19;
	v27 =	vmul.f32 v27, v16  }
0x25f: {  	s26 =	sor.u32 s5, s26;
	s23 =	sor.u32 s20, s23;
	v25 =	vmul.f32 v25, v31;
	v32 =	vmul.f32 v32, v34  }
0x260: {  	v10 =	vmul.f32 v10, v5;
	s30 =	sor.u32 s20, s3;
	v5 =	vmovc v13;
	s3 =	smov.u32 s28;
	s28 =	smov.u32 s17;
	v19 =	vmul.f32 v19, v28;
	v17 =	vld.idx.msk [tilespmem:v17+s9+$0x0], $0xffff;
	v27 =	vadd.f32 $3.089188040e-02, v27  }
0x261: {  	s30 =	sor.u32 s2, s30;
	s2 =	smov.u32 s7;
	s7 =	smov.u32 s26;
	v15 =	vmul.f32 v33, v15;
	v13 =	vld.idx.msk [tilespmem:v36+s9+$0x0], $0xffff;
	v25 =	vsub.f32 $1.500000000e+00, v25;
	v33 =	vmul.f32 v32, v21  }
0x262: {  	vm0 =	vge.f32 v4, $0.0e+00;
	v19 =	vsub.f32 $1.500000000e+00, v19;
	v30 =	vld.idx.msk [tilespmem:v30+s8+$0x0], $0xffff;
	v27 =	vmul.f32 v27, v16;
	[tilespmem:s30+$0xBF00] =	vst v10  }
0x263: {  	v4 =	vadd.f32 v15, v26;
	v10 =	vmul.f32 v25, v31;
	v15 =	vmul.f32 v33, v32  }
0x264: {  	vm1 =	vge.f32 v18, $0.0e+00;
	v18 =	vmul.f32 v19, v28;
	v25 =	vadd.f32 $-5.017430340e-02, v27  }
0x265: {  	v26 =	vsub.f32 $1.500000000e+00, v29;
	v4 =	vmul.f32 v10, v4;
	v15 =	vsub.f32 $1.500000000e+00, v15  }
0x266: {  	v19 =	vadd.s32 $0x1000, v17;
	v27 =	vadd.s32 $0x2000, v17;
	v25 =	vmul.f32 v25, v16  }
0x267: {  	v18 =	vmul.f32 v18, v11;
	v28 =	vadd.s32 $0x1000, v13;
	v4 =	vmax.f32 v4, $-9.999989860e-01  }
0x268: {  	v31 =	vadd.s32 $0x2000, v13;
	v29 =	vld.idx.msk [tilespmem:v35+s8+$0x0], $0xffff;
	v4 =	vmin.f32 v4, $9.999989860e-01;
	v25 =	vadd.f32 $8.897899090e-02, v25  }
0x269: {  	v23 =	vmul.f32 v23, v6;
	v17 =	vld.idx.msk [tilespmem:v17+s4+$0x0], $0xffff;
	v33 =	vand.u32 $0x7FFFFFFF, v4  }
0x26a: {  	v34 =	vor.u32 s29, v7;
	v32 =	vmul.f32 v15, v32;
	v13 =	vld.idx.msk [tilespmem:v13+s4+$0x0], $0xffff;
	v11 =	vsub.f32 $1.000000000e+00, v33  }
0x26b: {  	v36 =	vor.u32 s29, v2;
	v37 =	vmul.f32 $1.262491100e-03, v33;
	v25 =	vmul.f32 v25, v16;
	v35 =	vld.idx.msk [tilespmem:v19+s4+$0x0], $0xffff  }
0x26c: {  	v30 =	vmul.f32 v30, v12;
	v28 =	vld.idx.msk [tilespmem:v28+s4+$0x0], $0xffff;
	v12 =	vshrl.u32 v11, $0x1;
	v19 =	vmul.f32 $5.000000000e-01, v11  }
0x26d: {  	v21 =	vmul.f32 v32, v21;
	v37 =	vsub.f32 $6.670089900e-03, v37;
	v15 =	vld.idx.msk [tilespmem:v31+s4+$0x0], $0xffff;
	v31 =	vsub.s32 $0x5F3759DF, v12  }
0x26e: {  	v38 =	vor.u32 s24, v7;
	v24 =	vmul.f32 v26, v24;
	v12 =	vld.idx.msk [tilespmem:v27+s4+$0x0], $0xffff;
	v26 =	vmul.f32 v31, v19  }
0x26f: {  	v21 =	vmul.f32 v21, v32;
	v25 =	vadd.f32 $-2.145988050e-01, v25;
	v27 =	vmul.f32 v17, v17;
	v34 =	vld.idx.msk [tilespmem:v34+s8+$0x0], $0xffff  }
0x270: {  	v30 =	vadd.f32 v30, v22;
	v39 =	vmul.f32 v13, v13;
	v26 =	vmul.f32 v31, v26  }
0x271: {  	v23 =	vadd.f32 $-2.145988050e-01, v23;
	v20 =	vmul.f32 v24, v20;
	v22 =	vmul.f32 v35, v35;
	v36 =	vld.idx.msk [tilespmem:v36+s8+$0x0], $0xffff  }
0x272: {  	v21 =	vsub.f32 $1.500000000e+00, v21;
	v16 =	vmul.f32 v25, v16;
	v40 =	vmul.f32 v28, v28  }
0x273: {  	v20 =	vmul.f32 v20, v24;
	v25 =	vadd.f32 v22, v27;
	v27 =	vmul.f32 v15, v15  }
0x274: {  	v22 =	vmul.f32 v29, v17;
	v41 =	vmul.f32 v12, v12;
	v17 =	vadd.f32 v40, v39  }
0x275: {  	v20 =	vsub.f32 $1.500000000e+00, v20;
	v29 =	vmul.f32 v34, v28;
	v28 =	vmul.f32 v37, v33  }
0x276: {  	v23 =	vmul.f32 v23, v6;
	v6 =	vmovc v33;
	v21 =	vmul.f32 v21, v32;
	v17 =	vadd.f32 v27, v17  }
0x277: {  	v16 =	vadd.f32 $1.570796250e+00, v16;
	v25 =	vadd.f32 v41, v25;
	v32 =	vmul.f32 v36, v13  }
0x278: {  	v14 =	vmul.f32 v21, v14;
	v21 =	vadd.f32 $1.570796250e+00, v23;
	v13 =	vadd.f32 $9.999999960e-13, v17  }
0x279: {  	v23 =	vsub.f32 $1.500000000e+00, v26;
	v27 =	vmul.f32 v20, v24;
	v17 =	vadd.f32 $9.999999960e-13, v25  }
0x27a: {  	v14 =	vmul.f32 v14, v16;
	v24 =	vadd.f32 $-1.708812640e-02, v28;
	v20 =	vshrl.u32 v13, $0x1  }
0x27b: {  	v21 =	vmul.f32 v18, v21;
	v16 =	vshrl.u32 v17, $0x1;
	v26 =	vsub.s32 $0x5F3759DF, v20  }
0x27c: {  	v18 =	vmul.f32 v24, v6;
	v24 =	vsub.f32 $3.141592740e+00, v14;
	v25 =	vmul.f32 $5.000000000e-01, v13  }
0x27d: {  	v34 =	vsub.s32 $0x5F3759DF, v16;
	v20 =	vmul.f32 $5.000000000e-01, v17;
	v16 =	vmul.f32 v27, v30;
	v33 =	vld.idx.msk [tilespmem:v38+s8+$0x0], $0xffff  }
0x27e: {  	v30 =	vadd.f32 $3.089188040e-02, v18;
	v14 =	vsel vm1, v14, v24;
	v28 =	vmul.f32 v26, v25  }
0x27f: {  	v24 =	vmul.f32 v34, v20;
	v16 =	vmax.f32 v16, $-9.999989860e-01;
	[tilespmem:s31+$0x14300] =	vst v14;
	v14 =	vsub.f32 $3.141592740e+00, v21  }
0x280: {  	v36 =	vmul.f32 v26, v28;
	v18 =	vmin.f32 v16, $9.999989860e-01;
	v28 =	vmul.f32 v31, v23  }
0x281: {  	v23 =	vmul.f32 v34, v24;
	v24 =	vmul.f32 v30, v6;
	v14 =	vsel vm0, v21, v14  }
0x282: {  	v16 =	vand.u32 $0x7FFFFFFF, v18;
	v21 =	vsub.f32 $1.500000000e+00, v36;
	v36 =	vmul.f32 v28, v19;
	[tilespmem:s30+$0x14300] =	vst v14  }
0x283: {  	v23 =	vsub.f32 $1.500000000e+00, v23;
	v30 =	vmul.f32 v33, v35;
	v35 =	vadd.f32 $-5.017430340e-02, v24  }
0x284: {  	v14 =	vsub.f32 $1.000000000e+00, v16;
	v31 =	vmul.f32 v26, v21;
	v38 =	vmul.f32 v36, v28  }
0x285: {  	v24 =	vmul.f32 v34, v23;
	v23 =	vmul.f32 $1.262491100e-03, v16;
	v26 =	vadd.f32 v29, v32  }
.Ltmp13:
0x286: {  	v32 =	vshrl.u32 v14, $0x1;
	v21 =	vmul.f32 v31, v25;
	(pc) =	sbr.rel @p0 .LBB2_17-.Ltmp13, $4  }
0x287: {  	v33 =	vor.u32 s29, v8;
	v29 =	vmul.f32 v24, v20;
	v34 =	vmul.f32 v35, v6  }
0x288: {  	v35 =	vsub.f32 $6.670089900e-03, v23;
	v36 =	vmul.f32 v21, v31;
	v21 =	vmul.f32 $5.000000000e-01, v14  }
0x289: {  	v32 =	vsub.s32 $0x5F3759DF, v32;
	v29 =	vmul.f32 v29, v24;
	v23 =	vadd.f32 $8.897899090e-02, v34  }
0x28a: {  	s25 =	sadd.s32 $0x420, s25;
	v34 =	vsub.f32 $1.500000000e+00, v38;
	v37 =	vsub.f32 $1.500000000e+00, v36;
	v36 =	vmul.f32 v32, v21  }
0x28b: {  	v7 =	vor.u32 s24, v8;
	_ =	sdelay $0x1  }
0x28c: {  	v47 =	vsub.f32 $1.500000000e+00, v29  }
0x28d: {  	v48 =	vmul.f32 v35, v16  }
0x28e: {  	v9 =	vmul.f32 v27, v9;
	v8 =	vmul.f32 v47, v24  }
0x28f: {  	v5 =	vmul.f32 v10, v5;
	v49 =	vmul.f32 v37, v31;
	v7 =	vld.idx.msk [tilespmem:v7+s8+$0x0], $0xffff  }
0x290: {  	v50 =	vld.idx.msk [tilespmem:v33+s8+$0x0], $0xffff;
	v23 =	vmul.f32 v23, v6;
	v20 =	vmul.f32 v8, v20  }
0x291: {  	v51 =	vmul.f32 v32, v36;
	v25 =	vmul.f32 v49, v25  }
0x292: {  	v22 =	vadd.f32 v30, v22;
	v28 =	vmul.f32 v34, v28;
	v20 =	vmul.f32 v20, v8  }
0x293: {  	v29 =	vadd.f32 $-1.708812640e-02, v48;
	v23 =	vadd.f32 $-2.145988050e-01, v23;
	v25 =	vmul.f32 v25, v49  }
0x294: {  	v31 =	vsub.f32 $1.500000000e+00, v51;
	v53 =	vsub.f32 $1.500000000e+00, v20;
	v7 =	vmul.f32 v7, v12  }
0x295: {  	v19 =	vmul.f32 v28, v19;
	v15 =	vmul.f32 v50, v15;
	v25 =	vsub.f32 $1.500000000e+00, v25  }
0x296: {  	v29 =	vmul.f32 v29, v16;
	v8 =	vmul.f32 v53, v8;
	v7 =	vadd.f32 v7, v22  }
0x297: {  	v52 =	vmul.f32 v32, v31;
	v15 =	vadd.f32 v15, v26;
	v22 =	vmul.f32 v25, v49  }
0x298: {  	v19 =	vmul.f32 v19, v28;
	v7 =	vmul.f32 v8, v7  }
0x299: {  	v50 =	vmul.f32 v23, v6;
	v54 =	vadd.f32 $3.089188040e-02, v29;
	v15 =	vmul.f32 v22, v15  }
0x29a: {  	v55 =	vmul.f32 v52, v21;
	v56 =	vsub.f32 $1.500000000e+00, v19;
	v7 =	vmax.f32 v7, $-9.999989860e-01  }
0x29b: {  	v20 =	vmul.f32 v54, v16;
	v15 =	vmax.f32 v15, $-9.999989860e-01;
	v7 =	vmin.f32 v7, $9.999989860e-01  }
0x29c: {  	v12 =	vmul.f32 v55, v52;
	v15 =	vmin.f32 v15, $9.999989860e-01;
	v58 =	vand.u32 $0x7FFFFFFF, v7  }
0x29d: {  	v10 =	vmul.f32 v56, v28;
	v59 =	vand.u32 $0x7FFFFFFF, v15;
	v60 =	vsub.f32 $1.000000000e+00, v58  }
0x29e: {  	v12 =	vsub.f32 $1.500000000e+00, v12;
	v61 =	vsub.f32 $1.000000000e+00, v59;
	v62 =	vmul.f32 $1.262491100e-03, v59  }
0x29f: {  	v63 =	vmul.f32 $1.262491100e-03, v58;
	v36 =	vshrl.u32 v60, $0x1;
	v37 =	vmul.f32 $5.000000000e-01, v60  }
0x2a0: {  	v38 =	vshrl.u32 v61, $0x1;
	v39 =	vmul.f32 $5.000000000e-01, v61;
	v28 =	vsub.s32 $0x5F3759DF, v36  }
0x2a1: {  	v27 =	vsub.f32 $6.670089900e-03, v63;
	v31 =	vsub.s32 $0x5F3759DF, v38;
	v40 =	vmul.f32 v28, v37  }
0x2a2: {  	v12 =	vmul.f32 v12, v52;
	v26 =	vsub.f32 $6.670089900e-03, v62;
	v41 =	vmul.f32 v31, v39  }
0x2a3: {  	v57 =	vadd.f32 $-5.017430340e-02, v20;
	v27 =	vmul.f32 v27, v58;
	v33 =	vmul.f32 v28, v40  }
0x2a4: {  	v26 =	vmul.f32 v26, v59;
	v30 =	vmul.f32 v31, v41  }
0x2a5: {  	v19 =	vmul.f32 v57, v16;
	v27 =	vadd.f32 $-1.708812640e-02, v27;
	v33 =	vsub.f32 $1.500000000e+00, v33  }
0x2a6: {  	v42 =	vmul.f32 v12, v21;
	v26 =	vadd.f32 $-1.708812640e-02, v26;
	v30 =	vsub.f32 $1.500000000e+00, v30  }
0x2a7: {  	v19 =	vadd.f32 $8.897899090e-02, v19;
	v27 =	vmul.f32 v27, v58;
	v28 =	vmul.f32 v28, v33  }
0x2a8: {  	v26 =	vmul.f32 v26, v59;
	v30 =	vmul.f32 v31, v30  }
0x2a9: {  	v19 =	vmul.f32 v19, v16;
	v27 =	vadd.f32 $3.089188040e-02, v27;
	v43 =	vmul.f32 v28, v37  }
0x2aa: {  	v21 =	vmul.f32 v42, v12;
	v26 =	vadd.f32 $3.089188040e-02, v26;
	v44 =	vmul.f32 v30, v39  }
0x2ab: {  	v19 =	vadd.f32 $-2.145988050e-01, v19;
	v27 =	vmul.f32 v27, v58;
	v31 =	vmul.f32 v43, v28  }
0x2ac: {  	v21 =	vsub.f32 $1.500000000e+00, v21;
	v26 =	vmul.f32 v26, v59;
	v33 =	vmul.f32 v44, v30  }
0x2ad: {  	v45 =	vmul.f32 v19, v16;
	v46 =	vadd.f32 $-5.017430340e-02, v27;
	v47 =	vsub.f32 $1.500000000e+00, v31  }
0x2ae: {  	v12 =	vmul.f32 v21, v12;
	v48 =	vadd.f32 $-5.017430340e-02, v26;
	v49 =	vsub.f32 $1.500000000e+00, v33  }
0x2af: {  	v19 =	vmul.f32 v46, v58;
	v27 =	vmul.f32 v47, v28  }
0x2b0: {  	vm0 =	vge.f32 v18, $0.0e+00;
	v21 =	vmul.f32 v48, v59;
	v26 =	vmul.f32 v49, v30  }
0x2b1: {  	v10 =	vmul.f32 v10, v11;
	v19 =	vadd.f32 $8.897899090e-02, v19;
	v51 =	vmul.f32 v27, v37  }
0x2b2: {  	v12 =	vmul.f32 v12, v14;
	v52 =	vadd.f32 $8.897899090e-02, v21;
	v53 =	vmul.f32 v26, v39  }
0x2b3: {  	v6 =	vadd.f32 $1.570796250e+00, v50;
	v19 =	vmul.f32 v19, v58;
	v23 =	vmul.f32 v51, v27  }
0x2b4: {  	v16 =	vadd.f32 $1.570796250e+00, v45;
	v14 =	vmul.f32 v52, v59;
	v21 =	vmul.f32 v53, v26  }
0x2b5: {  	v6 =	vmul.f32 v10, v6;
	v54 =	vadd.f32 $-2.145988050e-01, v19;
	v55 =	vsub.f32 $1.500000000e+00, v23  }
0x2b6: {  	v12 =	vmul.f32 v12, v16;
	v14 =	vadd.f32 $-2.145988050e-01, v14;
	v56 =	vsub.f32 $1.500000000e+00, v21  }
0x2b7: {  	vm1 =	vge.f32 v4, $0.0e+00;
	v16 =	vmul.f32 v54, v58;
	v19 =	vmul.f32 v55, v27  }
0x2b8: {  	s3 =	sor.u32 s20, s3;
	v57 =	vsub.f32 $3.141592740e+00, v12;
	v14 =	vmul.f32 v14, v59;
	v10 =	vmul.f32 v56, v26  }
0x2b9: {  	s29 =	sor.u32 s2, s3;
	v58 =	vsub.f32 $3.141592740e+00, v6;
	v16 =	vadd.f32 $1.570796250e+00, v16;
	v19 =	vmul.f32 v19, v60  }
0x2ba: {  	s0 =	sor.u32 s2, s11;
	[tilespmem:s29+$0xBF00] =	vst v5;
	v4 =	vsel vm0, v12, v57;
	v59 =	vadd.f32 $1.570796250e+00, v14;
	v10 =	vmul.f32 v10, v61  }
0x2bb: {  	s1 =	sadd.s32 $0x1, s1;
	[tilespmem:s0+$0x14300] =	vst v4;
	v4 =	vsel vm1, v6, v58;
	v5 =	vmul.f32 v19, v16  }
0x2bc: {  	s31 =	sor.u32 s20, s28;
	p0 =	sne.s32 s1, $0x21;
	[tilespmem:s29+$0x14300] =	vst v4;
	v4 =	vmul.f32 v22, v13;
	v61 =	vmul.f32 v10, v59  }
.Ltmp14:
0x2bd: {  	s2 =	sor.u32 s7, s31;
	[tilespmem:s0+$0xBF00] =	vst v9;
	v60 =	vmul.f32 v8, v17;
	v62 =	vsub.f32 $3.141592740e+00, v5;
	(pc) =	sbr.rel @p0 .LBB2_16-.Ltmp14, $4  }
0x2be: {  	s30 =	sor.u32 s7, s23;
	vm14 =	vge.f32 v7, $0.0e+00;
	[tilespmem:s2+$0xBF00] =	vst v4;
	v63 =	vsub.f32 $3.141592740e+00, v61  }
0x2bf: {  	vm15 =	vge.f32 v15, $0.0e+00;
	[tilespmem:s30+$0xBF00] =	vst v60;
	v4 =	vsel vm14, v5, v62  }
0x2c0: {  	[tilespmem:s30+$0x14300] =	vst v4;
	v4 =	vsel vm15, v61, v63  }
0x2c1: {  	s6 =	sadd.s32 $0x1, s6;
	[tilespmem:s2+$0x14300] =	vst v4  }
0x2c2: {  	s2 =	rddreg [dreg:$0x12]  }
0x2c3: {  	s0 =	simm.s32 $0x800;
	s3 =	sadd.s32 $0x0, s12;
	s1 =	sadd.s32 $0x400, s2  }
.LBB2_20:
0x2c4: {  	[hbm4b:s3+s10] =	stream.strided.scatter [tilespmem:s2], [sflag:$0x5], $0x200, s14, s10, $0x38;
	[tilespmem:$0x1E700] =	vst v63  }
0x2c5: {  	s3 =	smov.u32 s0;
	s2 =	smov.u32 s1;
	p0 =	sne.s32 s0, $0x10000  }
.Ltmp15:
0x2c6: {  	s0 =	sadd.s32 $0x800, s0;
	(pc) =	sbr.rel @p0 .LBB2_20-.Ltmp15, $2  }
0x2c7: {  	_ =	sdelay $0x2  }
0x2c8: {  	s1 =	sadd.s32 $0x400, s1;
	s3 =	sadd.s32 s3, s12  }
0x2c9: {  	[hbm4b:s3+s10] =	stream.strided.scatter [tilespmem:s2], [sflag:$0x5], $0x200, s14, s10, $0x38;
	[tilespmem:$0x1E700] =	vst v63  }
0x2ca: {  	s0 =	simm.s32 $0x5  }
0x2cb: {  	_ =	swait.ge [sflag:s0], $0x4200  }
0x2cc: {  	[sflag:s0] =	ssyncset.done $0x0;
	s2 =	rddreg [dreg:$0x13]  }
0x2cd: {  	s30 =	rddreg [dreg:$0xf];
	[sflag:s0] =	ssyncadd.s32 $0xFFFFBE00  }
0x2ce: {  	s3 =	sadd.s32 $0x0, s13;
	s31 =	simm.s32 $0x1;
	s28 =	rddreg [dreg:$0x1]  }
0x2cf: {  	s0 =	simm.s32 $0x800;
	s1 =	sadd.s32 $0x400, s2;
	s29 =	rddreg [dreg:$0x2]  }
.LBB2_22:
0x2d0: {  	[hbm4b:s3+s10] =	stream.strided.scatter [tilespmem:s2], [sflag:$0x5], $0x200, s14, s10, $0x38;
	[tilespmem:$0x1E700] =	vst v63  }
0x2d1: {  	s3 =	smov.u32 s0;
	s2 =	smov.u32 s1;
	p0 =	sne.s32 s0, $0x10000  }
.Ltmp16:
0x2d2: {  	s0 =	sadd.s32 $0x800, s0;
	(pc) =	sbr.rel @p0 .LBB2_22-.Ltmp16, $2  }
0x2d3: {  	_ =	sdelay $0x2  }
0x2d4: {  	s1 =	sadd.s32 $0x400, s1;
	s3 =	sadd.s32 s3, s13  }
0x2d5: {  	[hbm4b:s3+s10] =	stream.strided.scatter [tilespmem:s2], [sflag:$0x5], $0x200, s14, s10, $0x38;
	[tilespmem:$0x1E700] =	vst v63  }
0x2d6: {  	s17 =	simm.s32 $0x5  }
0x2d7: {  	_ =	swait.ge [sflag:s17], $0x4200  }
0x2d8: {  	[sflag:s17] =	ssyncset.done $0x0;
	s1 =	rddreg [dreg:$0xa]  }
0x2d9: {  	s0 =	simm.s32 $0x0;
	s20 =	rddreg [dreg:$0xb];
	[sflag:s17] =	ssyncadd.s32 $0xFFFFBE00  }
0x2da: {  	[hbm4b:s1+s0] =	stream.linear.scatter [tilespmem:s20], [sflag:$0x5], $0x4200, $0x38;
	[tilespmem:$0x1E700] =	vst v63  }
0x2db: {  	_ =	swait.ge [sflag:s17], $0x4200  }
0x2dc: {  	[sflag:s17] =	ssyncset.done $0x0  }
0x2dd: {  	[sflag:s17] =	ssyncadd.s32 $0xFFFFBE00  }
0x2de: {  	[bflag:$0x0] =	sbarrier.arrive $0xFFFF  }
0x2df: {  	s23 =	rddreg [dreg:$0xc]  }
0x2e0: {  	s24 =	rddreg [dreg:$0xd]  }
0x2e1: {  	[tilespmem:s23], [sflag:$0x5] =	stream.linear.gather [hbm4b:s24+s0], $0x4200, $0x38;
	[tilespmem:$0x1E700] =	vst v63  }
0x2e2: {  	_ =	swait.ge [sflag:s17], $0x4200  }
0x2e3: {  	[sflag:s17] =	ssyncset.done $0x0  }
0x2e4: {  	s25 =	rddreg [dreg:$0xe];
	[sflag:s17] =	ssyncadd.s32 $0xFFFFBE00  }
0x2e5: {  	[tilespmem:s15], [sflag:$0x1] =	stream.strided.gather [hbm4b:s25+s10], $0x1000, s14, s10, $0x38;
	[tilespmem:$0x1E700] =	vst v63  }
0x2e6: {  	s26 =	rddreg [dreg:$0x14]  }
0x2e7: {  	[tilespmem:s16], [sflag:$0x2] =	stream.strided.gather [hbm4b:s26+s10], $0x1000, s14, s10, $0x38;
	[tilespmem:$0x1E700] =	vst v63  }
0x2e8: {  	_ =	swait.ge [sflag:s31], $0x1000  }
0x2e9: {  	[sflag:s31] =	ssyncset.done $0x0  }
0x2ea: {  	s2 =	simm.s32 $0xBF80;
	s1 =	simm.s32 $0x1EF0;
	[sflag:s31] =	ssyncadd.s32 $0xFFFFF000  }
.LBB2_24:
0x2eb: {  	s3 =	sadd.s32 $0xFFFFFDF0, s1;
	v4 =	vadd.s32 s1, v3  }
0x2ec: {  	s6 =	sadd.s32 $0xFFFFE320, s1;
	v5 =	vadd.s32 s3, v3  }
0x2ed: {  	s20 =	sadd.s32 $0xFFFFE530, s1;
	v6 =	vadd.s32 s6, v3  }
0x2ee: {  	s23 =	sadd.s32 $0xFFFFE740, s1;
	v7 =	vadd.s32 s20, v3  }
0x2ef: {  	s24 =	sadd.s32 $0xFFFFE950, s1;
	v8 =	vadd.s32 s23, v3  }
0x2f0: {  	s25 =	sadd.s32 $0xFFFFE110, s1;
	v9 =	vadd.s32 s24, v3;
	v4 =	vld.idx.msk [tilespmem:v4+s9+$0x0], $0xffff  }
0x2f1: {  	s26 =	sadd.s32 $0xFFFFEB60, s1;
	v10 =	vadd.s32 s25, v3;
	v5 =	vld.idx.msk [tilespmem:v5+s9+$0x0], $0xffff  }
0x2f2: {  	s11 =	sadd.s32 $0xFFFFEF80, s1;
	v11 =	vadd.s32 s26, v3;
	v12 =	vld.idx.msk [tilespmem:v6+s9+$0x0], $0xffff  }
0x2f3: {  	s17 =	sadd.s32 $0xFFFFF190, s1;
	v13 =	vadd.s32 s11, v3;
	v7 =	vld.idx.msk [tilespmem:v7+s9+$0x0], $0xffff  }
0x2f4: {  	s7 =	sadd.s32 $0xFFFFED70, s1;
	v14 =	vadd.s32 s17, v3;
	v8 =	vld.idx.msk [tilespmem:v8+s9+$0x0], $0xffff  }
0x2f5: {  	s20 =	sadd.s32 $0xFFFFF3A0, s1;
	v6 =	vadd.s32 s7, v3;
	v9 =	vld.idx.msk [tilespmem:v9+s9+$0x0], $0xffff  }
0x2f6: {  	s23 =	sadd.s32 $0xFFFFF5B0, s1;
	v15 =	vld.idx.msk [tilespmem:v10+s9+$0x0], $0xffff;
	v10 =	vadd.s32 s20, v3  }
0x2f7: {  	v16 =	vld.idx.msk [tilespmem:v11+s9+$0x0], $0xffff;
	v11 =	vadd.s32 s23, v3  }
0x2f8: {  	v19 =	vld.idx.msk [tilespmem:v13+s9+$0x0], $0xffff  }
0x2f9: {  	v20 =	vld.idx.msk [tilespmem:v14+s9+$0x0], $0xffff  }
0x2fa: {  	v17 =	vld.idx.msk [tilespmem:v6+s9+$0x0], $0xffff  }
0x2fb: {  	v21 =	vld.idx.msk [tilespmem:v10+s9+$0x0], $0xffff  }
0x2fc: {  	v11 =	vld.idx.msk [tilespmem:v11+s9+$0x0], $0xffff  }
0x2fd: {  	v18 =	vld.idx.msk [tilespmem:v5+s15+$0x0], $0xffff  }
0x2fe: {  	s24 =	sadd.s32 $0xFFFFF7C0, s1;
	v15 =	vld.idx.msk [tilespmem:v15+s15+$0x0], $0xffff  }
0x2ff: {  	s25 =	sadd.s32 $0xFFFFF9D0, s1;
	v6 =	vadd.s32 s24, v3;
	v22 =	vld.idx.msk [tilespmem:v12+s15+$0x0], $0xffff  }
0x300: {  	s26 =	sadd.s32 $0xFFFFFBE0, s1;
	v5 =	vadd.s32 s25, v3;
	v23 =	vld.idx.msk [tilespmem:v7+s15+$0x0], $0xffff  }
0x301: {  	v13 =	vadd.s32 s26, v3;
	v24 =	vld.idx.msk [tilespmem:v8+s15+$0x0], $0xffff  }
0x302: {  	v14 =	vld.idx.msk [tilespmem:v9+s15+$0x0], $0xffff  }
0x303: {  	v7 =	vld.idx.msk [tilespmem:v19+s15+$0x0], $0xffff  }
0x304: {  	v10 =	vld.idx.msk [tilespmem:v6+s9+$0x0], $0xffff  }
0x305: {  	v6 =	vld.idx.msk [tilespmem:v5+s9+$0x0], $0xffff  }
0x306: {  	v5 =	vld.idx.msk [tilespmem:v13+s9+$0x0], $0xffff;
	[tilespmem:s2+$0x60] =	vst v18  }
0x307: {  	v13 =	vld.idx.msk [tilespmem:v16+s15+$0x0], $0xffff;
	[tilespmem:s2+$0xFFFFFF80] =	vst v15  }
0x308: {  	v12 =	vld.idx.msk [tilespmem:v17+s15+$0x0], $0xffff;
	[tilespmem:s2+$0xFFFFFF90] =	vst v22  }
0x309: {  	v8 =	vld.idx.msk [tilespmem:v20+s15+$0x0], $0xffff;
	[tilespmem:s2+$0xFFFFFFA0] =	vst v23  }
0x30a: {  	s6 =	simm.s32 $0x0;
	s3 =	smov.u32 s2;
	s7 =	sadd.s32 $0x2100, s1;
	[tilespmem:s2+$0xFFFFFFB0] =	vst v24;
	v9 =	vld.idx.msk [tilespmem:v21+s15+$0x0], $0xffff  }
.LBB2_25:
0x30b: {  	s11 =	sadd.s32 $0xFFFFE320, s7;
	s17 =	sadd.s32 $0xFFFFFDF0, s7;
	v15 =	vadd.s32 s7, v3;
	s6 =	sadd.s32 $0x10, s6;
	[tilespmem:s3+$0xFFFFFFC0] =	vst v14;
	v11 =	vld.idx.msk [tilespmem:v11+s15+$0x0], $0xffff  }
0x30c: {  	s20 =	sadd.s32 $0xFFFFE740, s7;
	v14 =	vadd.s32 s11, v3;
	s11 =	sadd.s32 $0xFFFFE530, s7;
	v16 =	vadd.s32 s17, v3;
	p0 =	slt.u32 s6, $0x30;
	[tilespmem:s3+$0xFFFFFFD0] =	vst v13;
	v10 =	vld.idx.msk [tilespmem:v10+s15+$0x0], $0xffff  }
0x30d: {  	v17 =	vadd.s32 s20, v3;
	s17 =	sadd.s32 $0xFFFFEB60, s7;
	s20 =	sadd.s32 $0xFFFFED70, s7;
	v13 =	vadd.s32 s11, v3;
	s11 =	sadd.s32 $0xFFFFE950, s7;
	[tilespmem:s3+$0xFFFFFFE0] =	vst v12;
	v6 =	vld.idx.msk [tilespmem:v6+s15+$0x0], $0xffff  }
0x30e: {  	v18 =	vadd.s32 s17, v3;
	v19 =	vadd.s32 s20, v3;
	s17 =	sadd.s32 $0xFFFFF190, s7;
	s20 =	sadd.s32 $0xFFFFF3A0, s7;
	v12 =	vadd.s32 s11, v3;
	s11 =	sadd.s32 $0xFFFFEF80, s7;
	v5 =	vld.idx.msk [tilespmem:v5+s15+$0x0], $0xffff  }
0x30f: {  	v21 =	vadd.s32 s17, v3;
	v22 =	vadd.s32 s20, v3;
	s17 =	sadd.s32 $0xFFFFF7C0, s7;
	s20 =	sadd.s32 $0xFFFFF9D0, s7;
	v20 =	vadd.s32 s11, v3;
	s11 =	sadd.s32 $0xFFFFF5B0, s7;
	v23 =	vld.idx.msk [tilespmem:v4+s15+$0x0], $0xffff  }
0x310: {  	s23 =	sadd.s32 $0xFFFFE110, s7;
	v25 =	vadd.s32 s17, v3;
	v26 =	vadd.s32 s20, v3;
	v24 =	vadd.s32 s11, v3;
	s11 =	sadd.s32 $0xFFFFFBE0, s7;
	v4 =	vld.idx.msk [tilespmem:v15+s9+$0x0], $0xffff  }
0x311: {  	v15 =	vadd.s32 s23, v3;
	v27 =	vadd.s32 s11, v3;
	v16 =	vld.idx.msk [tilespmem:v16+s9+$0x0], $0xffff;
	[tilespmem:s3+$0xFFFFFFF0] =	vst v7  }
0x312: {  	v7 =	vld.idx.msk [tilespmem:v14+s9+$0x0], $0xffff;
	[tilespmem:s3+$0x0] =	vst v8  }
0x313: {  	v8 =	vld.idx.msk [tilespmem:v13+s9+$0x0], $0xffff;
	[tilespmem:s3+$0x10] =	vst v9  }
0x314: {  	v9 =	vld.idx.msk [tilespmem:v17+s9+$0x0], $0xffff;
	[tilespmem:s3+$0x20] =	vst v11  }
0x315: {  	v12 =	vld.idx.msk [tilespmem:v12+s9+$0x0], $0xffff;
	[tilespmem:s3+$0x30] =	vst v10  }
0x316: {  	v13 =	vld.idx.msk [tilespmem:v15+s9+$0x0], $0xffff;
	[tilespmem:s3+$0x40] =	vst v6  }
0x317: {  	v15 =	vld.idx.msk [tilespmem:v18+s9+$0x0], $0xffff;
	[tilespmem:s3+$0x50] =	vst v5  }
0x318: {  	v17 =	vld.idx.msk [tilespmem:v19+s9+$0x0], $0xffff;
	[tilespmem:s3+$0x70] =	vst v23  }
0x319: {  	v5 =	vld.idx.msk [tilespmem:v16+s15+$0x0], $0xffff  }
0x31a: {  	v16 =	vld.idx.msk [tilespmem:v20+s9+$0x0], $0xffff  }
0x31b: {  	v18 =	vld.idx.msk [tilespmem:v21+s9+$0x0], $0xffff  }
0x31c: {  	v19 =	vld.idx.msk [tilespmem:v22+s9+$0x0], $0xffff  }
0x31d: {  	v11 =	vld.idx.msk [tilespmem:v24+s9+$0x0], $0xffff  }
0x31e: {  	s3 =	sadd.s32 $0x100, s3;
	v10 =	vld.idx.msk [tilespmem:v25+s9+$0x0], $0xffff  }
0x31f: {  	v6 =	vld.idx.msk [tilespmem:v26+s9+$0x0], $0xffff;
	[tilespmem:s3+$0x60] =	vst v5  }
0x320: {  	v5 =	vld.idx.msk [tilespmem:v27+s9+$0x0], $0xffff  }
0x321: {  	v20 =	vld.idx.msk [tilespmem:v13+s15+$0x0], $0xffff  }
0x322: {  	v7 =	vld.idx.msk [tilespmem:v7+s15+$0x0], $0xffff  }
0x323: {  	v8 =	vld.idx.msk [tilespmem:v8+s15+$0x0], $0xffff  }
0x324: {  	v9 =	vld.idx.msk [tilespmem:v9+s15+$0x0], $0xffff  }
0x325: {  	v14 =	vld.idx.msk [tilespmem:v12+s15+$0x0], $0xffff  }
.Ltmp17:
0x326: {  	v13 =	vld.idx.msk [tilespmem:v15+s15+$0x0], $0xffff;
	(pc) =	sbr.rel @p0 .LBB2_25-.Ltmp17, $4  }
0x327: {  	[tilespmem:s3+$0xFFFFFF80] =	vst v20;
	v12 =	vld.idx.msk [tilespmem:v17+s15+$0x0], $0xffff  }
0x328: {  	[tilespmem:s3+$0xFFFFFF90] =	vst v7;
	v7 =	vld.idx.msk [tilespmem:v16+s15+$0x0], $0xffff  }
0x329: {  	[tilespmem:s3+$0xFFFFFFA0] =	vst v8;
	v8 =	vld.idx.msk [tilespmem:v18+s15+$0x0], $0xffff  }
0x32a: {  	s7 =	sadd.s32 $0x2100, s7;
	[tilespmem:s3+$0xFFFFFFB0] =	vst v9;
	v9 =	vld.idx.msk [tilespmem:v19+s15+$0x0], $0xffff  }
0x32b: {  	_ =	sdelay $0x2  }
0x32c: {  	[tilespmem:s3+$0xFFFFFFC0] =	vst v14  }
0x32d: {  	v11 =	vld.idx.msk [tilespmem:v11+s15+$0x0], $0xffff;
	[tilespmem:s3+$0xFFFFFFD0] =	vst v13  }
0x32e: {  	v10 =	vld.idx.msk [tilespmem:v10+s15+$0x0], $0xffff;
	[tilespmem:s3+$0xFFFFFFE0] =	vst v12  }
0x32f: {  	v6 =	vld.idx.msk [tilespmem:v6+s15+$0x0], $0xffff;
	[tilespmem:s3+$0xFFFFFFF0] =	vst v7  }
0x330: {  	v5 =	vld.idx.msk [tilespmem:v5+s15+$0x0], $0xffff;
	s0 =	sadd.s32 $0x1, s0;
	[tilespmem:s3+$0x0] =	vst v8  }
0x331: {  	v4 =	vld.idx.msk [tilespmem:v4+s15+$0x0], $0xffff;
	p0 =	sne.s32 s0, $0x21;
	[tilespmem:s3+$0x10] =	vst v9  }
.Ltmp18:
0x332: {  	[tilespmem:s3+$0x20] =	vst v11;
	(pc) =	sbr.rel @p0 .LBB2_24-.Ltmp18, $4  }
0x333: {  	[tilespmem:s3+$0x30] =	vst v10  }
0x334: {  	[tilespmem:s3+$0x40] =	vst v6  }
0x335: {  	[tilespmem:s3+$0x50] =	vst v5  }
0x336: {  	s1 =	sadd.s32 $0x1, s1;
	s2 =	sadd.s32 $0x400, s2;
	[tilespmem:s3+$0x70] =	vst v4  }
0x337: {  	s0 =	rddreg [dreg:$0x15];
	s1 =	simm.s32 $0x800  }
0x338: {  	[tilespmem:s15], [sflag:$0x1] =	stream.strided.gather [hbm4b:s0+s10], $0x1000, s14, s10, $0x38;
	[tilespmem:$0x1E700] =	vst v63  }
0x339: {  	s3 =	sadd.s32 $0x0, s21;
	s2 =	simm.s32 $0xC300;
	s0 =	simm.s32 $0xBF00  }
.LBB2_28:
0x33a: {  	[hbm4b:s3+s10] =	stream.strided.scatter [tilespmem:s0], [sflag:$0x3], $0x400, s14, s10, $0x38;
	[tilespmem:$0x1E700] =	vst v63  }
0x33b: {  	s3 =	smov.u32 s1;
	s0 =	smov.u32 s2;
	p0 =	sne.s32 s1, $0x10000  }
.Ltmp19:
0x33c: {  	s1 =	sadd.s32 $0x800, s1;
	(pc) =	sbr.rel @p0 .LBB2_28-.Ltmp19, $2  }
0x33d: {  	_ =	sdelay $0x2  }
0x33e: {  	s2 =	sadd.s32 $0x400, s2;
	s3 =	sadd.s32 s3, s21  }
0x33f: {  	[hbm4b:s3+s10] =	stream.strided.scatter [tilespmem:s0], [sflag:$0x3], $0x400, s14, s10, $0x38;
	[tilespmem:$0x1E700] =	vst v63  }
0x340: {  	s26 =	simm.s32 $0x2  }
0x341: {  	_ =	swait.ge [sflag:s26], $0x1000  }
0x342: {  	s0 =	simm.s32 $0x0;
	[sflag:s26] =	ssyncset.done $0x0  }
0x343: {  	s1 =	simm.s32 $0x1EF0;
	s2 =	simm.s32 $0x14380;
	[sflag:s26] =	ssyncadd.s32 $0xFFFFF000  }
.LBB2_30:
0x344: {  	s3 =	sadd.s32 $0xFFFFFDF0, s1;
	v4 =	vadd.s32 s1, v3  }
0x345: {  	s6 =	sadd.s32 $0xFFFFE320, s1;
	v5 =	vadd.s32 s3, v3  }
0x346: {  	s20 =	sadd.s32 $0xFFFFE530, s1;
	v6 =	vadd.s32 s6, v3  }
0x347: {  	s23 =	sadd.s32 $0xFFFFE740, s1;
	v7 =	vadd.s32 s20, v3  }
0x348: {  	s24 =	sadd.s32 $0xFFFFE950, s1;
	v8 =	vadd.s32 s23, v3  }
0x349: {  	s25 =	sadd.s32 $0xFFFFE110, s1;
	v9 =	vadd.s32 s24, v3;
	v4 =	vld.idx.msk [tilespmem:v4+s9+$0x0], $0xffff  }
0x34a: {  	s26 =	sadd.s32 $0xFFFFEB60, s1;
	v10 =	vadd.s32 s25, v3;
	v5 =	vld.idx.msk [tilespmem:v5+s9+$0x0], $0xffff  }
0x34b: {  	s11 =	sadd.s32 $0xFFFFEF80, s1;
	v11 =	vadd.s32 s26, v3;
	v12 =	vld.idx.msk [tilespmem:v6+s9+$0x0], $0xffff  }
0x34c: {  	s17 =	sadd.s32 $0xFFFFF190, s1;
	v13 =	vadd.s32 s11, v3;
	v7 =	vld.idx.msk [tilespmem:v7+s9+$0x0], $0xffff  }
0x34d: {  	s7 =	sadd.s32 $0xFFFFED70, s1;
	v14 =	vadd.s32 s17, v3;
	v8 =	vld.idx.msk [tilespmem:v8+s9+$0x0], $0xffff  }
0x34e: {  	s20 =	sadd.s32 $0xFFFFF3A0, s1;
	v6 =	vadd.s32 s7, v3;
	v9 =	vld.idx.msk [tilespmem:v9+s9+$0x0], $0xffff  }
0x34f: {  	s23 =	sadd.s32 $0xFFFFF5B0, s1;
	v15 =	vld.idx.msk [tilespmem:v10+s9+$0x0], $0xffff;
	v10 =	vadd.s32 s20, v3  }
0x350: {  	v16 =	vld.idx.msk [tilespmem:v11+s9+$0x0], $0xffff;
	v11 =	vadd.s32 s23, v3  }
0x351: {  	v19 =	vld.idx.msk [tilespmem:v13+s9+$0x0], $0xffff  }
0x352: {  	v20 =	vld.idx.msk [tilespmem:v14+s9+$0x0], $0xffff  }
0x353: {  	v17 =	vld.idx.msk [tilespmem:v6+s9+$0x0], $0xffff  }
0x354: {  	v21 =	vld.idx.msk [tilespmem:v10+s9+$0x0], $0xffff  }
0x355: {  	v11 =	vld.idx.msk [tilespmem:v11+s9+$0x0], $0xffff  }
0x356: {  	v18 =	vld.idx.msk [tilespmem:v5+s16+$0x0], $0xffff  }
0x357: {  	s24 =	sadd.s32 $0xFFFFF7C0, s1;
	v15 =	vld.idx.msk [tilespmem:v15+s16+$0x0], $0xffff  }
0x358: {  	s25 =	sadd.s32 $0xFFFFF9D0, s1;
	v6 =	vadd.s32 s24, v3;
	v22 =	vld.idx.msk [tilespmem:v12+s16+$0x0], $0xffff  }
0x359: {  	s26 =	sadd.s32 $0xFFFFFBE0, s1;
	v5 =	vadd.s32 s25, v3;
	v23 =	vld.idx.msk [tilespmem:v7+s16+$0x0], $0xffff  }
0x35a: {  	v13 =	vadd.s32 s26, v3;
	v24 =	vld.idx.msk [tilespmem:v8+s16+$0x0], $0xffff  }
0x35b: {  	v14 =	vld.idx.msk [tilespmem:v9+s16+$0x0], $0xffff  }
0x35c: {  	v7 =	vld.idx.msk [tilespmem:v19+s16+$0x0], $0xffff  }
0x35d: {  	v10 =	vld.idx.msk [tilespmem:v6+s9+$0x0], $0xffff  }
0x35e: {  	v6 =	vld.idx.msk [tilespmem:v5+s9+$0x0], $0xffff  }
0x35f: {  	v5 =	vld.idx.msk [tilespmem:v13+s9+$0x0], $0xffff;
	[tilespmem:s2+$0x60] =	vst v18  }
0x360: {  	v13 =	vld.idx.msk [tilespmem:v16+s16+$0x0], $0xffff;
	[tilespmem:s2+$0xFFFFFF80] =	vst v15  }
0x361: {  	v12 =	vld.idx.msk [tilespmem:v17+s16+$0x0], $0xffff;
	[tilespmem:s2+$0xFFFFFF90] =	vst v22  }
0x362: {  	v8 =	vld.idx.msk [tilespmem:v20+s16+$0x0], $0xffff;
	[tilespmem:s2+$0xFFFFFFA0] =	vst v23  }
0x363: {  	s6 =	simm.s32 $0x0;
	s3 =	smov.u32 s2;
	s7 =	sadd.s32 $0x2100, s1;
	[tilespmem:s2+$0xFFFFFFB0] =	vst v24;
	v9 =	vld.idx.msk [tilespmem:v21+s16+$0x0], $0xffff  }
.LBB2_31:
0x364: {  	s11 =	sadd.s32 $0xFFFFE320, s7;
	s17 =	sadd.s32 $0xFFFFFDF0, s7;
	v15 =	vadd.s32 s7, v3;
	s6 =	sadd.s32 $0x10, s6;
	[tilespmem:s3+$0xFFFFFFC0] =	vst v14;
	v11 =	vld.idx.msk [tilespmem:v11+s16+$0x0], $0xffff  }
0x365: {  	s20 =	sadd.s32 $0xFFFFE740, s7;
	v14 =	vadd.s32 s11, v3;
	s11 =	sadd.s32 $0xFFFFE530, s7;
	v16 =	vadd.s32 s17, v3;
	p0 =	slt.u32 s6, $0x30;
	[tilespmem:s3+$0xFFFFFFD0] =	vst v13;
	v10 =	vld.idx.msk [tilespmem:v10+s16+$0x0], $0xffff  }
0x366: {  	v17 =	vadd.s32 s20, v3;
	s17 =	sadd.s32 $0xFFFFEB60, s7;
	s20 =	sadd.s32 $0xFFFFED70, s7;
	v13 =	vadd.s32 s11, v3;
	s11 =	sadd.s32 $0xFFFFE950, s7;
	[tilespmem:s3+$0xFFFFFFE0] =	vst v12;
	v6 =	vld.idx.msk [tilespmem:v6+s16+$0x0], $0xffff  }
0x367: {  	v18 =	vadd.s32 s17, v3;
	v19 =	vadd.s32 s20, v3;
	s17 =	sadd.s32 $0xFFFFF190, s7;
	s20 =	sadd.s32 $0xFFFFF3A0, s7;
	v12 =	vadd.s32 s11, v3;
	s11 =	sadd.s32 $0xFFFFEF80, s7;
	v5 =	vld.idx.msk [tilespmem:v5+s16+$0x0], $0xffff  }
0x368: {  	v21 =	vadd.s32 s17, v3;
	v22 =	vadd.s32 s20, v3;
	s17 =	sadd.s32 $0xFFFFF7C0, s7;
	s20 =	sadd.s32 $0xFFFFF9D0, s7;
	v20 =	vadd.s32 s11, v3;
	s11 =	sadd.s32 $0xFFFFF5B0, s7;
	v23 =	vld.idx.msk [tilespmem:v4+s16+$0x0], $0xffff  }
0x369: {  	s23 =	sadd.s32 $0xFFFFE110, s7;
	v25 =	vadd.s32 s17, v3;
	v26 =	vadd.s32 s20, v3;
	v24 =	vadd.s32 s11, v3;
	s11 =	sadd.s32 $0xFFFFFBE0, s7;
	v4 =	vld.idx.msk [tilespmem:v15+s9+$0x0], $0xffff  }
0x36a: {  	v15 =	vadd.s32 s23, v3;
	v27 =	vadd.s32 s11, v3;
	v16 =	vld.idx.msk [tilespmem:v16+s9+$0x0], $0xffff;
	[tilespmem:s3+$0xFFFFFFF0] =	vst v7  }
0x36b: {  	v7 =	vld.idx.msk [tilespmem:v14+s9+$0x0], $0xffff;
	[tilespmem:s3+$0x0] =	vst v8  }
0x36c: {  	v8 =	vld.idx.msk [tilespmem:v13+s9+$0x0], $0xffff;
	[tilespmem:s3+$0x10] =	vst v9  }
0x36d: {  	v9 =	vld.idx.msk [tilespmem:v17+s9+$0x0], $0xffff;
	[tilespmem:s3+$0x20] =	vst v11  }
0x36e: {  	v12 =	vld.idx.msk [tilespmem:v12+s9+$0x0], $0xffff;
	[tilespmem:s3+$0x30] =	vst v10  }
0x36f: {  	v13 =	vld.idx.msk [tilespmem:v15+s9+$0x0], $0xffff;
	[tilespmem:s3+$0x40] =	vst v6  }
0x370: {  	v15 =	vld.idx.msk [tilespmem:v18+s9+$0x0], $0xffff;
	[tilespmem:s3+$0x50] =	vst v5  }
0x371: {  	v17 =	vld.idx.msk [tilespmem:v19+s9+$0x0], $0xffff;
	[tilespmem:s3+$0x70] =	vst v23  }
0x372: {  	v5 =	vld.idx.msk [tilespmem:v16+s16+$0x0], $0xffff  }
0x373: {  	v16 =	vld.idx.msk [tilespmem:v20+s9+$0x0], $0xffff  }
0x374: {  	v18 =	vld.idx.msk [tilespmem:v21+s9+$0x0], $0xffff  }
0x375: {  	v19 =	vld.idx.msk [tilespmem:v22+s9+$0x0], $0xffff  }
0x376: {  	v11 =	vld.idx.msk [tilespmem:v24+s9+$0x0], $0xffff  }
0x377: {  	s3 =	sadd.s32 $0x100, s3;
	v10 =	vld.idx.msk [tilespmem:v25+s9+$0x0], $0xffff  }
0x378: {  	v6 =	vld.idx.msk [tilespmem:v26+s9+$0x0], $0xffff;
	[tilespmem:s3+$0x60] =	vst v5  }
0x379: {  	v5 =	vld.idx.msk [tilespmem:v27+s9+$0x0], $0xffff  }
0x37a: {  	v20 =	vld.idx.msk [tilespmem:v13+s16+$0x0], $0xffff  }
0x37b: {  	v7 =	vld.idx.msk [tilespmem:v7+s16+$0x0], $0xffff  }
0x37c: {  	v8 =	vld.idx.msk [tilespmem:v8+s16+$0x0], $0xffff  }
0x37d: {  	v9 =	vld.idx.msk [tilespmem:v9+s16+$0x0], $0xffff  }
0x37e: {  	v14 =	vld.idx.msk [tilespmem:v12+s16+$0x0], $0xffff  }
.Ltmp20:
0x37f: {  	v13 =	vld.idx.msk [tilespmem:v15+s16+$0x0], $0xffff;
	(pc) =	sbr.rel @p0 .LBB2_31-.Ltmp20, $4  }
0x380: {  	[tilespmem:s3+$0xFFFFFF80] =	vst v20;
	v12 =	vld.idx.msk [tilespmem:v17+s16+$0x0], $0xffff  }
0x381: {  	[tilespmem:s3+$0xFFFFFF90] =	vst v7;
	v7 =	vld.idx.msk [tilespmem:v16+s16+$0x0], $0xffff  }
0x382: {  	[tilespmem:s3+$0xFFFFFFA0] =	vst v8;
	v8 =	vld.idx.msk [tilespmem:v18+s16+$0x0], $0xffff  }
0x383: {  	s7 =	sadd.s32 $0x2100, s7;
	[tilespmem:s3+$0xFFFFFFB0] =	vst v9;
	v9 =	vld.idx.msk [tilespmem:v19+s16+$0x0], $0xffff  }
0x384: {  	_ =	sdelay $0x2  }
0x385: {  	[tilespmem:s3+$0xFFFFFFC0] =	vst v14  }
0x386: {  	v11 =	vld.idx.msk [tilespmem:v11+s16+$0x0], $0xffff;
	[tilespmem:s3+$0xFFFFFFD0] =	vst v13  }
0x387: {  	v10 =	vld.idx.msk [tilespmem:v10+s16+$0x0], $0xffff;
	[tilespmem:s3+$0xFFFFFFE0] =	vst v12  }
0x388: {  	v6 =	vld.idx.msk [tilespmem:v6+s16+$0x0], $0xffff;
	[tilespmem:s3+$0xFFFFFFF0] =	vst v7  }
0x389: {  	v5 =	vld.idx.msk [tilespmem:v5+s16+$0x0], $0xffff;
	s0 =	sadd.s32 $0x1, s0;
	[tilespmem:s3+$0x0] =	vst v8  }
0x38a: {  	v4 =	vld.idx.msk [tilespmem:v4+s16+$0x0], $0xffff;
	p0 =	sne.s32 s0, $0x21;
	[tilespmem:s3+$0x10] =	vst v9  }
.Ltmp21:
0x38b: {  	[tilespmem:s3+$0x20] =	vst v11;
	(pc) =	sbr.rel @p0 .LBB2_30-.Ltmp21, $4  }
0x38c: {  	[tilespmem:s3+$0x30] =	vst v10  }
0x38d: {  	[tilespmem:s3+$0x40] =	vst v6  }
0x38e: {  	[tilespmem:s3+$0x50] =	vst v5  }
0x38f: {  	s1 =	sadd.s32 $0x1, s1;
	s2 =	sadd.s32 $0x400, s2;
	[tilespmem:s3+$0x70] =	vst v4  }
0x390: {  	s0 =	rddreg [dreg:$0x16];
	s1 =	simm.s32 $0x0;
	s2 =	simm.s32 $0x800  }
0x391: {  	[tilespmem:s16], [sflag:$0x2] =	stream.strided.gather [hbm4b:s0+s10], $0x1000, s14, s10, $0x38;
	[tilespmem:$0x1E700] =	vst v63  }
0x392: {  	s6 =	sadd.s32 $0x0, s22;
	s3 =	simm.s32 $0x14700;
	s0 =	simm.s32 $0x14300  }
.LBB2_34:
0x393: {  	[hbm4b:s6+s10] =	stream.strided.scatter [tilespmem:s0], [sflag:$0x4], $0x400, s14, s10, $0x38;
	[tilespmem:$0x1E700] =	vst v63  }
0x394: {  	s6 =	smov.u32 s2;
	s0 =	smov.u32 s3;
	p0 =	sne.s32 s2, $0x10000  }
.Ltmp22:
0x395: {  	s2 =	sadd.s32 $0x800, s2;
	(pc) =	sbr.rel @p0 .LBB2_34-.Ltmp22, $2  }
0x396: {  	_ =	sdelay $0x2  }
0x397: {  	s3 =	sadd.s32 $0x400, s3;
	s6 =	sadd.s32 s6, s22  }
0x398: {  	[hbm4b:s6+s10] =	stream.strided.scatter [tilespmem:s0], [sflag:$0x4], $0x400, s14, s10, $0x38;
	[tilespmem:$0x1E700] =	vst v63  }
.LBB2_36:
0x399: {  	_ =	swait.ge [sflag:s31], $0x1000  }
0x39a: {  	[sflag:s31] =	ssyncset.done $0x0  }
0x39b: {  	s0 =	simm.s32 $0x3;
	[sflag:s31] =	ssyncadd.s32 $0xFFFFF000  }
0x39c: {  	_ =	swait.ge [sflag:s0], $0x8400  }
0x39d: {  	s2 =	simm.s32 $0x1EF0;
	[sflag:s0] =	ssyncset.done $0x0  }
0x39e: {  	s3 =	simm.s32 $0xBF80;
	[sflag:s0] =	ssyncadd.s32 $0xFFFF7C00;
	s0 =	simm.s32 $0x0  }
.LBB2_37:
0x39f: {  	s6 =	sadd.s32 $0xFFFFFDF0, s2;
	v4 =	vadd.s32 s2, v3  }
0x3a0: {  	s7 =	sadd.s32 $0xFFFFE320, s2;
	v5 =	vadd.s32 s6, v3  }
0x3a1: {  	s17 =	sadd.s32 $0xFFFFE530, s2;
	v6 =	vadd.s32 s7, v3  }
0x3a2: {  	s20 =	sadd.s32 $0xFFFFE740, s2;
	v7 =	vadd.s32 s17, v3  }
0x3a3: {  	s23 =	sadd.s32 $0xFFFFE950, s2;
	v8 =	vadd.s32 s20, v3  }
0x3a4: {  	s24 =	sadd.s32 $0xFFFFE110, s2;
	v9 =	vadd.s32 s23, v3;
	v4 =	vld.idx.msk [tilespmem:v4+s9+$0x0], $0xffff  }
0x3a5: {  	s25 =	sadd.s32 $0xFFFFEB60, s2;
	v10 =	vadd.s32 s24, v3;
	v5 =	vld.idx.msk [tilespmem:v5+s9+$0x0], $0xffff  }
0x3a6: {  	s11 =	sadd.s32 $0xFFFFEF80, s2;
	v11 =	vadd.s32 s25, v3;
	v12 =	vld.idx.msk [tilespmem:v6+s9+$0x0], $0xffff  }
0x3a7: {  	s17 =	sadd.s32 $0xFFFFF190, s2;
	v13 =	vadd.s32 s11, v3;
	v7 =	vld.idx.msk [tilespmem:v7+s9+$0x0], $0xffff  }
0x3a8: {  	s26 =	sadd.s32 $0xFFFFED70, s2;
	v14 =	vadd.s32 s17, v3;
	v8 =	vld.idx.msk [tilespmem:v8+s9+$0x0], $0xffff  }
0x3a9: {  	s20 =	sadd.s32 $0xFFFFF3A0, s2;
	v6 =	vadd.s32 s26, v3;
	v9 =	vld.idx.msk [tilespmem:v9+s9+$0x0], $0xffff  }
0x3aa: {  	s23 =	sadd.s32 $0xFFFFF5B0, s2;
	v15 =	vld.idx.msk [tilespmem:v10+s9+$0x0], $0xffff;
	v10 =	vadd.s32 s20, v3  }
0x3ab: {  	v16 =	vld.idx.msk [tilespmem:v11+s9+$0x0], $0xffff;
	v11 =	vadd.s32 s23, v3  }
0x3ac: {  	v19 =	vld.idx.msk [tilespmem:v13+s9+$0x0], $0xffff  }
0x3ad: {  	v20 =	vld.idx.msk [tilespmem:v14+s9+$0x0], $0xffff  }
0x3ae: {  	v17 =	vld.idx.msk [tilespmem:v6+s9+$0x0], $0xffff  }
0x3af: {  	v21 =	vld.idx.msk [tilespmem:v10+s9+$0x0], $0xffff  }
0x3b0: {  	v11 =	vld.idx.msk [tilespmem:v11+s9+$0x0], $0xffff  }
0x3b1: {  	v18 =	vld.idx.msk [tilespmem:v5+s15+$0x0], $0xffff  }
0x3b2: {  	s24 =	sadd.s32 $0xFFFFF7C0, s2;
	v15 =	vld.idx.msk [tilespmem:v15+s15+$0x0], $0xffff  }
0x3b3: {  	s25 =	sadd.s32 $0xFFFFF9D0, s2;
	v6 =	vadd.s32 s24, v3;
	v22 =	vld.idx.msk [tilespmem:v12+s15+$0x0], $0xffff  }
0x3b4: {  	s26 =	sadd.s32 $0xFFFFFBE0, s2;
	v5 =	vadd.s32 s25, v3;
	v23 =	vld.idx.msk [tilespmem:v7+s15+$0x0], $0xffff  }
0x3b5: {  	v13 =	vadd.s32 s26, v3;
	v24 =	vld.idx.msk [tilespmem:v8+s15+$0x0], $0xffff  }
0x3b6: {  	v14 =	vld.idx.msk [tilespmem:v9+s15+$0x0], $0xffff  }
0x3b7: {  	v7 =	vld.idx.msk [tilespmem:v19+s15+$0x0], $0xffff  }
0x3b8: {  	v10 =	vld.idx.msk [tilespmem:v6+s9+$0x0], $0xffff  }
0x3b9: {  	v6 =	vld.idx.msk [tilespmem:v5+s9+$0x0], $0xffff  }
0x3ba: {  	v5 =	vld.idx.msk [tilespmem:v13+s9+$0x0], $0xffff;
	[tilespmem:s3+$0x60] =	vst v18  }
0x3bb: {  	v13 =	vld.idx.msk [tilespmem:v16+s15+$0x0], $0xffff;
	[tilespmem:s3+$0xFFFFFF80] =	vst v15  }
0x3bc: {  	v12 =	vld.idx.msk [tilespmem:v17+s15+$0x0], $0xffff;
	[tilespmem:s3+$0xFFFFFF90] =	vst v22  }
0x3bd: {  	v8 =	vld.idx.msk [tilespmem:v20+s15+$0x0], $0xffff;
	[tilespmem:s3+$0xFFFFFFA0] =	vst v23  }
0x3be: {  	s7 =	simm.s32 $0x0;
	s11 =	sadd.s32 $0x2100, s2;
	s6 =	smov.u32 s3;
	[tilespmem:s3+$0xFFFFFFB0] =	vst v24;
	v9 =	vld.idx.msk [tilespmem:v21+s15+$0x0], $0xffff  }
.LBB2_38:
0x3bf: {  	s17 =	sadd.s32 $0xFFFFE320, s11;
	s20 =	sadd.s32 $0xFFFFFDF0, s11;
	v15 =	vadd.s32 s11, v3;
	s7 =	sadd.s32 $0x10, s7;
	[tilespmem:s6+$0xFFFFFFC0] =	vst v14;
	v11 =	vld.idx.msk [tilespmem:v11+s15+$0x0], $0xffff  }
0x3c0: {  	s23 =	sadd.s32 $0xFFFFE740, s11;
	v14 =	vadd.s32 s17, v3;
	s17 =	sadd.s32 $0xFFFFE530, s11;
	v16 =	vadd.s32 s20, v3;
	p0 =	slt.u32 s7, $0x30;
	[tilespmem:s6+$0xFFFFFFD0] =	vst v13;
	v10 =	vld.idx.msk [tilespmem:v10+s15+$0x0], $0xffff  }
0x3c1: {  	v17 =	vadd.s32 s23, v3;
	s20 =	sadd.s32 $0xFFFFEB60, s11;
	s23 =	sadd.s32 $0xFFFFED70, s11;
	v13 =	vadd.s32 s17, v3;
	s17 =	sadd.s32 $0xFFFFE950, s11;
	[tilespmem:s6+$0xFFFFFFE0] =	vst v12;
	v6 =	vld.idx.msk [tilespmem:v6+s15+$0x0], $0xffff  }
0x3c2: {  	v18 =	vadd.s32 s20, v3;
	v19 =	vadd.s32 s23, v3;
	s20 =	sadd.s32 $0xFFFFF190, s11;
	s23 =	sadd.s32 $0xFFFFF3A0, s11;
	v12 =	vadd.s32 s17, v3;
	s17 =	sadd.s32 $0xFFFFEF80, s11;
	v5 =	vld.idx.msk [tilespmem:v5+s15+$0x0], $0xffff  }
0x3c3: {  	v21 =	vadd.s32 s20, v3;
	v22 =	vadd.s32 s23, v3;
	s20 =	sadd.s32 $0xFFFFF7C0, s11;
	s23 =	sadd.s32 $0xFFFFF9D0, s11;
	v20 =	vadd.s32 s17, v3;
	s17 =	sadd.s32 $0xFFFFF5B0, s11;
	v23 =	vld.idx.msk [tilespmem:v4+s15+$0x0], $0xffff  }
0x3c4: {  	s24 =	sadd.s32 $0xFFFFE110, s11;
	v25 =	vadd.s32 s20, v3;
	v26 =	vadd.s32 s23, v3;
	v24 =	vadd.s32 s17, v3;
	s17 =	sadd.s32 $0xFFFFFBE0, s11;
	v4 =	vld.idx.msk [tilespmem:v15+s9+$0x0], $0xffff  }
0x3c5: {  	v15 =	vadd.s32 s24, v3;
	v27 =	vadd.s32 s17, v3;
	v16 =	vld.idx.msk [tilespmem:v16+s9+$0x0], $0xffff;
	[tilespmem:s6+$0xFFFFFFF0] =	vst v7  }
0x3c6: {  	v7 =	vld.idx.msk [tilespmem:v14+s9+$0x0], $0xffff;
	[tilespmem:s6+$0x0] =	vst v8  }
0x3c7: {  	v8 =	vld.idx.msk [tilespmem:v13+s9+$0x0], $0xffff;
	[tilespmem:s6+$0x10] =	vst v9  }
0x3c8: {  	v9 =	vld.idx.msk [tilespmem:v17+s9+$0x0], $0xffff;
	[tilespmem:s6+$0x20] =	vst v11  }
0x3c9: {  	v12 =	vld.idx.msk [tilespmem:v12+s9+$0x0], $0xffff;
	[tilespmem:s6+$0x30] =	vst v10  }
0x3ca: {  	v13 =	vld.idx.msk [tilespmem:v15+s9+$0x0], $0xffff;
	[tilespmem:s6+$0x40] =	vst v6  }
0x3cb: {  	v15 =	vld.idx.msk [tilespmem:v18+s9+$0x0], $0xffff;
	[tilespmem:s6+$0x50] =	vst v5  }
0x3cc: {  	v17 =	vld.idx.msk [tilespmem:v19+s9+$0x0], $0xffff;
	[tilespmem:s6+$0x70] =	vst v23  }
0x3cd: {  	v5 =	vld.idx.msk [tilespmem:v16+s15+$0x0], $0xffff  }
0x3ce: {  	v16 =	vld.idx.msk [tilespmem:v20+s9+$0x0], $0xffff  }
0x3cf: {  	v18 =	vld.idx.msk [tilespmem:v21+s9+$0x0], $0xffff  }
0x3d0: {  	v19 =	vld.idx.msk [tilespmem:v22+s9+$0x0], $0xffff  }
0x3d1: {  	v11 =	vld.idx.msk [tilespmem:v24+s9+$0x0], $0xffff  }
0x3d2: {  	s6 =	sadd.s32 $0x100, s6;
	v10 =	vld.idx.msk [tilespmem:v25+s9+$0x0], $0xffff  }
0x3d3: {  	v6 =	vld.idx.msk [tilespmem:v26+s9+$0x0], $0xffff;
	[tilespmem:s6+$0x60] =	vst v5  }
0x3d4: {  	v5 =	vld.idx.msk [tilespmem:v27+s9+$0x0], $0xffff  }
0x3d5: {  	v20 =	vld.idx.msk [tilespmem:v13+s15+$0x0], $0xffff  }
0x3d6: {  	v7 =	vld.idx.msk [tilespmem:v7+s15+$0x0], $0xffff  }
0x3d7: {  	v8 =	vld.idx.msk [tilespmem:v8+s15+$0x0], $0xffff  }
0x3d8: {  	v9 =	vld.idx.msk [tilespmem:v9+s15+$0x0], $0xffff  }
0x3d9: {  	v14 =	vld.idx.msk [tilespmem:v12+s15+$0x0], $0xffff  }
.Ltmp23:
0x3da: {  	v13 =	vld.idx.msk [tilespmem:v15+s15+$0x0], $0xffff;
	(pc) =	sbr.rel @p0 .LBB2_38-.Ltmp23, $4  }
0x3db: {  	[tilespmem:s6+$0xFFFFFF80] =	vst v20;
	v12 =	vld.idx.msk [tilespmem:v17+s15+$0x0], $0xffff  }
0x3dc: {  	[tilespmem:s6+$0xFFFFFF90] =	vst v7;
	v7 =	vld.idx.msk [tilespmem:v16+s15+$0x0], $0xffff  }
0x3dd: {  	[tilespmem:s6+$0xFFFFFFA0] =	vst v8;
	v8 =	vld.idx.msk [tilespmem:v18+s15+$0x0], $0xffff  }
0x3de: {  	s11 =	sadd.s32 $0x2100, s11;
	[tilespmem:s6+$0xFFFFFFB0] =	vst v9;
	v9 =	vld.idx.msk [tilespmem:v19+s15+$0x0], $0xffff  }
0x3df: {  	_ =	sdelay $0x2  }
0x3e0: {  	[tilespmem:s6+$0xFFFFFFC0] =	vst v14  }
0x3e1: {  	v11 =	vld.idx.msk [tilespmem:v11+s15+$0x0], $0xffff;
	[tilespmem:s6+$0xFFFFFFD0] =	vst v13  }
0x3e2: {  	v10 =	vld.idx.msk [tilespmem:v10+s15+$0x0], $0xffff;
	[tilespmem:s6+$0xFFFFFFE0] =	vst v12  }
0x3e3: {  	v6 =	vld.idx.msk [tilespmem:v6+s15+$0x0], $0xffff;
	[tilespmem:s6+$0xFFFFFFF0] =	vst v7  }
0x3e4: {  	v5 =	vld.idx.msk [tilespmem:v5+s15+$0x0], $0xffff;
	s0 =	sadd.s32 $0x1, s0;
	[tilespmem:s6+$0x0] =	vst v8  }
0x3e5: {  	v4 =	vld.idx.msk [tilespmem:v4+s15+$0x0], $0xffff;
	p0 =	sne.s32 s0, $0x21;
	[tilespmem:s6+$0x10] =	vst v9  }
.Ltmp24:
0x3e6: {  	[tilespmem:s6+$0x20] =	vst v11;
	(pc) =	sbr.rel @p0 .LBB2_37-.Ltmp24, $4  }
0x3e7: {  	[tilespmem:s6+$0x30] =	vst v10  }
0x3e8: {  	[tilespmem:s6+$0x40] =	vst v6  }
0x3e9: {  	[tilespmem:s6+$0x50] =	vst v5  }
0x3ea: {  	s2 =	sadd.s32 $0x1, s2;
	s3 =	sadd.s32 $0x400, s3;
	[tilespmem:s6+$0x70] =	vst v4  }
0x3eb: {  	s0 =	sshll.u32 s1, $0x1  }
0x3ec: {  	s2 =	smin.u32 s0, $0x3B  }
0x3ed: {  	s2 =	sadd.s32 $0x4, s2  }
0x3ee: {  	s3 =	sadd.s32 s19, s2  }
0x3ef: {  	s3 =	sshll.u32 s3, $0xC  }
0x3f0: {  	s2 =	sshll.u32 s2, $0x7;
	s3 =	sand.u32 $0xF8000, s3  }
0x3f1: {  	s2 =	sand.u32 $0x380, s2;
	s3 =	sadd.s32 s18, s3  }
0x3f2: {  	s26 =	rddreg [dreg:$0x17];
	s2 =	sor.u32 s2, s3  }
0x3f3: {  	s3 =	sadd.s32 s0, s26;
	s2 =	sshrl.u32 s2, $0x3  }
0x3f4: {  	s6 =	sadd.s32 s28, s2;
	s2 =	smul.u32 $0x84000, s3  }
0x3f5: {  	[tilespmem:s15], [sflag:$0x1] =	stream.strided.gather [hbm4b:s6+s10], $0x1000, s14, s10, $0x38;
	[tilespmem:$0x1E700] =	vst v63  }
0x3f6: {  	s3 =	sadd.s32 s2, s30  }
0x3f7: {  	s3 =	sshrl.u32 s3, $0x3  }
0x3f8: {  	s7 =	simm.s32 $0x800;
	s3 =	sadd.s32 s29, s3  }
0x3f9: {  	s11 =	simm.s32 $0xC300;
	s6 =	simm.s32 $0xBF00;
	s17 =	sadd.s32 $0x0, s3  }
.LBB2_41:
0x3fa: {  	[hbm4b:s17+s10] =	stream.strided.scatter [tilespmem:s6], [sflag:$0x3], $0x400, s14, s10, $0x38;
	[tilespmem:$0x1E700] =	vst v63  }
0x3fb: {  	s17 =	smov.u32 s7;
	s6 =	smov.u32 s11;
	p0 =	sne.s32 s7, $0x10000  }
.Ltmp25:
0x3fc: {  	s7 =	sadd.s32 $0x800, s7;
	(pc) =	sbr.rel @p0 .LBB2_41-.Ltmp25, $2  }
0x3fd: {  	_ =	sdelay $0x2  }
0x3fe: {  	s11 =	sadd.s32 $0x400, s11;
	s17 =	sadd.s32 s17, s3  }
0x3ff: {  	[hbm4b:s17+s10] =	stream.strided.scatter [tilespmem:s6], [sflag:$0x3], $0x400, s14, s10, $0x38;
	[tilespmem:$0x1E700] =	vst v63  }
0x400: {  	s3 =	simm.s32 $0x2  }
0x401: {  	_ =	swait.ge [sflag:s3], $0x1000  }
0x402: {  	[sflag:s3] =	ssyncset.done $0x0  }
0x403: {  	s26 =	simm.s32 $0x4;
	[sflag:s3] =	ssyncadd.s32 $0xFFFFF000  }
0x404: {  	_ =	swait.ge [sflag:s26], $0x8400  }
0x405: {  	s6 =	simm.s32 $0x1EF0;
	[sflag:s26] =	ssyncset.done $0x0  }
0x406: {  	s7 =	simm.s32 $0x14380;
	s3 =	simm.s32 $0x0;
	[sflag:s26] =	ssyncadd.s32 $0xFFFF7C00  }
.LBB2_43:
0x407: {  	s11 =	sadd.s32 $0xFFFFFDF0, s6;
	v4 =	vadd.s32 s6, v3  }
0x408: {  	s17 =	sadd.s32 $0xFFFFE320, s6;
	v5 =	vadd.s32 s11, v3  }
0x409: {  	s25 =	sadd.s32 $0xFFFFE530, s6;
	v6 =	vadd.s32 s17, v3  }
0x40a: {  	s26 =	sadd.s32 $0xFFFFE740, s6;
	v7 =	vadd.s32 s25, v3  }
0x40b: {  	s20 =	sadd.s32 $0xFFFFE110, s6;
	v8 =	vadd.s32 s26, v3  }
0x40c: {  	s23 =	sadd.s32 $0xFFFFEB60, s6;
	v10 =	vadd.s32 s20, v3;
	v4 =	vld.idx.msk [tilespmem:v4+s9+$0x0], $0xffff  }
0x40d: {  	s17 =	sadd.s32 $0xFFFFE950, s6;
	v11 =	vadd.s32 s23, v3;
	v5 =	vld.idx.msk [tilespmem:v5+s9+$0x0], $0xffff  }
0x40e: {  	s25 =	sadd.s32 $0xFFFFEF80, s6;
	v9 =	vadd.s32 s17, v3;
	v12 =	vld.idx.msk [tilespmem:v6+s9+$0x0], $0xffff  }
0x40f: {  	s26 =	sadd.s32 $0xFFFFF190, s6;
	v13 =	vadd.s32 s25, v3;
	v7 =	vld.idx.msk [tilespmem:v7+s9+$0x0], $0xffff  }
0x410: {  	s24 =	sadd.s32 $0xFFFFED70, s6;
	v14 =	vadd.s32 s26, v3;
	v8 =	vld.idx.msk [tilespmem:v8+s9+$0x0], $0xffff  }
0x411: {  	s20 =	sadd.s32 $0xFFFFF3A0, s6;
	v6 =	vadd.s32 s24, v3;
	v15 =	vld.idx.msk [tilespmem:v10+s9+$0x0], $0xffff  }
0x412: {  	s23 =	sadd.s32 $0xFFFFF5B0, s6;
	v10 =	vadd.s32 s20, v3;
	v16 =	vld.idx.msk [tilespmem:v11+s9+$0x0], $0xffff  }
0x413: {  	v11 =	vadd.s32 s23, v3;
	v9 =	vld.idx.msk [tilespmem:v9+s9+$0x0], $0xffff  }
0x414: {  	v19 =	vld.idx.msk [tilespmem:v13+s9+$0x0], $0xffff  }
0x415: {  	v20 =	vld.idx.msk [tilespmem:v14+s9+$0x0], $0xffff  }
0x416: {  	v17 =	vld.idx.msk [tilespmem:v6+s9+$0x0], $0xffff  }
0x417: {  	v21 =	vld.idx.msk [tilespmem:v10+s9+$0x0], $0xffff  }
0x418: {  	v11 =	vld.idx.msk [tilespmem:v11+s9+$0x0], $0xffff  }
0x419: {  	v18 =	vld.idx.msk [tilespmem:v5+s16+$0x0], $0xffff  }
0x41a: {  	s24 =	sadd.s32 $0xFFFFF7C0, s6;
	v15 =	vld.idx.msk [tilespmem:v15+s16+$0x0], $0xffff  }
0x41b: {  	s25 =	sadd.s32 $0xFFFFF9D0, s6;
	v6 =	vadd.s32 s24, v3;
	v22 =	vld.idx.msk [tilespmem:v12+s16+$0x0], $0xffff  }
0x41c: {  	s26 =	sadd.s32 $0xFFFFFBE0, s6;
	v5 =	vadd.s32 s25, v3;
	v23 =	vld.idx.msk [tilespmem:v7+s16+$0x0], $0xffff  }
0x41d: {  	v13 =	vadd.s32 s26, v3;
	v24 =	vld.idx.msk [tilespmem:v8+s16+$0x0], $0xffff  }
0x41e: {  	v14 =	vld.idx.msk [tilespmem:v9+s16+$0x0], $0xffff  }
0x41f: {  	v7 =	vld.idx.msk [tilespmem:v19+s16+$0x0], $0xffff  }
0x420: {  	v10 =	vld.idx.msk [tilespmem:v6+s9+$0x0], $0xffff  }
0x421: {  	v6 =	vld.idx.msk [tilespmem:v5+s9+$0x0], $0xffff  }
0x422: {  	v5 =	vld.idx.msk [tilespmem:v13+s9+$0x0], $0xffff;
	[tilespmem:s7+$0x60] =	vst v18  }
0x423: {  	v13 =	vld.idx.msk [tilespmem:v16+s16+$0x0], $0xffff;
	[tilespmem:s7+$0xFFFFFF80] =	vst v15  }
0x424: {  	v12 =	vld.idx.msk [tilespmem:v17+s16+$0x0], $0xffff;
	[tilespmem:s7+$0xFFFFFF90] =	vst v22  }
0x425: {  	v8 =	vld.idx.msk [tilespmem:v20+s16+$0x0], $0xffff;
	[tilespmem:s7+$0xFFFFFFA0] =	vst v23  }
0x426: {  	s11 =	smov.u32 s7;
	s20 =	simm.s32 $0x0;
	s23 =	sadd.s32 $0x2100, s6;
	[tilespmem:s7+$0xFFFFFFB0] =	vst v24;
	v9 =	vld.idx.msk [tilespmem:v21+s16+$0x0], $0xffff  }
.LBB2_44:
0x427: {  	s17 =	sadd.s32 $0xFFFFE320, s23;
	s24 =	sadd.s32 $0xFFFFFDF0, s23;
	v15 =	vadd.s32 s23, v3;
	s20 =	sadd.s32 $0x10, s20;
	[tilespmem:s11+$0xFFFFFFC0] =	vst v14;
	v11 =	vld.idx.msk [tilespmem:v11+s16+$0x0], $0xffff  }
0x428: {  	s25 =	sadd.s32 $0xFFFFE740, s23;
	v14 =	vadd.s32 s17, v3;
	s17 =	sadd.s32 $0xFFFFE530, s23;
	v16 =	vadd.s32 s24, v3;
	p0 =	slt.u32 s20, $0x30;
	[tilespmem:s11+$0xFFFFFFD0] =	vst v13;
	v10 =	vld.idx.msk [tilespmem:v10+s16+$0x0], $0xffff  }
0x429: {  	v17 =	vadd.s32 s25, v3;
	s24 =	sadd.s32 $0xFFFFEB60, s23;
	s25 =	sadd.s32 $0xFFFFED70, s23;
	v13 =	vadd.s32 s17, v3;
	s17 =	sadd.s32 $0xFFFFE950, s23;
	[tilespmem:s11+$0xFFFFFFE0] =	vst v12;
	v6 =	vld.idx.msk [tilespmem:v6+s16+$0x0], $0xffff  }
0x42a: {  	v18 =	vadd.s32 s24, v3;
	v19 =	vadd.s32 s25, v3;
	s24 =	sadd.s32 $0xFFFFF190, s23;
	s25 =	sadd.s32 $0xFFFFF3A0, s23;
	v12 =	vadd.s32 s17, v3;
	s17 =	sadd.s32 $0xFFFFEF80, s23;
	v5 =	vld.idx.msk [tilespmem:v5+s16+$0x0], $0xffff  }
0x42b: {  	v21 =	vadd.s32 s24, v3;
	v22 =	vadd.s32 s25, v3;
	s24 =	sadd.s32 $0xFFFFF7C0, s23;
	s25 =	sadd.s32 $0xFFFFF9D0, s23;
	v20 =	vadd.s32 s17, v3;
	s17 =	sadd.s32 $0xFFFFF5B0, s23;
	v23 =	vld.idx.msk [tilespmem:v4+s16+$0x0], $0xffff  }
0x42c: {  	s26 =	sadd.s32 $0xFFFFE110, s23;
	v25 =	vadd.s32 s24, v3;
	v26 =	vadd.s32 s25, v3;
	v24 =	vadd.s32 s17, v3;
	s17 =	sadd.s32 $0xFFFFFBE0, s23;
	v4 =	vld.idx.msk [tilespmem:v15+s9+$0x0], $0xffff  }
0x42d: {  	v15 =	vadd.s32 s26, v3;
	v27 =	vadd.s32 s17, v3;
	v16 =	vld.idx.msk [tilespmem:v16+s9+$0x0], $0xffff;
	[tilespmem:s11+$0xFFFFFFF0] =	vst v7  }
0x42e: {  	v7 =	vld.idx.msk [tilespmem:v14+s9+$0x0], $0xffff;
	[tilespmem:s11+$0x0] =	vst v8  }
0x42f: {  	v8 =	vld.idx.msk [tilespmem:v13+s9+$0x0], $0xffff;
	[tilespmem:s11+$0x10] =	vst v9  }
0x430: {  	v9 =	vld.idx.msk [tilespmem:v17+s9+$0x0], $0xffff;
	[tilespmem:s11+$0x20] =	vst v11  }
0x431: {  	v12 =	vld.idx.msk [tilespmem:v12+s9+$0x0], $0xffff;
	[tilespmem:s11+$0x30] =	vst v10  }
0x432: {  	v13 =	vld.idx.msk [tilespmem:v15+s9+$0x0], $0xffff;
	[tilespmem:s11+$0x40] =	vst v6  }
0x433: {  	v15 =	vld.idx.msk [tilespmem:v18+s9+$0x0], $0xffff;
	[tilespmem:s11+$0x50] =	vst v5  }
0x434: {  	v17 =	vld.idx.msk [tilespmem:v19+s9+$0x0], $0xffff;
	[tilespmem:s11+$0x70] =	vst v23  }
0x435: {  	v5 =	vld.idx.msk [tilespmem:v16+s16+$0x0], $0xffff  }
0x436: {  	v16 =	vld.idx.msk [tilespmem:v20+s9+$0x0], $0xffff  }
0x437: {  	v18 =	vld.idx.msk [tilespmem:v21+s9+$0x0], $0xffff  }
0x438: {  	v19 =	vld.idx.msk [tilespmem:v22+s9+$0x0], $0xffff  }
0x439: {  	v11 =	vld.idx.msk [tilespmem:v24+s9+$0x0], $0xffff  }
0x43a: {  	s11 =	sadd.s32 $0x100, s11;
	v10 =	vld.idx.msk [tilespmem:v25+s9+$0x0], $0xffff  }
0x43b: {  	v6 =	vld.idx.msk [tilespmem:v26+s9+$0x0], $0xffff;
	[tilespmem:s11+$0x60] =	vst v5  }
0x43c: {  	v5 =	vld.idx.msk [tilespmem:v27+s9+$0x0], $0xffff  }
0x43d: {  	v20 =	vld.idx.msk [tilespmem:v13+s16+$0x0], $0xffff  }
0x43e: {  	v7 =	vld.idx.msk [tilespmem:v7+s16+$0x0], $0xffff  }
0x43f: {  	v8 =	vld.idx.msk [tilespmem:v8+s16+$0x0], $0xffff  }
0x440: {  	v9 =	vld.idx.msk [tilespmem:v9+s16+$0x0], $0xffff  }
0x441: {  	v14 =	vld.idx.msk [tilespmem:v12+s16+$0x0], $0xffff  }
.Ltmp26:
0x442: {  	v13 =	vld.idx.msk [tilespmem:v15+s16+$0x0], $0xffff;
	(pc) =	sbr.rel @p0 .LBB2_44-.Ltmp26, $4  }
0x443: {  	[tilespmem:s11+$0xFFFFFF80] =	vst v20;
	v12 =	vld.idx.msk [tilespmem:v17+s16+$0x0], $0xffff  }
0x444: {  	[tilespmem:s11+$0xFFFFFF90] =	vst v7;
	v7 =	vld.idx.msk [tilespmem:v16+s16+$0x0], $0xffff  }
0x445: {  	[tilespmem:s11+$0xFFFFFFA0] =	vst v8;
	v8 =	vld.idx.msk [tilespmem:v18+s16+$0x0], $0xffff  }
0x446: {  	s23 =	sadd.s32 $0x2100, s23;
	[tilespmem:s11+$0xFFFFFFB0] =	vst v9;
	v9 =	vld.idx.msk [tilespmem:v19+s16+$0x0], $0xffff  }
0x447: {  	_ =	sdelay $0x2  }
0x448: {  	[tilespmem:s11+$0xFFFFFFC0] =	vst v14  }
0x449: {  	v11 =	vld.idx.msk [tilespmem:v11+s16+$0x0], $0xffff;
	[tilespmem:s11+$0xFFFFFFD0] =	vst v13  }
0x44a: {  	v10 =	vld.idx.msk [tilespmem:v10+s16+$0x0], $0xffff;
	[tilespmem:s11+$0xFFFFFFE0] =	vst v12  }
0x44b: {  	v6 =	vld.idx.msk [tilespmem:v6+s16+$0x0], $0xffff;
	[tilespmem:s11+$0xFFFFFFF0] =	vst v7  }
0x44c: {  	v5 =	vld.idx.msk [tilespmem:v5+s16+$0x0], $0xffff;
	s3 =	sadd.s32 $0x1, s3;
	[tilespmem:s11+$0x0] =	vst v8  }
0x44d: {  	v4 =	vld.idx.msk [tilespmem:v4+s16+$0x0], $0xffff;
	p0 =	sne.s32 s3, $0x21;
	[tilespmem:s11+$0x10] =	vst v9  }
.Ltmp27:
0x44e: {  	[tilespmem:s11+$0x20] =	vst v11;
	(pc) =	sbr.rel @p0 .LBB2_43-.Ltmp27, $4  }
0x44f: {  	[tilespmem:s11+$0x30] =	vst v10  }
0x450: {  	[tilespmem:s11+$0x40] =	vst v6  }
0x451: {  	[tilespmem:s11+$0x50] =	vst v5  }
0x452: {  	s6 =	sadd.s32 $0x1, s6;
	s7 =	sadd.s32 $0x400, s7;
	[tilespmem:s11+$0x70] =	vst v4  }
0x453: {  	s0 =	smin.u32 s0, $0x3A  }
0x454: {  	s0 =	sadd.s32 $0x5, s0  }
0x455: {  	s3 =	sadd.s32 s19, s0  }
0x456: {  	s3 =	sshll.u32 s3, $0xC  }
0x457: {  	s0 =	sshll.u32 s0, $0x7;
	s3 =	sand.u32 $0xF8000, s3  }
0x458: {  	s0 =	sand.u32 $0x380, s0;
	s3 =	sadd.s32 s18, s3  }
0x459: {  	s0 =	sor.u32 s0, s3  }
0x45a: {  	s0 =	sshrl.u32 s0, $0x3  }
0x45b: {  	s26 =	rddreg [dreg:$0x10];
	s0 =	sadd.s32 s28, s0  }
0x45c: {  	[tilespmem:s16], [sflag:$0x2] =	stream.strided.gather [hbm4b:s0+s10], $0x1000, s14, s10, $0x38;
	[tilespmem:$0x1E700] =	vst v63  }
0x45d: {  	s0 =	sadd.s32 s2, s26  }
0x45e: {  	s0 =	sshrl.u32 s0, $0x3  }
0x45f: {  	s6 =	simm.s32 $0x14700;
	s0 =	sadd.s32 s29, s0  }
0x460: {  	s3 =	simm.s32 $0x800;
	s2 =	simm.s32 $0x14300;
	s7 =	sadd.s32 $0x0, s0  }
.LBB2_47:
0x461: {  	[hbm4b:s7+s10] =	stream.strided.scatter [tilespmem:s2], [sflag:$0x4], $0x400, s14, s10, $0x38;
	[tilespmem:$0x1E700] =	vst v63  }
0x462: {  	s7 =	smov.u32 s3;
	s2 =	smov.u32 s6;
	p0 =	sne.s32 s3, $0x10000  }
.Ltmp28:
0x463: {  	s3 =	sadd.s32 $0x800, s3;
	(pc) =	sbr.rel @p0 .LBB2_47-.Ltmp28, $2  }
0x464: {  	_ =	sdelay $0x2  }
0x465: {  	s6 =	sadd.s32 $0x400, s6;
	s7 =	sadd.s32 s7, s0  }
0x466: {  	s1 =	sadd.s32 $0x1, s1  }
0x467: {  	p0 =	sne.s32 s1, $0x1F  }
.Ltmp29:
0x468: {  	_ = 	snop;
	(pc) =	sbr.rel @p0 .LBB2_36-.Ltmp29, $2  }
0x469: {  	_ =	sdelay $0x2  }
0x46a: {  	[hbm4b:s7+s10] =	stream.strided.scatter [tilespmem:s2], [sflag:$0x4], $0x400, s14, s10, $0x38;
	[tilespmem:$0x1E700] =	vst v63  }
0x46b: {  	_ =	swait.ge [sflag:s31], $0x1000  }
0x46c: {  	[sflag:s31] =	ssyncset.done $0x0  }
0x46d: {  	s0 =	simm.s32 $0x2;
	[sflag:s31] =	ssyncadd.s32 $0xFFFFF000  }
0x46e: {  	_ =	swait.ge [sflag:s0], $0x1000  }
0x46f: {  	[sflag:s0] =	ssyncset.done $0x0  }
0x470: {  	s30 =	simm.s32 $0x3;
	[sflag:s0] =	ssyncadd.s32 $0xFFFFF000  }
0x471: {  	_ =	swait.ge [sflag:s30], $0x8400  }
0x472: {  	[sflag:s30] =	ssyncset.done $0x0  }
0x473: {  	s1 =	simm.s32 $0x4;
	[sflag:s30] =	ssyncadd.s32 $0xFFFF7C00  }
0x474: {  	_ =	swait.ge [sflag:s1], $0x8400  }
0x475: {  	s2 =	rddreg [dreg:$0x19]  }
0x476: {  	s31 =	rddreg [dreg:$0x11];
	s2 =	sadd.s32 $0x1, s2  }
0x477: {  	p0 =	sne.s32 s2, s31  }
.Ltmp30:
0x478: {  	_ = 	snop;
	(pc) =	sbr.rel @p0 .LBB2_1-.Ltmp30, $3  }
0x479: {  	_ =	sdelay $0x1  }
0x47a: {  	[sflag:s1] =	ssyncset.done $0x0  }
0x47b: {  	s23 =	rddreg [dreg:$0x9];
	[sflag:s1] =	ssyncadd.s32 $0xFFFF7C00  }
0x47c: {  	_ =	sfence.sel $0x180000  }
0x47d: {  	[bflag:$0x0] =	sbarrier.arrive $0xFFFF  }
0x47e: {  	_ =	strace $0x90000047  }
0x47f: {  	s0 =	stileid.u32;
	[bflag:$0x2] =	sbarrier.arrive $0xFFFF  }
0x480: {  	p0 =	sne.s32 s0, $0x0;
	s0 =	rddreg [dreg:$0x3]  }
0x481: {  	s0 =	sadd.s32 @!p0 $0x100000, s0  }
0x482: {  	[sflag:s0] =	ssyncadd.tile.s32 @!p0 $0x1;
	_ =	shalt  }
.Lfunc_end2:
_tile_overlayer_lowered:
.L_overlay_start_2:
0x483: {  	(tag) =	ssettag $0x2  }
0x484: {  	s0 =	rddreg [dreg:$0x0];
	s2 =	stileid.u32  }
0x485: {  	s1 =	rddreg [dreg:$0x1];
	p0 =	sne.s32 s2, $0x0  }
0x486: {  	s3 =	rddreg [dreg:$0x2];
	[bflag:$0x3] =	sbarrier.arrive $0xFFFF;
	s2 =	simm.s32 @!p0 $0x1C05  }
0x487: {  	[timem:s3], [sflag:s2] =	dma.local @!p0 [hbm:s0], s1  }
0x488: {  	s0 =	simm.s32 @!p0 $0x5  }
0x489: {  	_ =	swait.ge @!p0 [sflag:s0], s1  }
0x48a: {  	s1 =	ssub.s32 @!p0 $0x0, s1;
	[sflag:s0] =	ssyncset.done @!p0 $0x0  }
0x48b: {  	[sflag:s0] =	ssyncadd.s32 @!p0 s1  }
0x48c: {  	[bflag:$0x3] =	sbarrier.arrive $0xFFFF  }
0x48d: {  	_ =	shalt  }

</sc_bundles>
